<compile_context>
chip_gen: v7x
topology: tpu7x:2x2x1
jax: 0.10.2.dev20260603
libtpu: 0.0.44.dev20260713+nightly
codegen_flags: <defaults>
</compile_context>

<pallas_src>
import functools

import jax
import jax.numpy as jnp
from jax import lax
from jax.experimental import pallas as pl
from jax.experimental.pallas import tpu as pltpu
from jax.experimental.pallas import tpu_sc as plsc

_B, _P, _K = 32, 512, 20
_L = 16


def _tc_front_kernel(shift_ref, pos_ref, W1a_ref, b1a_ref, W1b_ref, b1b_ref,
                     W2_ref, b2_ref, Wh_ref, bh_ref,
                     idx_ref, y_ref, z_ref):
    f32 = jnp.float32
    x = pos_ref[0] + shift_ref[0, 0]
    iota_q = jax.lax.broadcasted_iota(jnp.int32, (_P, _P), 1)

    def dot(a, b):
        return jax.lax.dot_general(a, b, (((1,), (0,)), ((), ())),
                                   preferred_element_type=f32)

    def pairwise_d2(feat):
        sq = jnp.sum(feat * feat, axis=1, keepdims=True)
        g = jax.lax.dot_general(feat, feat, (((1,), (1,)), ((), ())),
                                preferred_element_type=f32)
        return sq + sq.reshape(1, _P) - 2.0 * g

    def argmin_step(d2c):
        m = jnp.min(d2c, axis=1, keepdims=True)
        am = jnp.min(jnp.where(d2c == m, iota_q, _P), axis=1, keepdims=True)
        onehot_b = iota_q == am
        d2c = jnp.where(onehot_b, jnp.inf, d2c)
        return d2c, am, onehot_b.astype(f32)

    W1a_top = W1a_ref[0:3, :]
    W1a_bot = W1a_ref[3:6, :]
    c1 = dot(x, W1a_top - W1a_bot) + b1a_ref[0]

    d2c = pairwise_d2(x)
    f1 = jnp.full((_P, 64), -jnp.inf, dtype=f32)
    for _ in range(_K):
        d2c, _, onehot = argmin_step(d2c)
        xj = dot(onehot, x)
        f1 = jnp.maximum(f1, dot(jax.nn.relu(c1 + dot(xj, W1a_bot)),
                                 W1b_ref[...]))
    f1 = f1 + b1b_ref[0]

    d2c = pairwise_d2(f1)
    for t in range(_K):
        d2c, am, _ = argmin_step(d2c)
        idx_ref[0, :, t:t + 1] = am

    W2_top = W2_ref[0:64, :]
    W2_bot = W2_ref[64:128, :]
    c2 = dot(f1, W2_top - W2_bot) + b2_ref[0]
    y_ref[0] = dot(f1, W2_bot)
    z_ref[0] = (dot(f1, Wh_ref[0:64, :]) + dot(c2, Wh_ref[64:192, :])
                + bh_ref[0])


def _sc_gather_max(y_hbm, idx_hbm, out_hbm, y_v, idx_v, tbuf, sems):
    wid = lax.axis_index("s") * 2 + lax.axis_index("c")
    pltpu.sync_copy(y_hbm.at[wid], y_v)
    pltpu.sync_copy(idx_hbm.at[wid], idx_v)
    lanes = lax.iota(jnp.int32, _L)

    def point_chunk(pc, _):
        base = pc * _L
        pt20 = (base + lanes) * _K
        addr = [plsc.load_gather(idx_v, [pt20 + t]) * 128
                for t in range(_K)]
        buf = jax.lax.rem(pc, 2)

        @pl.when(pc >= 2)
        def _():
            pltpu.make_async_copy(
                tbuf.at[pl.ds(buf * 2048, 2048)],
                out_hbm.at[wid].at[pl.ds(base * 128, 128 * _L)],
                sems.at[buf]).wait()

        @plsc.parallel_loop(0, 128, 1, unroll=4)
        def chan(c):
            cs = jnp.full((_L,), c, jnp.int32)
            vals = [plsc.load_gather(y_v, [addr[t] + cs]) for t in range(_K)]
            while len(vals) > 1:
                nxt = [jnp.maximum(vals[i], vals[i + 1])
                       for i in range(0, len(vals) - 1, 2)]
                if len(vals) % 2:
                    nxt.append(vals[-1])
                vals = nxt
            tbuf[pl.ds(buf * 2048 + c * _L, _L)] = vals[0]

        pltpu.make_async_copy(
            tbuf.at[pl.ds(buf * 2048, 2048)],
            out_hbm.at[wid].at[pl.ds(base * 128, 128 * _L)],
            sems.at[buf]).start()
        return 0

    nchunk = _P // _L
    lax.fori_loop(0, nchunk, point_chunk, 0)
    for b in range(2):
        pltpu.make_async_copy(
            tbuf.at[pl.ds(b * 2048, 2048)],
            out_hbm.at[wid].at[pl.ds((nchunk - 2 + b) * 128 * _L, 128 * _L)],
            sems.at[b]).wait()


def _tc_tail_kernel(z_ref, t_ref, Wh_ref, out_ref):
    s = jax.lax.dot_general(t_ref[0], Wh_ref[64:192, :],
                            (((0,), (0,)), ((), ())),
                            preferred_element_type=jnp.float32)
    out_ref[0] = jnp.max(z_ref[0] + s, axis=0, keepdims=True)


def kernel(pos, batch, W1a, b1a, W1b, b1b, W2, b2, Wh, bh):
    nb = _B
    pp = pos.shape[0] // nb
    shift = (batch[-1].astype(jnp.int32) + 1 - nb).astype(pos.dtype)
    posb = pos.reshape(nb, pp, 3)
    shift2d = shift.reshape(1, 1)

    full = lambda shape: pl.BlockSpec(shape, lambda g: (0,) * len(shape))
    idx2, y, z = pl.pallas_call(
        _tc_front_kernel,
        grid=(nb,),
        in_specs=[
            full((1, 1)),
            pl.BlockSpec((1, pp, 3), lambda g: (g, 0, 0)),
            full((6, 64)), full((1, 64)),
            full((64, 64)), full((1, 64)),
            full((128, 128)), full((1, 128)),
            full((192, 128)), full((1, 128)),
        ],
        out_specs=[
            pl.BlockSpec((1, pp, _K), lambda g: (g, 0, 0)),
            pl.BlockSpec((1, pp, 128), lambda g: (g, 0, 0)),
            pl.BlockSpec((1, pp, 128), lambda g: (g, 0, 0)),
        ],
        out_shape=[
            jax.ShapeDtypeStruct((nb, pp, _K), jnp.int32),
            jax.ShapeDtypeStruct((nb, pp, 128), jnp.float32),
            jax.ShapeDtypeStruct((nb, pp, 128), jnp.float32),
        ],
        compiler_params=pltpu.CompilerParams(
            dimension_semantics=("parallel",)),
    )(shift2d, posb, W1a, b1a.reshape(1, 64), W1b, b1b.reshape(1, 64),
      W2, b2.reshape(1, 128), Wh, bh.reshape(1, 128))

    mesh = plsc.VectorSubcoreMesh(core_axis_name="c", subcore_axis_name="s")
    t_flat = pl.kernel(
        _sc_gather_max,
        mesh=mesh,
        out_type=jax.ShapeDtypeStruct((nb, pp * 128), jnp.float32),
        scratch_types=[
            pltpu.VMEM((pp * 128,), jnp.float32),
            pltpu.VMEM((pp * _K,), jnp.int32),
            pltpu.VMEM((2 * 128 * _L,), jnp.float32),
            pltpu.SemaphoreType.DMA((2,)),
        ],
        compiler_params=pltpu.CompilerParams(needs_layout_passes=False),
    )(y.reshape(nb, pp * 128), idx2.reshape(nb, pp * _K))
    t_cm = t_flat.reshape(nb, pp // _L, 128, _L).transpose(0, 2, 1, 3)
    t_cm = t_cm.reshape(nb, 128, pp)

    out = pl.pallas_call(
        _tc_tail_kernel,
        grid=(nb,),
        in_specs=[
            pl.BlockSpec((1, pp, 128), lambda g: (g, 0, 0)),
            pl.BlockSpec((1, 128, pp), lambda g: (g, 0, 0)),
            full((192, 128)),
        ],
        out_specs=pl.BlockSpec((1, 1, 128), lambda g: (g, 0, 0)),
        out_shape=jax.ShapeDtypeStruct((nb, 1, 128), jnp.float32),
        compiler_params=pltpu.CompilerParams(
            dimension_semantics=("parallel",)),
    )(z, t_cm, Wh)
    return out.reshape(nb, 128)

# --- scband reference (transcript-rebuilt; emitter-appended) ---
"""Pipeline reference for scband-model-20401094656478 (READ-ONLY COPY).

The authoritative reference and input builder live on the scoring server;
editing this copy changes nothing except your own understanding.
"""

import jax, jax.numpy as jnp
import numpy as np

B, P, K = 32, 512, 20


def setup_inputs(seed: int = 0) -> dict:
    key = jax.random.key(seed)
    ks = jax.random.split(key, 12)
    pos = jax.random.normal(ks[0], (B * P, 3), dtype=jnp.float32)
    batch = jnp.repeat(jnp.arange(B, dtype=jnp.int32), P)
    def lin(k, fan_in, fan_out):
        s = 1.0 / np.sqrt(fan_in)
        return jax.random.uniform(k, (fan_in, fan_out), jnp.float32, -s, s)
    inp = {
        'pos': pos,
        'batch': batch,
        # conv1 nn = MLP([2*3, 64, 64]) -> Linear(6,64)+ReLU, Linear(64,64) plain_last
        'W1a': lin(ks[1], 6, 64),  'b1a': jnp.zeros((64,), jnp.float32),
        'W1b': lin(ks[2], 64, 64), 'b1b': jnp.zeros((64,), jnp.float32),
        # conv2 nn = MLP([2*64, 128]) -> single plain Linear(128,128)
        'W2': lin(ks[3], 128, 128), 'b2': jnp.zeros((128,), jnp.float32),
        # lm_head = Linear(128+64, 128)
        'Wh': lin(ks[4], 192, 128), 'bh': jnp.zeros((128,), jnp.float32),
    }
    return inp


def _knn_idx(xb, k):
    # xb: [B, P, d]; returns [B, P, k] indices of k nearest neighbors (self included, dist 0)
    sq = jnp.sum(xb * xb, axis=-1)
    d2 = sq[:, :, None] + sq[:, None, :] - 2.0 * jnp.einsum('bpd,bqd->bpq', xb, xb)
    _, idx = jax.lax.top_k(-d2, k)
    return idx


def _edge_conv(xb, idx, mlp):
    # DynamicEdgeConv message: mlp(cat[x_i, x_j - x_i]); aggr = max over neighbors
    xj = jax.vmap(lambda xg, ig: xg[ig])(xb, idx)            # [B, P, k, d]
    xi = jnp.broadcast_to(xb[:, :, None, :], xj.shape)
    msg = mlp(jnp.concatenate([xi, xj - xi], axis=-1))
    return jnp.max(msg, axis=2)                               # [B, P, out_d]


def reference(pos, batch, W1a, b1a, W1b, b1b, W2, b2, Wh, bh):
    # eval branch (train=False): f1=conv1(pos,batch); f2=conv2(f1,batch);
    # h=lm_head(cat[f1,f2]); return global_max_pool(h, batch)
    nb = B
    pp = pos.shape[0] // nb
    pos = pos + (batch[-1].astype(jnp.int32) + 1 - nb).astype(pos.dtype)
    posb = pos.reshape(nb, pp, 3)
    mlp1 = lambda h: jax.nn.relu(h @ W1a + b1a) @ W1b + b1b   # BN eval w/ default stats == identity
    mlp2 = lambda h: h @ W2 + b2
    idx1 = _knn_idx(posb, K)
    f1 = _edge_conv(posb, idx1, mlp1)                         # [B, P, 64]
    idx2 = _knn_idx(f1, K)
    f2 = _edge_conv(f1, idx2, mlp2)                           # [B, P, 128]
    h = jnp.concatenate([f1, f2], axis=-1) @ Wh + bh          # [B, P, 128]
    return jnp.max(h, axis=1)                                 # [B, 128]

if __name__ == "__main__":
    import jax
    _d = setup_inputs()
    print(jax.jit(kernel)(*tuple(_d.values())))

</pallas_src>

<mosaic_0001>
#map = affine_map<(d0, d1) -> (0, 0)>
module attributes {stable_mosaic.version = 14 : i64} {
  func.func @_sc_gather_max(%arg0: i32, %arg1: i32, %arg2: memref<32x65536xf32, #tpu.memory_space<hbm>>, %arg3: memref<32x10240xi32, #tpu.memory_space<hbm>>, %arg4: memref<32x65536xf32, #tpu.memory_space<hbm>>, %arg5: memref<65536xf32, #tpu.memory_space<vmem>>, %arg6: memref<10240xi32, #tpu.memory_space<vmem>>, %arg7: memref<4096xf32, #tpu.memory_space<vmem>>, %arg8: memref<2x!tpu.dma_semaphore, #tpu.memory_space<semaphore_mem>>) attributes {dimension_semantics = [#tpu.dimension_semantics<core_parallel>, #tpu.dimension_semantics<subcore_parallel>], iteration_bounds = array<i64: 2, 16>, scalar_prefetch = 0 : i64, scratch_operands = 4 : i64, tpu.core_type = #tpu.core_type<sc_vector_subcore>, window_params = [{transform_indices = #map}, {transform_indices = #map}, {transform_indices = #map}]} {
    %mul3A = arith.constant 2 : i32
    %mul3A_0 = arith.muli %arg1, %mul3A : i32
    %add3A = arith.addi %mul3A_0, %arg0 : i32
    "tpu.region"() ({
      %run_scoped3A = tpu.sem_alloc : memref<!tpu.dma_semaphore, #tpu.memory_space<semaphore_mem>>
      %dma_start3A = arith.constant 0 : i32
      %dma_start3A_40 = tpu.memref_slice %arg2[%add3A, %dma_start3A] : memref<32x65536xf32, #tpu.memory_space<hbm>> -> memref<1x65536xf32, #tpu.memory_space<hbm>>
      %dma_start3A_41 = tpu.memref_squeeze %dma_start3A_40 : memref<1x65536xf32, #tpu.memory_space<hbm>> -> memref<65536xf32, #tpu.memory_space<hbm>>
      %dma_start3A_42 = arith.constant 0 : i32
      %dma_start3A_43 = tpu.memref_slice %arg2[%add3A, %dma_start3A_42] : memref<32x65536xf32, #tpu.memory_space<hbm>> -> memref<1x65536xf32, #tpu.memory_space<hbm>>
      %dma_start3A_44 = tpu.memref_squeeze %dma_start3A_43 : memref<1x65536xf32, #tpu.memory_space<hbm>> -> memref<65536xf32, #tpu.memory_space<hbm>>
      tpu.enqueue_dma source(%dma_start3A_44 : memref<65536xf32, #tpu.memory_space<hbm>>) target(%arg5 : memref<65536xf32, #tpu.memory_space<vmem>>) target_semaphore(%run_scoped3A : memref<!tpu.dma_semaphore, #tpu.memory_space<semaphore_mem>>)
      %dma_wait3A_45 = arith.constant 0 : i32
      %dma_wait3A_46 = tpu.memref_slice %arg2[%add3A, %dma_wait3A_45] : memref<32x65536xf32, #tpu.memory_space<hbm>> -> memref<1x65536xf32, #tpu.memory_space<hbm>>
      %dma_wait3A_47 = tpu.memref_squeeze %dma_wait3A_46 : memref<1x65536xf32, #tpu.memory_space<hbm>> -> memref<65536xf32, #tpu.memory_space<hbm>>
      %dma_wait3A_48 = arith.constant 0 : i32
      %dma_wait3A_49 = tpu.memref_slice %arg2[%add3A, %dma_wait3A_48] : memref<32x65536xf32, #tpu.memory_space<hbm>> -> memref<1x65536xf32, #tpu.memory_space<hbm>>
      %dma_wait3A_50 = tpu.memref_squeeze %dma_wait3A_49 : memref<1x65536xf32, #tpu.memory_space<hbm>> -> memref<65536xf32, #tpu.memory_space<hbm>>
      tpu.wait_dma2 semaphore(%run_scoped3A : memref<!tpu.dma_semaphore, #tpu.memory_space<semaphore_mem>>) src(%dma_wait3A_50 : memref<65536xf32, #tpu.memory_space<hbm>>) dst(%arg5 : memref<65536xf32, #tpu.memory_space<vmem>>)
      tpu.yield
    }) : () -> ()
    "tpu.region"() ({
      %run_scoped3A = tpu.sem_alloc : memref<!tpu.dma_semaphore, #tpu.memory_space<semaphore_mem>>
      %dma_start3A = arith.constant 0 : i32
      %dma_start3A_40 = tpu.memref_slice %arg3[%add3A, %dma_start3A] : memref<32x10240xi32, #tpu.memory_space<hbm>> -> memref<1x10240xi32, #tpu.memory_space<hbm>>
      %dma_start3A_41 = tpu.memref_squeeze %dma_start3A_40 : memref<1x10240xi32, #tpu.memory_space<hbm>> -> memref<10240xi32, #tpu.memory_space<hbm>>
      %dma_start3A_42 = arith.constant 0 : i32
      %dma_start3A_43 = tpu.memref_slice %arg3[%add3A, %dma_start3A_42] : memref<32x10240xi32, #tpu.memory_space<hbm>> -> memref<1x10240xi32, #tpu.memory_space<hbm>>
      %dma_start3A_44 = tpu.memref_squeeze %dma_start3A_43 : memref<1x10240xi32, #tpu.memory_space<hbm>> -> memref<10240xi32, #tpu.memory_space<hbm>>
      tpu.enqueue_dma source(%dma_start3A_44 : memref<10240xi32, #tpu.memory_space<hbm>>) target(%arg6 : memref<10240xi32, #tpu.memory_space<vmem>>) target_semaphore(%run_scoped3A : memref<!tpu.dma_semaphore, #tpu.memory_space<semaphore_mem>>)
      %dma_wait3A_45 = arith.constant 0 : i32
      %dma_wait3A_46 = tpu.memref_slice %arg3[%add3A, %dma_wait3A_45] : memref<32x10240xi32, #tpu.memory_space<hbm>> -> memref<1x10240xi32, #tpu.memory_space<hbm>>
      %dma_wait3A_47 = tpu.memref_squeeze %dma_wait3A_46 : memref<1x10240xi32, #tpu.memory_space<hbm>> -> memref<10240xi32, #tpu.memory_space<hbm>>
      %dma_wait3A_48 = arith.constant 0 : i32
      %dma_wait3A_49 = tpu.memref_slice %arg3[%add3A, %dma_wait3A_48] : memref<32x10240xi32, #tpu.memory_space<hbm>> -> memref<1x10240xi32, #tpu.memory_space<hbm>>
      %dma_wait3A_50 = tpu.memref_squeeze %dma_wait3A_49 : memref<1x10240xi32, #tpu.memory_space<hbm>> -> memref<10240xi32, #tpu.memory_space<hbm>>
      tpu.wait_dma2 semaphore(%run_scoped3A : memref<!tpu.dma_semaphore, #tpu.memory_space<semaphore_mem>>) src(%dma_wait3A_50 : memref<10240xi32, #tpu.memory_space<hbm>>) dst(%arg6 : memref<10240xi32, #tpu.memory_space<vmem>>)
      tpu.yield
    }) : () -> ()
    %iota3A = tpu.iota {dimensions = array<i32: 0>} : vector<16xi32>
    %scan3A = arith.constant 0 : i32
    %scan3A_1 = arith.constant 0 : i32
    %scan3A_2 = arith.constant 32 : i32
    %scan3A_3 = arith.addi %scan3A_1, %scan3A_2 : i32
    %scan3A_4 = arith.constant 1 : i32
    %scan3A_5 = scf.for %scan3A_40 = %scan3A_1 to %scan3A_3 step %scan3A_4 iter_args(%scan3A_41 = %scan3A) -> (i32)  : i32 {
      %mul3A_42 = arith.constant 16 : i32
      %mul3A_43 = arith.muli %scan3A_40, %mul3A_42 : i32
      %add3A_44 = vector.broadcast %mul3A_43 : i32 to vector<16xi32>
      %add3A_45 = arith.addi %add3A_44, %iota3A : vector<16xi32>
      %mul3A_46 = arith.constant 20 : i32
      %mul3A_47 = vector.broadcast %mul3A_46 : i32 to vector<16xi32>
      %mul3A_48 = arith.muli %add3A_45, %mul3A_47 : vector<16xi32>
      %add3A_49 = arith.constant 0 : i32
      %add3A_50 = vector.broadcast %add3A_49 : i32 to vector<16xi32>
      %add3A_51 = arith.addi %mul3A_48, %add3A_50 : vector<16xi32>
      %gather3A = tpu.vector_load_idx %arg6[%add3A_51] : memref<10240xi32, #tpu.memory_space<vmem>>[vector<16xi32>], vector<16xi32>,
      %mul3A_52 = arith.constant 128 : i32
      %mul3A_53 = vector.broadcast %mul3A_52 : i32 to vector<16xi32>
      %mul3A_54 = arith.muli %gather3A, %mul3A_53 : vector<16xi32>
      %add3A_55 = arith.constant 1 : i32
      %add3A_56 = vector.broadcast %add3A_55 : i32 to vector<16xi32>
      %add3A_57 = arith.addi %mul3A_48, %add3A_56 : vector<16xi32>
      %gather3A_58 = tpu.vector_load_idx %arg6[%add3A_57] : memref<10240xi32, #tpu.memory_space<vmem>>[vector<16xi32>], vector<16xi32>,
      %mul3A_59 = arith.constant 128 : i32
      %mul3A_60 = vector.broadcast %mul3A_59 : i32 to vector<16xi32>
      %mul3A_61 = arith.muli %gather3A_58, %mul3A_60 : vector<16xi32>
      %add3A_62 = arith.constant 2 : i32
      %add3A_63 = vector.broadcast %add3A_62 : i32 to vector<16xi32>
      %add3A_64 = arith.addi %mul3A_48, %add3A_63 : vector<16xi32>
      %gather3A_65 = tpu.vector_load_idx %arg6[%add3A_64] : memref<10240xi32, #tpu.memory_space<vmem>>[vector<16xi32>], vector<16xi32>,
      %mul3A_66 = arith.constant 128 : i32
      %mul3A_67 = vector.broadcast %mul3A_66 : i32 to vector<16xi32>
      %mul3A_68 = arith.muli %gather3A_65, %mul3A_67 : vector<16xi32>
      %add3A_69 = arith.constant 3 : i32
      %add3A_70 = vector.broadcast %add3A_69 : i32 to vector<16xi32>
      %add3A_71 = arith.addi %mul3A_48, %add3A_70 : vector<16xi32>
      %gather3A_72 = tpu.vector_load_idx %arg6[%add3A_71] : memref<10240xi32, #tpu.memory_space<vmem>>[vector<16xi32>], vector<16xi32>,
      %mul3A_73 = arith.constant 128 : i32
      %mul3A_74 = vector.broadcast %mul3A_73 : i32 to vector<16xi32>
      %mul3A_75 = arith.muli %gather3A_72, %mul3A_74 : vector<16xi32>
      %add3A_76 = arith.constant 4 : i32
      %add3A_77 = vector.broadcast %add3A_76 : i32 to vector<16xi32>
      %add3A_78 = arith.addi %mul3A_48, %add3A_77 : vector<16xi32>
      %gather3A_79 = tpu.vector_load_idx %arg6[%add3A_78] : memref<10240xi32, #tpu.memory_space<vmem>>[vector<16xi32>], vector<16xi32>,
      %mul3A_80 = arith.constant 128 : i32
      %mul3A_81 = vector.broadcast %mul3A_80 : i32 to vector<16xi32>
      %mul3A_82 = arith.muli %gather3A_79, %mul3A_81 : vector<16xi32>
      %add3A_83 = arith.constant 5 : i32
      %add3A_84 = vector.broadcast %add3A_83 : i32 to vector<16xi32>
      %add3A_85 = arith.addi %mul3A_48, %add3A_84 : vector<16xi32>
      %gather3A_86 = tpu.vector_load_idx %arg6[%add3A_85] : memref<10240xi32, #tpu.memory_space<vmem>>[vector<16xi32>], vector<16xi32>,
      %mul3A_87 = arith.constant 128 : i32
      %mul3A_88 = vector.broadcast %mul3A_87 : i32 to vector<16xi32>
      %mul3A_89 = arith.muli %gather3A_86, %mul3A_88 : vector<16xi32>
      %add3A_90 = arith.constant 6 : i32
      %add3A_91 = vector.broadcast %add3A_90 : i32 to vector<16xi32>
      %add3A_92 = arith.addi %mul3A_48, %add3A_91 : vector<16xi32>
      %gather3A_93 = tpu.vector_load_idx %arg6[%add3A_92] : memref<10240xi32, #tpu.memory_space<vmem>>[vector<16xi32>], vector<16xi32>,
      %mul3A_94 = arith.constant 128 : i32
      %mul3A_95 = vector.broadcast %mul3A_94 : i32 to vector<16xi32>
      %mul3A_96 = arith.muli %gather3A_93, %mul3A_95 : vector<16xi32>
      %add3A_97 = arith.constant 7 : i32
      %add3A_98 = vector.broadcast %add3A_97 : i32 to vector<16xi32>
      %add3A_99 = arith.addi %mul3A_48, %add3A_98 : vector<16xi32>
      %gather3A_100 = tpu.vector_load_idx %arg6[%add3A_99] : memref<10240xi32, #tpu.memory_space<vmem>>[vector<16xi32>], vector<16xi32>,
      %mul3A_101 = arith.constant 128 : i32
      %mul3A_102 = vector.broadcast %mul3A_101 : i32 to vector<16xi32>
      %mul3A_103 = arith.muli %gather3A_100, %mul3A_102 : vector<16xi32>
      %add3A_104 = arith.constant 8 : i32
      %add3A_105 = vector.broadcast %add3A_104 : i32 to vector<16xi32>
      %add3A_106 = arith.addi %mul3A_48, %add3A_105 : vector<16xi32>
      %gather3A_107 = tpu.vector_load_idx %arg6[%add3A_106] : memref<10240xi32, #tpu.memory_space<vmem>>[vector<16xi32>], vector<16xi32>,
      %mul3A_108 = arith.constant 128 : i32
      %mul3A_109 = vector.broadcast %mul3A_108 : i32 to vector<16xi32>
      %mul3A_110 = arith.muli %gather3A_107, %mul3A_109 : vector<16xi32>
      %add3A_111 = arith.constant 9 : i32
      %add3A_112 = vector.broadcast %add3A_111 : i32 to vector<16xi32>
      %add3A_113 = arith.addi %mul3A_48, %add3A_112 : vector<16xi32>
      %gather3A_114 = tpu.vector_load_idx %arg6[%add3A_113] : memref<10240xi32, #tpu.memory_space<vmem>>[vector<16xi32>], vector<16xi32>,
      %mul3A_115 = arith.constant 128 : i32
      %mul3A_116 = vector.broadcast %mul3A_115 : i32 to vector<16xi32>
      %mul3A_117 = arith.muli %gather3A_114, %mul3A_116 : vector<16xi32>
      %add3A_118 = arith.constant 10 : i32
      %add3A_119 = vector.broadcast %add3A_118 : i32 to vector<16xi32>
      %add3A_120 = arith.addi %mul3A_48, %add3A_119 : vector<16xi32>
      %gather3A_121 = tpu.vector_load_idx %arg6[%add3A_120] : memref<10240xi32, #tpu.memory_space<vmem>>[vector<16xi32>], vector<16xi32>,
      %mul3A_122 = arith.constant 128 : i32
      %mul3A_123 = vector.broadcast %mul3A_122 : i32 to vector<16xi32>
      %mul3A_124 = arith.muli %gather3A_121, %mul3A_123 : vector<16xi32>
      %add3A_125 = arith.constant 11 : i32
      %add3A_126 = vector.broadcast %add3A_125 : i32 to vector<16xi32>
      %add3A_127 = arith.addi %mul3A_48, %add3A_126 : vector<16xi32>
      %gather3A_128 = tpu.vector_load_idx %arg6[%add3A_127] : memref<10240xi32, #tpu.memory_space<vmem>>[vector<16xi32>], vector<16xi32>,
      %mul3A_129 = arith.constant 128 : i32
      %mul3A_130 = vector.broadcast %mul3A_129 : i32 to vector<16xi32>
      %mul3A_131 = arith.muli %gather3A_128, %mul3A_130 : vector<16xi32>
      %add3A_132 = arith.constant 12 : i32
      %add3A_133 = vector.broadcast %add3A_132 : i32 to vector<16xi32>
      %add3A_134 = arith.addi %mul3A_48, %add3A_133 : vector<16xi32>
      %gather3A_135 = tpu.vector_load_idx %arg6[%add3A_134] : memref<10240xi32, #tpu.memory_space<vmem>>[vector<16xi32>], vector<16xi32>,
      %mul3A_136 = arith.constant 128 : i32
      %mul3A_137 = vector.broadcast %mul3A_136 : i32 to vector<16xi32>
      %mul3A_138 = arith.muli %gather3A_135, %mul3A_137 : vector<16xi32>
      %add3A_139 = arith.constant 13 : i32
      %add3A_140 = vector.broadcast %add3A_139 : i32 to vector<16xi32>
      %add3A_141 = arith.addi %mul3A_48, %add3A_140 : vector<16xi32>
      %gather3A_142 = tpu.vector_load_idx %arg6[%add3A_141] : memref<10240xi32, #tpu.memory_space<vmem>>[vector<16xi32>], vector<16xi32>,
      %mul3A_143 = arith.constant 128 : i32
      %mul3A_144 = vector.broadcast %mul3A_143 : i32 to vector<16xi32>
      %mul3A_145 = arith.muli %gather3A_142, %mul3A_144 : vector<16xi32>
      %add3A_146 = arith.constant 14 : i32
      %add3A_147 = vector.broadcast %add3A_146 : i32 to vector<16xi32>
      %add3A_148 = arith.addi %mul3A_48, %add3A_147 : vector<16xi32>
      %gather3A_149 = tpu.vector_load_idx %arg6[%add3A_148] : memref<10240xi32, #tpu.memory_space<vmem>>[vector<16xi32>], vector<16xi32>,
      %mul3A_150 = arith.constant 128 : i32
      %mul3A_151 = vector.broadcast %mul3A_150 : i32 to vector<16xi32>
      %mul3A_152 = arith.muli %gather3A_149, %mul3A_151 : vector<16xi32>
      %add3A_153 = arith.constant 15 : i32
      %add3A_154 = vector.broadcast %add3A_153 : i32 to vector<16xi32>
      %add3A_155 = arith.addi %mul3A_48, %add3A_154 : vector<16xi32>
      %gather3A_156 = tpu.vector_load_idx %arg6[%add3A_155] : memref<10240xi32, #tpu.memory_space<vmem>>[vector<16xi32>], vector<16xi32>,
      %mul3A_157 = arith.constant 128 : i32
      %mul3A_158 = vector.broadcast %mul3A_157 : i32 to vector<16xi32>
      %mul3A_159 = arith.muli %gather3A_156, %mul3A_158 : vector<16xi32>
      %add3A_160 = arith.constant 16 : i32
      %add3A_161 = vector.broadcast %add3A_160 : i32 to vector<16xi32>
      %add3A_162 = arith.addi %mul3A_48, %add3A_161 : vector<16xi32>
      %gather3A_163 = tpu.vector_load_idx %arg6[%add3A_162] : memref<10240xi32, #tpu.memory_space<vmem>>[vector<16xi32>], vector<16xi32>,
      %mul3A_164 = arith.constant 128 : i32
      %mul3A_165 = vector.broadcast %mul3A_164 : i32 to vector<16xi32>
      %mul3A_166 = arith.muli %gather3A_163, %mul3A_165 : vector<16xi32>
      %add3A_167 = arith.constant 17 : i32
      %add3A_168 = vector.broadcast %add3A_167 : i32 to vector<16xi32>
      %add3A_169 = arith.addi %mul3A_48, %add3A_168 : vector<16xi32>
      %gather3A_170 = tpu.vector_load_idx %arg6[%add3A_169] : memref<10240xi32, #tpu.memory_space<vmem>>[vector<16xi32>], vector<16xi32>,
      %mul3A_171 = arith.constant 128 : i32
      %mul3A_172 = vector.broadcast %mul3A_171 : i32 to vector<16xi32>
      %mul3A_173 = arith.muli %gather3A_170, %mul3A_172 : vector<16xi32>
      %add3A_174 = arith.constant 18 : i32
      %add3A_175 = vector.broadcast %add3A_174 : i32 to vector<16xi32>
      %add3A_176 = arith.addi %mul3A_48, %add3A_175 : vector<16xi32>
      %gather3A_177 = tpu.vector_load_idx %arg6[%add3A_176] : memref<10240xi32, #tpu.memory_space<vmem>>[vector<16xi32>], vector<16xi32>,
      %mul3A_178 = arith.constant 128 : i32
      %mul3A_179 = vector.broadcast %mul3A_178 : i32 to vector<16xi32>
      %mul3A_180 = arith.muli %gather3A_177, %mul3A_179 : vector<16xi32>
      %add3A_181 = arith.constant 19 : i32
      %add3A_182 = vector.broadcast %add3A_181 : i32 to vector<16xi32>
      %add3A_183 = arith.addi %mul3A_48, %add3A_182 : vector<16xi32>
      %gather3A_184 = tpu.vector_load_idx %arg6[%add3A_183] : memref<10240xi32, #tpu.memory_space<vmem>>[vector<16xi32>], vector<16xi32>,
      %mul3A_185 = arith.constant 128 : i32
      %mul3A_186 = vector.broadcast %mul3A_185 : i32 to vector<16xi32>
      %mul3A_187 = arith.muli %gather3A_184, %mul3A_186 : vector<16xi32>
      %rem3A = arith.constant 2 : i32
      %rem3A_188 = arith.remsi %scan3A_40, %rem3A : i32
      %ge3A = arith.constant 2 : i32
      %ge3A_189 = arith.cmpi sge, %scan3A_40, %ge3A : i32
      %convert_element_type3A = arith.extui %ge3A_189 : i1 to i32
      %cond3A = arith.constant 0 : i32
      %cond3A_190 = arith.cmpi ne, %convert_element_type3A, %cond3A : i32
      scf.if %cond3A_190 {
        %mul3A_209 = arith.constant 2048 : i32
        %mul3A_210 = arith.muli %rem3A_188, %mul3A_209 : i32
        %mul3A_211 = arith.constant 128 : i32
        %mul3A_212 = arith.muli %mul3A_43, %mul3A_211 : i32
        %dma_wait3A_213 = tpu.memref_slice %arg7[%mul3A_210] : memref<4096xf32, #tpu.memory_space<vmem>> -> memref<2048xf32, #tpu.memory_space<vmem>>
        %dma_wait3A_214 = arith.constant 0 : i32
        %dma_wait3A_215 = tpu.memref_slice %arg4[%add3A, %dma_wait3A_214] : memref<32x65536xf32, #tpu.memory_space<hbm>> -> memref<1x65536xf32, #tpu.memory_space<hbm>>
        %dma_wait3A_216 = tpu.memref_squeeze %dma_wait3A_215 : memref<1x65536xf32, #tpu.memory_space<hbm>> -> memref<65536xf32, #tpu.memory_space<hbm>>
        %dma_wait3A_217 = tpu.memref_slice %dma_wait3A_216[%mul3A_212] : memref<65536xf32, #tpu.memory_space<hbm>> -> memref<2048xf32, #tpu.memory_space<hbm>>
        %dma_wait3A_218 = tpu.memref_slice %arg8[%rem3A_188] : memref<2x!tpu.dma_semaphore, #tpu.memory_space<semaphore_mem>> -> memref<1x!tpu.dma_semaphore, #tpu.memory_space<semaphore_mem>>
        %dma_wait3A_219 = tpu.memref_squeeze %dma_wait3A_218 : memref<1x!tpu.dma_semaphore, #tpu.memory_space<semaphore_mem>> -> memref<!tpu.dma_semaphore, #tpu.memory_space<semaphore_mem>>
        %dma_wait3A_220 = arith.constant 0 : i32
        %dma_wait3A_221 = tpu.memref_slice %arg4[%add3A, %dma_wait3A_220] : memref<32x65536xf32, #tpu.memory_space<hbm>> -> memref<1x65536xf32, #tpu.memory_space<hbm>>
        %dma_wait3A_222 = tpu.memref_squeeze %dma_wait3A_221 : memref<1x65536xf32, #tpu.memory_space<hbm>> -> memref<65536xf32, #tpu.memory_space<hbm>>
        %dma_wait3A_223 = tpu.memref_slice %dma_wait3A_222[%mul3A_212] : memref<65536xf32, #tpu.memory_space<hbm>> -> memref<2048xf32, #tpu.memory_space<hbm>>
        %dma_wait3A_224 = tpu.memref_slice %arg7[%mul3A_210] : memref<4096xf32, #tpu.memory_space<vmem>> -> memref<2048xf32, #tpu.memory_space<vmem>>
        tpu.wait_dma2 semaphore(%dma_wait3A_219 : memref<!tpu.dma_semaphore, #tpu.memory_space<semaphore_mem>>) src(%dma_wait3A_224 : memref<2048xf32, #tpu.memory_space<vmem>>) dst(%dma_wait3A_223 : memref<2048xf32, #tpu.memory_space<hbm>>)
      } else {
      }
      %parallel_loop3A = arith.constant 0 : i32
      %parallel_loop3A_191 = arith.constant 128 : i32
      %parallel_loop3A_192 = arith.constant 1 : i32
      scf.for %parallel_loop3A_209 = %parallel_loop3A to %parallel_loop3A_191 step %parallel_loop3A_192  : i32 {
        %parallel_loop3A_210 = vector.broadcast %parallel_loop3A_209 : i32 to vector<16xi32>
        %parallel_loop3A_211 = arith.addi %mul3A_54, %parallel_loop3A_210 : vector<16xi32>
        %parallel_loop3A_212 = tpu.vector_load_idx %arg5[%parallel_loop3A_211] : memref<65536xf32, #tpu.memory_space<vmem>>[vector<16xi32>], vector<16xf32>,
        %parallel_loop3A_213 = arith.addi %mul3A_61, %parallel_loop3A_210 : vector<16xi32>
        %parallel_loop3A_214 = tpu.vector_load_idx %arg5[%parallel_loop3A_213] : memref<65536xf32, #tpu.memory_space<vmem>>[vector<16xi32>], vector<16xf32>,
        %parallel_loop3A_215 = arith.addi %mul3A_68, %parallel_loop3A_210 : vector<16xi32>
        %parallel_loop3A_216 = tpu.vector_load_idx %arg5[%parallel_loop3A_215] : memref<65536xf32, #tpu.memory_space<vmem>>[vector<16xi32>], vector<16xf32>,
        %parallel_loop3A_217 = arith.addi %mul3A_75, %parallel_loop3A_210 : vector<16xi32>
        %parallel_loop3A_218 = tpu.vector_load_idx %arg5[%parallel_loop3A_217] : memref<65536xf32, #tpu.memory_space<vmem>>[vector<16xi32>], vector<16xf32>,
        %parallel_loop3A_219 = arith.addi %mul3A_82, %parallel_loop3A_210 : vector<16xi32>
        %parallel_loop3A_220 = tpu.vector_load_idx %arg5[%parallel_loop3A_219] : memref<65536xf32, #tpu.memory_space<vmem>>[vector<16xi32>], vector<16xf32>,
        %parallel_loop3A_221 = arith.addi %mul3A_89, %parallel_loop3A_210 : vector<16xi32>
        %parallel_loop3A_222 = tpu.vector_load_idx %arg5[%parallel_loop3A_221] : memref<65536xf32, #tpu.memory_space<vmem>>[vector<16xi32>], vector<16xf32>,
        %parallel_loop3A_223 = arith.addi %mul3A_96, %parallel_loop3A_210 : vector<16xi32>
        %parallel_loop3A_224 = tpu.vector_load_idx %arg5[%parallel_loop3A_223] : memref<65536xf32, #tpu.memory_space<vmem>>[vector<16xi32>], vector<16xf32>,
        %parallel_loop3A_225 = arith.addi %mul3A_103, %parallel_loop3A_210 : vector<16xi32>
        %parallel_loop3A_226 = tpu.vector_load_idx %arg5[%parallel_loop3A_225] : memref<65536xf32, #tpu.memory_space<vmem>>[vector<16xi32>], vector<16xf32>,
        %parallel_loop3A_227 = arith.addi %mul3A_110, %parallel_loop3A_210 : vector<16xi32>
        %parallel_loop3A_228 = tpu.vector_load_idx %arg5[%parallel_loop3A_227] : memref<65536xf32, #tpu.memory_space<vmem>>[vector<16xi32>], vector<16xf32>,
        %parallel_loop3A_229 = arith.addi %mul3A_117, %parallel_loop3A_210 : vector<16xi32>
        %parallel_loop3A_230 = tpu.vector_load_idx %arg5[%parallel_loop3A_229] : memref<65536xf32, #tpu.memory_space<vmem>>[vector<16xi32>], vector<16xf32>,
        %parallel_loop3A_231 = arith.addi %mul3A_124, %parallel_loop3A_210 : vector<16xi32>
        %parallel_loop3A_232 = tpu.vector_load_idx %arg5[%parallel_loop3A_231] : memref<65536xf32, #tpu.memory_space<vmem>>[vector<16xi32>], vector<16xf32>,
        %parallel_loop3A_233 = arith.addi %mul3A_131, %parallel_loop3A_210 : vector<16xi32>
        %parallel_loop3A_234 = tpu.vector_load_idx %arg5[%parallel_loop3A_233] : memref<65536xf32, #tpu.memory_space<vmem>>[vector<16xi32>], vector<16xf32>,
        %parallel_loop3A_235 = arith.addi %mul3A_138, %parallel_loop3A_210 : vector<16xi32>
        %parallel_loop3A_236 = tpu.vector_load_idx %arg5[%parallel_loop3A_235] : memref<65536xf32, #tpu.memory_space<vmem>>[vector<16xi32>], vector<16xf32>,
        %parallel_loop3A_237 = arith.addi %mul3A_145, %parallel_loop3A_210 : vector<16xi32>
        %parallel_loop3A_238 = tpu.vector_load_idx %arg5[%parallel_loop3A_237] : memref<65536xf32, #tpu.memory_space<vmem>>[vector<16xi32>], vector<16xf32>,
        %parallel_loop3A_239 = arith.addi %mul3A_152, %parallel_loop3A_210 : vector<16xi32>
        %parallel_loop3A_240 = tpu.vector_load_idx %arg5[%parallel_loop3A_239] : memref<65536xf32, #tpu.memory_space<vmem>>[vector<16xi32>], vector<16xf32>,
        %parallel_loop3A_241 = arith.addi %mul3A_159, %parallel_loop3A_210 : vector<16xi32>
        %parallel_loop3A_242 = tpu.vector_load_idx %arg5[%parallel_loop3A_241] : memref<65536xf32, #tpu.memory_space<vmem>>[vector<16xi32>], vector<16xf32>,
        %parallel_loop3A_243 = arith.addi %mul3A_166, %parallel_loop3A_210 : vector<16xi32>
        %parallel_loop3A_244 = tpu.vector_load_idx %arg5[%parallel_loop3A_243] : memref<65536xf32, #tpu.memory_space<vmem>>[vector<16xi32>], vector<16xf32>,
        %parallel_loop3A_245 = arith.addi %mul3A_173, %parallel_loop3A_210 : vector<16xi32>
        %parallel_loop3A_246 = tpu.vector_load_idx %arg5[%parallel_loop3A_245] : memref<65536xf32, #tpu.memory_space<vmem>>[vector<16xi32>], vector<16xf32>,
        %parallel_loop3A_247 = arith.addi %mul3A_180, %parallel_loop3A_210 : vector<16xi32>
        %parallel_loop3A_248 = tpu.vector_load_idx %arg5[%parallel_loop3A_247] : memref<65536xf32, #tpu.memory_space<vmem>>[vector<16xi32>], vector<16xf32>,
        %parallel_loop3A_249 = arith.addi %mul3A_187, %parallel_loop3A_210 : vector<16xi32>
        %parallel_loop3A_250 = tpu.vector_load_idx %arg5[%parallel_loop3A_249] : memref<65536xf32, #tpu.memory_space<vmem>>[vector<16xi32>], vector<16xf32>,
        %parallel_loop3A_251 = arith.maximumf %parallel_loop3A_212, %parallel_loop3A_214 : vector<16xf32>
        %parallel_loop3A_252 = arith.maximumf %parallel_loop3A_216, %parallel_loop3A_218 : vector<16xf32>
        %parallel_loop3A_253 = arith.maximumf %parallel_loop3A_220, %parallel_loop3A_222 : vector<16xf32>
        %parallel_loop3A_254 = arith.maximumf %parallel_loop3A_224, %parallel_loop3A_226 : vector<16xf32>
        %parallel_loop3A_255 = arith.maximumf %parallel_loop3A_228, %parallel_loop3A_230 : vector<16xf32>
        %parallel_loop3A_256 = arith.maximumf %parallel_loop3A_232, %parallel_loop3A_234 : vector<16xf32>
        %parallel_loop3A_257 = arith.maximumf %parallel_loop3A_236, %parallel_loop3A_238 : vector<16xf32>
        %parallel_loop3A_258 = arith.maximumf %parallel_loop3A_240, %parallel_loop3A_242 : vector<16xf32>
        %parallel_loop3A_259 = arith.maximumf %parallel_loop3A_244, %parallel_loop3A_246 : vector<16xf32>
        %parallel_loop3A_260 = arith.maximumf %parallel_loop3A_248, %parallel_loop3A_250 : vector<16xf32>
        %parallel_loop3A_261 = arith.maximumf %parallel_loop3A_251, %parallel_loop3A_252 : vector<16xf32>
        %parallel_loop3A_262 = arith.maximumf %parallel_loop3A_253, %parallel_loop3A_254 : vector<16xf32>
        %parallel_loop3A_263 = arith.maximumf %parallel_loop3A_255, %parallel_loop3A_256 : vector<16xf32>
        %parallel_loop3A_264 = arith.maximumf %parallel_loop3A_257, %parallel_loop3A_258 : vector<16xf32>
        %parallel_loop3A_265 = arith.maximumf %parallel_loop3A_259, %parallel_loop3A_260 : vector<16xf32>
        %parallel_loop3A_266 = arith.maximumf %parallel_loop3A_261, %parallel_loop3A_262 : vector<16xf32>
        %parallel_loop3A_267 = arith.maximumf %parallel_loop3A_263, %parallel_loop3A_264 : vector<16xf32>
        %parallel_loop3A_268 = arith.maximumf %parallel_loop3A_266, %parallel_loop3A_267 : vector<16xf32>
        %parallel_loop3A_269 = arith.maximumf %parallel_loop3A_268, %parallel_loop3A_265 : vector<16xf32>
        %parallel_loop3A_270 = arith.constant 2048 : i32
        %parallel_loop3A_271 = arith.muli %rem3A_188, %parallel_loop3A_270 : i32
        %parallel_loop3A_272 = arith.constant 16 : i32
        %parallel_loop3A_273 = arith.muli %parallel_loop3A_209, %parallel_loop3A_272 : i32
        %parallel_loop3A_274 = arith.addi %parallel_loop3A_271, %parallel_loop3A_273 : i32
        %parallel_loop3A_275 = arith.index_cast %parallel_loop3A_274 : i32 to index
        %parallel_loop3A_276 = tpu.vector_load %arg7[%parallel_loop3A_275] {strides = array<i32>} : memref<4096xf32, #tpu.memory_space<vmem>>, vector<16xf32>,
        tpu.vector_store %arg7[%parallel_loop3A_275], %parallel_loop3A_269 {strides = array<i32>} : memref<4096xf32, #tpu.memory_space<vmem>>, vector<16xf32>,
      } {sc.loop_unroll_factor = 4 : i64, sc.parallel_access}
      %mul3A_193 = arith.constant 2048 : i32
      %mul3A_194 = arith.muli %rem3A_188, %mul3A_193 : i32
      %mul3A_195 = arith.constant 128 : i32
      %mul3A_196 = arith.muli %mul3A_43, %mul3A_195 : i32
      %dma_start3A = tpu.memref_slice %arg7[%mul3A_194] : memref<4096xf32, #tpu.memory_space<vmem>> -> memref<2048xf32, #tpu.memory_space<vmem>>
      %dma_start3A_197 = arith.constant 0 : i32
      %dma_start3A_198 = tpu.memref_slice %arg4[%add3A, %dma_start3A_197] : memref<32x65536xf32, #tpu.memory_space<hbm>> -> memref<1x65536xf32, #tpu.memory_space<hbm>>
      %dma_start3A_199 = tpu.memref_squeeze %dma_start3A_198 : memref<1x65536xf32, #tpu.memory_space<hbm>> -> memref<65536xf32, #tpu.memory_space<hbm>>
      %dma_start3A_200 = tpu.memref_slice %dma_start3A_199[%mul3A_196] : memref<65536xf32, #tpu.memory_space<hbm>> -> memref<2048xf32, #tpu.memory_space<hbm>>
      %dma_start3A_201 = tpu.memref_slice %arg8[%rem3A_188] : memref<2x!tpu.dma_semaphore, #tpu.memory_space<semaphore_mem>> -> memref<1x!tpu.dma_semaphore, #tpu.memory_space<semaphore_mem>>
      %dma_start3A_202 = tpu.memref_squeeze %dma_start3A_201 : memref<1x!tpu.dma_semaphore, #tpu.memory_space<semaphore_mem>> -> memref<!tpu.dma_semaphore, #tpu.memory_space<semaphore_mem>>
      %dma_start3A_203 = arith.constant 0 : i32
      %dma_start3A_204 = tpu.memref_slice %arg4[%add3A, %dma_start3A_203] : memref<32x65536xf32, #tpu.memory_space<hbm>> -> memref<1x65536xf32, #tpu.memory_space<hbm>>
      %dma_start3A_205 = tpu.memref_squeeze %dma_start3A_204 : memref<1x65536xf32, #tpu.memory_space<hbm>> -> memref<65536xf32, #tpu.memory_space<hbm>>
      %dma_start3A_206 = tpu.memref_slice %dma_start3A_205[%mul3A_196] : memref<65536xf32, #tpu.memory_space<hbm>> -> memref<2048xf32, #tpu.memory_space<hbm>>
      %dma_start3A_207 = tpu.memref_slice %arg7[%mul3A_194] : memref<4096xf32, #tpu.memory_space<vmem>> -> memref<2048xf32, #tpu.memory_space<vmem>>
      tpu.enqueue_dma source(%dma_start3A_207 : memref<2048xf32, #tpu.memory_space<vmem>>) target(%dma_start3A_206 : memref<2048xf32, #tpu.memory_space<hbm>>) target_semaphore(%dma_start3A_202 : memref<!tpu.dma_semaphore, #tpu.memory_space<semaphore_mem>>)
      %scan3A_208 = arith.constant 0 : i32
      scf.yield %scan3A_208 : i32
    }
    %scan3A_6 = arith.constant 32 : i32
    %dma_wait3A = arith.constant 0 : i32
    %dma_wait3A_7 = arith.constant 0 : i32
    %dma_wait3A_8 = tpu.memref_slice %arg7[%dma_wait3A_7] : memref<4096xf32, #tpu.memory_space<vmem>> -> memref<2048xf32, #tpu.memory_space<vmem>>
    %dma_wait3A_9 = arith.constant 0 : i32
    %dma_wait3A_10 = tpu.memref_slice %arg4[%add3A, %dma_wait3A_9] : memref<32x65536xf32, #tpu.memory_space<hbm>> -> memref<1x65536xf32, #tpu.memory_space<hbm>>
    %dma_wait3A_11 = tpu.memref_squeeze %dma_wait3A_10 : memref<1x65536xf32, #tpu.memory_space<hbm>> -> memref<65536xf32, #tpu.memory_space<hbm>>
    %dma_wait3A_12 = arith.constant 61440 : i32
    %dma_wait3A_13 = tpu.memref_slice %dma_wait3A_11[%dma_wait3A_12] : memref<65536xf32, #tpu.memory_space<hbm>> -> memref<2048xf32, #tpu.memory_space<hbm>>
    %dma_wait3A_14 = tpu.memref_slice %arg8[%dma_wait3A] : memref<2x!tpu.dma_semaphore, #tpu.memory_space<semaphore_mem>> -> memref<1x!tpu.dma_semaphore, #tpu.memory_space<semaphore_mem>>
    %dma_wait3A_15 = tpu.memref_squeeze %dma_wait3A_14 : memref<1x!tpu.dma_semaphore, #tpu.memory_space<semaphore_mem>> -> memref<!tpu.dma_semaphore, #tpu.memory_space<semaphore_mem>>
    %dma_wait3A_16 = arith.constant 0 : i32
    %dma_wait3A_17 = tpu.memref_slice %arg4[%add3A, %dma_wait3A_16] : memref<32x65536xf32, #tpu.memory_space<hbm>> -> memref<1x65536xf32, #tpu.memory_space<hbm>>
    %dma_wait3A_18 = tpu.memref_squeeze %dma_wait3A_17 : memref<1x65536xf32, #tpu.memory_space<hbm>> -> memref<65536xf32, #tpu.memory_space<hbm>>
    %dma_wait3A_19 = arith.constant 61440 : i32
    %dma_wait3A_20 = tpu.memref_slice %dma_wait3A_18[%dma_wait3A_19] : memref<65536xf32, #tpu.memory_space<hbm>> -> memref<2048xf32, #tpu.memory_space<hbm>>
    %dma_wait3A_21 = arith.constant 0 : i32
    %dma_wait3A_22 = tpu.memref_slice %arg7[%dma_wait3A_21] : memref<4096xf32, #tpu.memory_space<vmem>> -> memref<2048xf32, #tpu.memory_space<vmem>>
    tpu.wait_dma2 semaphore(%dma_wait3A_15 : memref<!tpu.dma_semaphore, #tpu.memory_space<semaphore_mem>>) src(%dma_wait3A_22 : memref<2048xf32, #tpu.memory_space<vmem>>) dst(%dma_wait3A_20 : memref<2048xf32, #tpu.memory_space<hbm>>)
    %dma_wait3A_23 = arith.constant 1 : i32
    %dma_wait3A_24 = arith.constant 2048 : i32
    %dma_wait3A_25 = tpu.memref_slice %arg7[%dma_wait3A_24] : memref<4096xf32, #tpu.memory_space<vmem>> -> memref<2048xf32, #tpu.memory_space<vmem>>
    %dma_wait3A_26 = arith.constant 0 : i32
    %dma_wait3A_27 = tpu.memref_slice %arg4[%add3A, %dma_wait3A_26] : memref<32x65536xf32, #tpu.memory_space<hbm>> -> memref<1x65536xf32, #tpu.memory_space<hbm>>
    %dma_wait3A_28 = tpu.memref_squeeze %dma_wait3A_27 : memref<1x65536xf32, #tpu.memory_space<hbm>> -> memref<65536xf32, #tpu.memory_space<hbm>>
    %dma_wait3A_29 = arith.constant 63488 : i32
    %dma_wait3A_30 = tpu.memref_slice %dma_wait3A_28[%dma_wait3A_29] : memref<65536xf32, #tpu.memory_space<hbm>> -> memref<2048xf32, #tpu.memory_space<hbm>>
    %dma_wait3A_31 = tpu.memref_slice %arg8[%dma_wait3A_23] : memref<2x!tpu.dma_semaphore, #tpu.memory_space<semaphore_mem>> -> memref<1x!tpu.dma_semaphore, #tpu.memory_space<semaphore_mem>>
    %dma_wait3A_32 = tpu.memref_squeeze %dma_wait3A_31 : memref<1x!tpu.dma_semaphore, #tpu.memory_space<semaphore_mem>> -> memref<!tpu.dma_semaphore, #tpu.memory_space<semaphore_mem>>
    %dma_wait3A_33 = arith.constant 0 : i32
    %dma_wait3A_34 = tpu.memref_slice %arg4[%add3A, %dma_wait3A_33] : memref<32x65536xf32, #tpu.memory_space<hbm>> -> memref<1x65536xf32, #tpu.memory_space<hbm>>
    %dma_wait3A_35 = tpu.memref_squeeze %dma_wait3A_34 : memref<1x65536xf32, #tpu.memory_space<hbm>> -> memref<65536xf32, #tpu.memory_space<hbm>>
    %dma_wait3A_36 = arith.constant 63488 : i32
    %dma_wait3A_37 = tpu.memref_slice %dma_wait3A_35[%dma_wait3A_36] : memref<65536xf32, #tpu.memory_space<hbm>> -> memref<2048xf32, #tpu.memory_space<hbm>>
    %dma_wait3A_38 = arith.constant 2048 : i32
    %dma_wait3A_39 = tpu.memref_slice %arg7[%dma_wait3A_38] : memref<4096xf32, #tpu.memory_space<vmem>> -> memref<2048xf32, #tpu.memory_space<vmem>>
    tpu.wait_dma2 semaphore(%dma_wait3A_32 : memref<!tpu.dma_semaphore, #tpu.memory_space<semaphore_mem>>) src(%dma_wait3A_39 : memref<2048xf32, #tpu.memory_space<vmem>>) dst(%dma_wait3A_37 : memref<2048xf32, #tpu.memory_space<hbm>>)
    return
  }
}

module attributes {stable_mosaic.version = 14 : i64} {
  func.func @_tc_front_kernel(%arg0: i32, %arg1: memref<1x1xf32, #tpu.memory_space<vmem>>, %arg2: memref<1x512x3xf32, #tpu.memory_space<vmem>>, %arg3: memref<6x64xf32, #tpu.memory_space<vmem>>, %arg4: memref<1x64xf32, #tpu.memory_space<vmem>>, %arg5: memref<64x64xf32, #tpu.memory_space<vmem>>, %arg6: memref<1x64xf32, #tpu.memory_space<vmem>>, %arg7: memref<128x128xf32, #tpu.memory_space<vmem>>, %arg8: memref<1x128xf32, #tpu.memory_space<vmem>>, %arg9: memref<192x128xf32, #tpu.memory_space<vmem>>, %arg10: memref<1x128xf32, #tpu.memory_space<vmem>>, %arg11: memref<1x512x20xi32, #tpu.memory_space<vmem>>, %arg12: memref<1x512x128xf32, #tpu.memory_space<vmem>>, %arg13: memref<1x512x128xf32, #tpu.memory_space<vmem>>) attributes {dimension_semantics = [#tpu.dimension_semantics<parallel>], iteration_bounds = array<i64: 32>, scalar_prefetch = 0 : i64, scratch_operands = 0 : i64, tpu.core_type = #tpu.core_type<tc>, window_params = [{pipeline_mode = #tpu.pipeline_mode<synchronous>, transform_indices = @transform_0, window_bounds = array<i64: 1, 1>}, {transform_indices = @transform_1, window_bounds = array<i64: 1, 512, 3>}, {pipeline_mode = #tpu.pipeline_mode<synchronous>, transform_indices = @transform_2, window_bounds = array<i64: 6, 64>}, {pipeline_mode = #tpu.pipeline_mode<synchronous>, transform_indices = @transform_3, window_bounds = array<i64: 1, 64>}, {pipeline_mode = #tpu.pipeline_mode<synchronous>, transform_indices = @transform_4, window_bounds = array<i64: 64, 64>}, {pipeline_mode = #tpu.pipeline_mode<synchronous>, transform_indices = @transform_5, window_bounds = array<i64: 1, 64>}, {pipeline_mode = #tpu.pipeline_mode<synchronous>, transform_indices = @transform_6, window_bounds = array<i64: 128, 128>}, {pipeline_mode = #tpu.pipeline_mode<synchronous>, transform_indices = @transform_7, window_bounds = array<i64: 1, 128>}, {pipeline_mode = #tpu.pipeline_mode<synchronous>, transform_indices = @transform_8, window_bounds = array<i64: 192, 128>}, {pipeline_mode = #tpu.pipeline_mode<synchronous>, transform_indices = @transform_9, window_bounds = array<i64: 1, 128>}, {transform_indices = @transform_10, window_bounds = array<i64: 1, 512, 20>}, {transform_indices = @transform_11, window_bounds = array<i64: 1, 512, 128>}, {transform_indices = @transform_12, window_bounds = array<i64: 1, 512, 128>}]} {
    %get3A = arith.constant 0 : index
    %get3A_0 = arith.constant 0 : index
    %get3A_1 = arith.constant 0 : index
    %get3A_2 = vector.load %arg2[%get3A, %get3A_0, %get3A_1] : memref<1x512x3xf32, #tpu.memory_space<vmem>>, vector<1x512x3xf32>
    %get3A_3 = vector.shape_cast %get3A_2 : vector<1x512x3xf32> to vector<512x3xf32>
    %get3A_4 = arith.constant 0 : index
    %get3A_5 = arith.constant 0 : index
    %get3A_6 = vector.load %arg1[%get3A_4, %get3A_5] : memref<1x1xf32, #tpu.memory_space<vmem>>, vector<1x1xf32>
    %get3A_7 = vector.extract %get3A_6[0, 0] : f32 from vector<1x1xf32>
    %add3A = vector.broadcast %get3A_7 : f32 to vector<512x3xf32>
    %add3A_8 = arith.addf %get3A_3, %add3A : vector<512x3xf32>
    %iota3A = tpu.iota {dimensions = array<i32: 1>} : vector<512x512xi32>
    %get3A_9 = arith.constant 0 : index
    %get3A_10 = arith.constant 0 : index
    %get3A_11 = vector.load %arg3[%get3A_9, %get3A_10] : memref<6x64xf32, #tpu.memory_space<vmem>>, vector<3x64xf32>
    %get3A_12 = arith.constant 3 : index
    %get3A_13 = arith.constant 0 : index
    %get3A_14 = vector.load %arg3[%get3A_12, %get3A_13] : memref<6x64xf32, #tpu.memory_space<vmem>>, vector<3x64xf32>
    %sub3A = arith.subf %get3A_11, %get3A_14 : vector<3x64xf32>
    %dot_general3A = arith.constant dense<0.000000e+00> : vector<512x64xf32>
    %dot_general3A_15 = tpu.matmul %add3A_8, %sub3A, %dot_general3A {dimension_numbers = #tpu.dot_dimension_numbers<[1], [0], [0], [1], [0, 0, 1, 1], [], []>, transpose_lhs_hint = false} : vector<512x3xf32>, vector<3x64xf32>, vector<512x64xf32> -> vector<512x64xf32>
    %get3A_16 = arith.constant 0 : index
    %get3A_17 = arith.constant 0 : index
    %get3A_18 = vector.load %arg4[%get3A_16, %get3A_17] : memref<1x64xf32, #tpu.memory_space<vmem>>, vector<1x64xf32>
    %get3A_19 = vector.shape_cast %get3A_18 : vector<1x64xf32> to vector<64xf32>
    %broadcast_in_dim3A = vector.shape_cast %get3A_19 : vector<64xf32> to vector<1x64xf32>
    %add3A_20 = vector.broadcast %broadcast_in_dim3A : vector<1x64xf32> to vector<512x64xf32>
    %add3A_21 = arith.addf %dot_general3A_15, %add3A_20 : vector<512x64xf32>
    %mul3A = arith.mulf %add3A_8, %add3A_8 : vector<512x3xf32>
    %reduce_sum3A = arith.constant dense<0.000000e+00> : vector<512xf32>
    %reduce_sum3A_22 = vector.multi_reduction <add>, %mul3A, %reduce_sum3A [1] : vector<512x3xf32> to vector<512xf32>
    %broadcast_in_dim3A_23 = vector.shape_cast %reduce_sum3A_22 : vector<512xf32> to vector<512x1xf32>
    %dot_general3A_24 = arith.constant dense<0.000000e+00> : vector<512x512xf32>
    %dot_general3A_25 = tpu.matmul %add3A_8, %add3A_8, %dot_general3A_24 {dimension_numbers = #tpu.dot_dimension_numbers<[1], [1], [0], [0], [0, 0, 1, 0], [], []>, transpose_lhs_hint = false} : vector<512x3xf32>, vector<512x3xf32>, vector<512x512xf32> -> vector<512x512xf32>
    %reshape3A = vector.shape_cast %broadcast_in_dim3A_23 : vector<512x1xf32> to vector<1x512xf32>
    %add3A_26 = vector.broadcast %broadcast_in_dim3A_23 : vector<512x1xf32> to vector<512x512xf32>
    %add3A_27 = vector.broadcast %reshape3A : vector<1x512xf32> to vector<512x512xf32>
    %add3A_28 = arith.addf %add3A_26, %add3A_27 : vector<512x512xf32>
    %mul3A_29 = arith.constant 2.000000e+00 : f32
    %mul3A_30 = vector.broadcast %mul3A_29 : f32 to vector<512x512xf32>
    %mul3A_31 = arith.mulf %mul3A_30, %dot_general3A_25 : vector<512x512xf32>
    %sub3A_32 = arith.subf %add3A_28, %mul3A_31 : vector<512x512xf32>
    %broadcast_in_dim3A_33 = arith.constant 0xFF800000 : f32
    %broadcast_in_dim3A_34 = vector.broadcast %broadcast_in_dim3A_33 : f32 to vector<512x64xf32>
    %reduce_min3A = arith.constant dense<0x7F800000> : vector<512xf32>
    %reduce_min3A_35 = vector.multi_reduction <minimumf>, %sub3A_32, %reduce_min3A [1] : vector<512x512xf32> to vector<512xf32>
    %broadcast_in_dim3A_36 = vector.shape_cast %reduce_min3A_35 : vector<512xf32> to vector<512x1xf32>
    %eq3A = vector.broadcast %broadcast_in_dim3A_36 : vector<512x1xf32> to vector<512x512xf32>
    %eq3A_37 = arith.cmpf oeq, %sub3A_32, %eq3A : vector<512x512xf32>
    %jit3A = arith.constant 512 : i32
    %broadcast_in_dim3A_38 = vector.broadcast %jit3A : i32 to vector<512x512xi32>
    %select_n3A = arith.select %eq3A_37, %iota3A, %broadcast_in_dim3A_38 : vector<512x512xi1>, vector<512x512xi32>
    %reduce_min3A_39 = arith.constant dense<2147483647> : vector<512xi32>
    %reduce_min3A_40 = vector.multi_reduction <minsi>, %select_n3A, %reduce_min3A_39 [1] : vector<512x512xi32> to vector<512xi32>
    %broadcast_in_dim3A_41 = vector.shape_cast %reduce_min3A_40 : vector<512xi32> to vector<512x1xi32>
    %eq3A_42 = vector.broadcast %broadcast_in_dim3A_41 : vector<512x1xi32> to vector<512x512xi32>
    %eq3A_43 = arith.cmpi eq, %iota3A, %eq3A_42 : vector<512x512xi32>
    %jit3A_44 = arith.constant 0x7F800000 : f32
    %broadcast_in_dim3A_45 = vector.broadcast %jit3A_44 : f32 to vector<512x512xf32>
    %select_n3A_46 = arith.select %eq3A_43, %broadcast_in_dim3A_45, %sub3A_32 : vector<512x512xi1>, vector<512x512xf32>
    %convert_element_type3A = arith.extui %eq3A_43 : vector<512x512xi1> to vector<512x512xi32>
    %convert_element_type3A_47 = arith.sitofp %convert_element_type3A : vector<512x512xi32> to vector<512x512xf32>
    %dot_general3A_48 = arith.constant dense<0.000000e+00> : vector<512x3xf32>
    %dot_general3A_49 = tpu.matmul %convert_element_type3A_47, %add3A_8, %dot_general3A_48 {dimension_numbers = #tpu.dot_dimension_numbers<[1], [0], [0], [1], [0, 0, 1, 1], [], []>, transpose_lhs_hint = false} : vector<512x512xf32>, vector<512x3xf32>, vector<512x3xf32> -> vector<512x3xf32>
    %dot_general3A_50 = arith.constant dense<0.000000e+00> : vector<512x64xf32>
    %dot_general3A_51 = tpu.matmul %dot_general3A_49, %get3A_14, %dot_general3A_50 {dimension_numbers = #tpu.dot_dimension_numbers<[1], [0], [0], [1], [0, 0, 1, 1], [], []>, transpose_lhs_hint = false} : vector<512x3xf32>, vector<3x64xf32>, vector<512x64xf32> -> vector<512x64xf32>
    %add3A_52 = arith.addf %add3A_21, %dot_general3A_51 : vector<512x64xf32>
    %max3A = arith.constant 0.000000e+00 : f32
    %max3A_53 = vector.broadcast %max3A : f32 to vector<512x64xf32>
    %max3A_54 = arith.maximumf %add3A_52, %max3A_53 : vector<512x64xf32>
    %get3A_55 = arith.constant 0 : index
    %get3A_56 = arith.constant 0 : index
    %get3A_57 = vector.load %arg5[%get3A_55, %get3A_56] : memref<64x64xf32, #tpu.memory_space<vmem>>, vector<64x64xf32>
    %dot_general3A_58 = arith.constant dense<0.000000e+00> : vector<512x64xf32>
    %dot_general3A_59 = tpu.matmul %max3A_54, %get3A_57, %dot_general3A_58 {dimension_numbers = #tpu.dot_dimension_numbers<[1], [0], [0], [1], [0, 0, 1, 1], [], []>, transpose_lhs_hint = false} : vector<512x64xf32>, vector<64x64xf32>, vector<512x64xf32> -> vector<512x64xf32>
    %max3A_60 = arith.maximumf %broadcast_in_dim3A_34, %dot_general3A_59 : vector<512x64xf32>
    %reduce_min3A_61 = arith.constant dense<0x7F800000> : vector<512xf32>
    %reduce_min3A_62 = vector.multi_reduction <minimumf>, %select_n3A_46, %reduce_min3A_61 [1] : vector<512x512xf32> to vector<512xf32>
    %broadcast_in_dim3A_63 = vector.shape_cast %reduce_min3A_62 : vector<512xf32> to vector<512x1xf32>
    %eq3A_64 = vector.broadcast %broadcast_in_dim3A_63 : vector<512x1xf32> to vector<512x512xf32>
    %eq3A_65 = arith.cmpf oeq, %select_n3A_46, %eq3A_64 : vector<512x512xf32>
    %jit3A_66 = arith.constant 512 : i32
    %broadcast_in_dim3A_67 = vector.broadcast %jit3A_66 : i32 to vector<512x512xi32>
    %select_n3A_68 = arith.select %eq3A_65, %iota3A, %broadcast_in_dim3A_67 : vector<512x512xi1>, vector<512x512xi32>
    %reduce_min3A_69 = arith.constant dense<2147483647> : vector<512xi32>
    %reduce_min3A_70 = vector.multi_reduction <minsi>, %select_n3A_68, %reduce_min3A_69 [1] : vector<512x512xi32> to vector<512xi32>
    %broadcast_in_dim3A_71 = vector.shape_cast %reduce_min3A_70 : vector<512xi32> to vector<512x1xi32>
    %eq3A_72 = vector.broadcast %broadcast_in_dim3A_71 : vector<512x1xi32> to vector<512x512xi32>
    %eq3A_73 = arith.cmpi eq, %iota3A, %eq3A_72 : vector<512x512xi32>
    %jit3A_74 = arith.constant 0x7F800000 : f32
    %broadcast_in_dim3A_75 = vector.broadcast %jit3A_74 : f32 to vector<512x512xf32>
    %select_n3A_76 = arith.select %eq3A_73, %broadcast_in_dim3A_75, %select_n3A_46 : vector<512x512xi1>, vector<512x512xf32>
    %convert_element_type3A_77 = arith.extui %eq3A_73 : vector<512x512xi1> to vector<512x512xi32>
    %convert_element_type3A_78 = arith.sitofp %convert_element_type3A_77 : vector<512x512xi32> to vector<512x512xf32>
    %dot_general3A_79 = arith.constant dense<0.000000e+00> : vector<512x3xf32>
    %dot_general3A_80 = tpu.matmul %convert_element_type3A_78, %add3A_8, %dot_general3A_79 {dimension_numbers = #tpu.dot_dimension_numbers<[1], [0], [0], [1], [0, 0, 1, 1], [], []>, transpose_lhs_hint = false} : vector<512x512xf32>, vector<512x3xf32>, vector<512x3xf32> -> vector<512x3xf32>
    %dot_general3A_81 = arith.constant dense<0.000000e+00> : vector<512x64xf32>
    %dot_general3A_82 = tpu.matmul %dot_general3A_80, %get3A_14, %dot_general3A_81 {dimension_numbers = #tpu.dot_dimension_numbers<[1], [0], [0], [1], [0, 0, 1, 1], [], []>, transpose_lhs_hint = false} : vector<512x3xf32>, vector<3x64xf32>, vector<512x64xf32> -> vector<512x64xf32>
    %add3A_83 = arith.addf %add3A_21, %dot_general3A_82 : vector<512x64xf32>
    %max3A_84 = arith.constant 0.000000e+00 : f32
    %max3A_85 = vector.broadcast %max3A_84 : f32 to vector<512x64xf32>
    %max3A_86 = arith.maximumf %add3A_83, %max3A_85 : vector<512x64xf32>
    %get3A_87 = arith.constant 0 : index
    %get3A_88 = arith.constant 0 : index
    %get3A_89 = vector.load %arg5[%get3A_87, %get3A_88] : memref<64x64xf32, #tpu.memory_space<vmem>>, vector<64x64xf32>
    %dot_general3A_90 = arith.constant dense<0.000000e+00> : vector<512x64xf32>
    %dot_general3A_91 = tpu.matmul %max3A_86, %get3A_89, %dot_general3A_90 {dimension_numbers = #tpu.dot_dimension_numbers<[1], [0], [0], [1], [0, 0, 1, 1], [], []>, transpose_lhs_hint = false} : vector<512x64xf32>, vector<64x64xf32>, vector<512x64xf32> -> vector<512x64xf32>
    %max3A_92 = arith.maximumf %max3A_60, %dot_general3A_91 : vector<512x64xf32>
    %reduce_min3A_93 = arith.constant dense<0x7F800000> : vector<512xf32>
    %reduce_min3A_94 = vector.multi_reduction <minimumf>, %select_n3A_76, %reduce_min3A_93 [1] : vector<512x512xf32> to vector<512xf32>
    %broadcast_in_dim3A_95 = vector.shape_cast %reduce_min3A_94 : vector<512xf32> to vector<512x1xf32>
    %eq3A_96 = vector.broadcast %broadcast_in_dim3A_95 : vector<512x1xf32> to vector<512x512xf32>
    %eq3A_97 = arith.cmpf oeq, %select_n3A_76, %eq3A_96 : vector<512x512xf32>
    %jit3A_98 = arith.constant 512 : i32
    %broadcast_in_dim3A_99 = vector.broadcast %jit3A_98 : i32 to vector<512x512xi32>
    %select_n3A_100 = arith.select %eq3A_97, %iota3A, %broadcast_in_dim3A_99 : vector<512x512xi1>, vector<512x512xi32>
    %reduce_min3A_101 = arith.constant dense<2147483647> : vector<512xi32>
    %reduce_min3A_102 = vector.multi_reduction <minsi>, %select_n3A_100, %reduce_min3A_101 [1] : vector<512x512xi32> to vector<512xi32>
    %broadcast_in_dim3A_103 = vector.shape_cast %reduce_min3A_102 : vector<512xi32> to vector<512x1xi32>
    %eq3A_104 = vector.broadcast %broadcast_in_dim3A_103 : vector<512x1xi32> to vector<512x512xi32>
    %eq3A_105 = arith.cmpi eq, %iota3A, %eq3A_104 : vector<512x512xi32>
    %jit3A_106 = arith.constant 0x7F800000 : f32
    %broadcast_in_dim3A_107 = vector.broadcast %jit3A_106 : f32 to vector<512x512xf32>
    %select_n3A_108 = arith.select %eq3A_105, %broadcast_in_dim3A_107, %select_n3A_76 : vector<512x512xi1>, vector<512x512xf32>
    %convert_element_type3A_109 = arith.extui %eq3A_105 : vector<512x512xi1> to vector<512x512xi32>
    %convert_element_type3A_110 = arith.sitofp %convert_element_type3A_109 : vector<512x512xi32> to vector<512x512xf32>
    %dot_general3A_111 = arith.constant dense<0.000000e+00> : vector<512x3xf32>
    %dot_general3A_112 = tpu.matmul %convert_element_type3A_110, %add3A_8, %dot_general3A_111 {dimension_numbers = #tpu.dot_dimension_numbers<[1], [0], [0], [1], [0, 0, 1, 1], [], []>, transpose_lhs_hint = false} : vector<512x512xf32>, vector<512x3xf32>, vector<512x3xf32> -> vector<512x3xf32>
    %dot_general3A_113 = arith.constant dense<0.000000e+00> : vector<512x64xf32>
    %dot_general3A_114 = tpu.matmul %dot_general3A_112, %get3A_14, %dot_general3A_113 {dimension_numbers = #tpu.dot_dimension_numbers<[1], [0], [0], [1], [0, 0, 1, 1], [], []>, transpose_lhs_hint = false} : vector<512x3xf32>, vector<3x64xf32>, vector<512x64xf32> -> vector<512x64xf32>
    %add3A_115 = arith.addf %add3A_21, %dot_general3A_114 : vector<512x64xf32>
    %max3A_116 = arith.constant 0.000000e+00 : f32
    %max3A_117 = vector.broadcast %max3A_116 : f32 to vector<512x64xf32>
    %max3A_118 = arith.maximumf %add3A_115, %max3A_117 : vector<512x64xf32>
    %get3A_119 = arith.constant 0 : index
    %get3A_120 = arith.constant 0 : index
    %get3A_121 = vector.load %arg5[%get3A_119, %get3A_120] : memref<64x64xf32, #tpu.memory_space<vmem>>, vector<64x64xf32>
    %dot_general3A_122 = arith.constant dense<0.000000e+00> : vector<512x64xf32>
    %dot_general3A_123 = tpu.matmul %max3A_118, %get3A_121, %dot_general3A_122 {dimension_numbers = #tpu.dot_dimension_numbers<[1], [0], [0], [1], [0, 0, 1, 1], [], []>, transpose_lhs_hint = false} : vector<512x64xf32>, vector<64x64xf32>, vector<512x64xf32> -> vector<512x64xf32>
    %max3A_124 = arith.maximumf %max3A_92, %dot_general3A_123 : vector<512x64xf32>
    %reduce_min3A_125 = arith.constant dense<0x7F800000> : vector<512xf32>
    %reduce_min3A_126 = vector.multi_reduction <minimumf>, %select_n3A_108, %reduce_min3A_125 [1] : vector<512x512xf32> to vector<512xf32>
    %broadcast_in_dim3A_127 = vector.shape_cast %reduce_min3A_126 : vector<512xf32> to vector<512x1xf32>
    %eq3A_128 = vector.broadcast %broadcast_in_dim3A_127 : vector<512x1xf32> to vector<512x512xf32>
    %eq3A_129 = arith.cmpf oeq, %select_n3A_108, %eq3A_128 : vector<512x512xf32>
    %jit3A_130 = arith.constant 512 : i32
    %broadcast_in_dim3A_131 = vector.broadcast %jit3A_130 : i32 to vector<512x512xi32>
    %select_n3A_132 = arith.select %eq3A_129, %iota3A, %broadcast_in_dim3A_131 : vector<512x512xi1>, vector<512x512xi32>
    %reduce_min3A_133 = arith.constant dense<2147483647> : vector<512xi32>
    %reduce_min3A_134 = vector.multi_reduction <minsi>, %select_n3A_132, %reduce_min3A_133 [1] : vector<512x512xi32> to vector<512xi32>
    %broadcast_in_dim3A_135 = vector.shape_cast %reduce_min3A_134 : vector<512xi32> to vector<512x1xi32>
    %eq3A_136 = vector.broadcast %broadcast_in_dim3A_135 : vector<512x1xi32> to vector<512x512xi32>
    %eq3A_137 = arith.cmpi eq, %iota3A, %eq3A_136 : vector<512x512xi32>
    %jit3A_138 = arith.constant 0x7F800000 : f32
    %broadcast_in_dim3A_139 = vector.broadcast %jit3A_138 : f32 to vector<512x512xf32>
    %select_n3A_140 = arith.select %eq3A_137, %broadcast_in_dim3A_139, %select_n3A_108 : vector<512x512xi1>, vector<512x512xf32>
    %convert_element_type3A_141 = arith.extui %eq3A_137 : vector<512x512xi1> to vector<512x512xi32>
    %convert_element_type3A_142 = arith.sitofp %convert_element_type3A_141 : vector<512x512xi32> to vector<512x512xf32>
    %dot_general3A_143 = arith.constant dense<0.000000e+00> : vector<512x3xf32>
    %dot_general3A_144 = tpu.matmul %convert_element_type3A_142, %add3A_8, %dot_general3A_143 {dimension_numbers = #tpu.dot_dimension_numbers<[1], [0], [0], [1], [0, 0, 1, 1], [], []>, transpose_lhs_hint = false} : vector<512x512xf32>, vector<512x3xf32>, vector<512x3xf32> -> vector<512x3xf32>
    %dot_general3A_145 = arith.constant dense<0.000000e+00> : vector<512x64xf32>
    %dot_general3A_146 = tpu.matmul %dot_general3A_144, %get3A_14, %dot_general3A_145 {dimension_numbers = #tpu.dot_dimension_numbers<[1], [0], [0], [1], [0, 0, 1, 1], [], []>, transpose_lhs_hint = false} : vector<512x3xf32>, vector<3x64xf32>, vector<512x64xf32> -> vector<512x64xf32>
    %add3A_147 = arith.addf %add3A_21, %dot_general3A_146 : vector<512x64xf32>
    %max3A_148 = arith.constant 0.000000e+00 : f32
    %max3A_149 = vector.broadcast %max3A_148 : f32 to vector<512x64xf32>
    %max3A_150 = arith.maximumf %add3A_147, %max3A_149 : vector<512x64xf32>
    %get3A_151 = arith.constant 0 : index
    %get3A_152 = arith.constant 0 : index
    %get3A_153 = vector.load %arg5[%get3A_151, %get3A_152] : memref<64x64xf32, #tpu.memory_space<vmem>>, vector<64x64xf32>
    %dot_general3A_154 = arith.constant dense<0.000000e+00> : vector<512x64xf32>
    %dot_general3A_155 = tpu.matmul %max3A_150, %get3A_153, %dot_general3A_154 {dimension_numbers = #tpu.dot_dimension_numbers<[1], [0], [0], [1], [0, 0, 1, 1], [], []>, transpose_lhs_hint = false} : vector<512x64xf32>, vector<64x64xf32>, vector<512x64xf32> -> vector<512x64xf32>
    %max3A_156 = arith.maximumf %max3A_124, %dot_general3A_155 : vector<512x64xf32>
    %reduce_min3A_157 = arith.constant dense<0x7F800000> : vector<512xf32>
    %reduce_min3A_158 = vector.multi_reduction <minimumf>, %select_n3A_140, %reduce_min3A_157 [1] : vector<512x512xf32> to vector<512xf32>
    %broadcast_in_dim3A_159 = vector.shape_cast %reduce_min3A_158 : vector<512xf32> to vector<512x1xf32>
    %eq3A_160 = vector.broadcast %broadcast_in_dim3A_159 : vector<512x1xf32> to vector<512x512xf32>
    %eq3A_161 = arith.cmpf oeq, %select_n3A_140, %eq3A_160 : vector<512x512xf32>
    %jit3A_162 = arith.constant 512 : i32
    %broadcast_in_dim3A_163 = vector.broadcast %jit3A_162 : i32 to vector<512x512xi32>
    %select_n3A_164 = arith.select %eq3A_161, %iota3A, %broadcast_in_dim3A_163 : vector<512x512xi1>, vector<512x512xi32>
    %reduce_min3A_165 = arith.constant dense<2147483647> : vector<512xi32>
    %reduce_min3A_166 = vector.multi_reduction <minsi>, %select_n3A_164, %reduce_min3A_165 [1] : vector<512x512xi32> to vector<512xi32>
    %broadcast_in_dim3A_167 = vector.shape_cast %reduce_min3A_166 : vector<512xi32> to vector<512x1xi32>
    %eq3A_168 = vector.broadcast %broadcast_in_dim3A_167 : vector<512x1xi32> to vector<512x512xi32>
    %eq3A_169 = arith.cmpi eq, %iota3A, %eq3A_168 : vector<512x512xi32>
    %jit3A_170 = arith.constant 0x7F800000 : f32
    %broadcast_in_dim3A_171 = vector.broadcast %jit3A_170 : f32 to vector<512x512xf32>
    %select_n3A_172 = arith.select %eq3A_169, %broadcast_in_dim3A_171, %select_n3A_140 : vector<512x512xi1>, vector<512x512xf32>
    %convert_element_type3A_173 = arith.extui %eq3A_169 : vector<512x512xi1> to vector<512x512xi32>
    %convert_element_type3A_174 = arith.sitofp %convert_element_type3A_173 : vector<512x512xi32> to vector<512x512xf32>
    %dot_general3A_175 = arith.constant dense<0.000000e+00> : vector<512x3xf32>
    %dot_general3A_176 = tpu.matmul %convert_element_type3A_174, %add3A_8, %dot_general3A_175 {dimension_numbers = #tpu.dot_dimension_numbers<[1], [0], [0], [1], [0, 0, 1, 1], [], []>, transpose_lhs_hint = false} : vector<512x512xf32>, vector<512x3xf32>, vector<512x3xf32> -> vector<512x3xf32>
    %dot_general3A_177 = arith.constant dense<0.000000e+00> : vector<512x64xf32>
    %dot_general3A_178 = tpu.matmul %dot_general3A_176, %get3A_14, %dot_general3A_177 {dimension_numbers = #tpu.dot_dimension_numbers<[1], [0], [0], [1], [0, 0, 1, 1], [], []>, transpose_lhs_hint = false} : vector<512x3xf32>, vector<3x64xf32>, vector<512x64xf32> -> vector<512x64xf32>
    %add3A_179 = arith.addf %add3A_21, %dot_general3A_178 : vector<512x64xf32>
    %max3A_180 = arith.constant 0.000000e+00 : f32
    %max3A_181 = vector.broadcast %max3A_180 : f32 to vector<512x64xf32>
    %max3A_182 = arith.maximumf %add3A_179, %max3A_181 : vector<512x64xf32>
    %get3A_183 = arith.constant 0 : index
    %get3A_184 = arith.constant 0 : index
    %get3A_185 = vector.load %arg5[%get3A_183, %get3A_184] : memref<64x64xf32, #tpu.memory_space<vmem>>, vector<64x64xf32>
    %dot_general3A_186 = arith.constant dense<0.000000e+00> : vector<512x64xf32>
    %dot_general3A_187 = tpu.matmul %max3A_182, %get3A_185, %dot_general3A_186 {dimension_numbers = #tpu.dot_dimension_numbers<[1], [0], [0], [1], [0, 0, 1, 1], [], []>, transpose_lhs_hint = false} : vector<512x64xf32>, vector<64x64xf32>, vector<512x64xf32> -> vector<512x64xf32>
    %max3A_188 = arith.maximumf %max3A_156, %dot_general3A_187 : vector<512x64xf32>
    %reduce_min3A_189 = arith.constant dense<0x7F800000> : vector<512xf32>
    %reduce_min3A_190 = vector.multi_reduction <minimumf>, %select_n3A_172, %reduce_min3A_189 [1] : vector<512x512xf32> to vector<512xf32>
    %broadcast_in_dim3A_191 = vector.shape_cast %reduce_min3A_190 : vector<512xf32> to vector<512x1xf32>
    %eq3A_192 = vector.broadcast %broadcast_in_dim3A_191 : vector<512x1xf32> to vector<512x512xf32>
    %eq3A_193 = arith.cmpf oeq, %select_n3A_172, %eq3A_192 : vector<512x512xf32>
    %jit3A_194 = arith.constant 512 : i32
    %broadcast_in_dim3A_195 = vector.broadcast %jit3A_194 : i32 to vector<512x512xi32>
    %select_n3A_196 = arith.select %eq3A_193, %iota3A, %broadcast_in_dim3A_195 : vector<512x512xi1>, vector<512x512xi32>
    %reduce_min3A_197 = arith.constant dense<2147483647> : vector<512xi32>
    %reduce_min3A_198 = vector.multi_reduction <minsi>, %select_n3A_196, %reduce_min3A_197 [1] : vector<512x512xi32> to vector<512xi32>
    %broadcast_in_dim3A_199 = vector.shape_cast %reduce_min3A_198 : vector<512xi32> to vector<512x1xi32>
    %eq3A_200 = vector.broadcast %broadcast_in_dim3A_199 : vector<512x1xi32> to vector<512x512xi32>
    %eq3A_201 = arith.cmpi eq, %iota3A, %eq3A_200 : vector<512x512xi32>
    %jit3A_202 = arith.constant 0x7F800000 : f32
    %broadcast_in_dim3A_203 = vector.broadcast %jit3A_202 : f32 to vector<512x512xf32>
    %select_n3A_204 = arith.select %eq3A_201, %broadcast_in_dim3A_203, %select_n3A_172 : vector<512x512xi1>, vector<512x512xf32>
    %convert_element_type3A_205 = arith.extui %eq3A_201 : vector<512x512xi1> to vector<512x512xi32>
    %convert_element_type3A_206 = arith.sitofp %convert_element_type3A_205 : vector<512x512xi32> to vector<512x512xf32>
    %dot_general3A_207 = arith.constant dense<0.000000e+00> : vector<512x3xf32>
    %dot_general3A_208 = tpu.matmul %convert_element_type3A_206, %add3A_8, %dot_general3A_207 {dimension_numbers = #tpu.dot_dimension_numbers<[1], [0], [0], [1], [0, 0, 1, 1], [], []>, transpose_lhs_hint = false} : vector<512x512xf32>, vector<512x3xf32>, vector<512x3xf32> -> vector<512x3xf32>
    %dot_general3A_209 = arith.constant dense<0.000000e+00> : vector<512x64xf32>
    %dot_general3A_210 = tpu.matmul %dot_general3A_208, %get3A_14, %dot_general3A_209 {dimension_numbers = #tpu.dot_dimension_numbers<[1], [0], [0], [1], [0, 0, 1, 1], [], []>, transpose_lhs_hint = false} : vector<512x3xf32>, vector<3x64xf32>, vector<512x64xf32> -> vector<512x64xf32>
    %add3A_211 = arith.addf %add3A_21, %dot_general3A_210 : vector<512x64xf32>
    %max3A_212 = arith.constant 0.000000e+00 : f32
    %max3A_213 = vector.broadcast %max3A_212 : f32 to vector<512x64xf32>
    %max3A_214 = arith.maximumf %add3A_211, %max3A_213 : vector<512x64xf32>
    %get3A_215 = arith.constant 0 : index
    %get3A_216 = arith.constant 0 : index
    %get3A_217 = vector.load %arg5[%get3A_215, %get3A_216] : memref<64x64xf32, #tpu.memory_space<vmem>>, vector<64x64xf32>
    %dot_general3A_218 = arith.constant dense<0.000000e+00> : vector<512x64xf32>
    %dot_general3A_219 = tpu.matmul %max3A_214, %get3A_217, %dot_general3A_218 {dimension_numbers = #tpu.dot_dimension_numbers<[1], [0], [0], [1], [0, 0, 1, 1], [], []>, transpose_lhs_hint = false} : vector<512x64xf32>, vector<64x64xf32>, vector<512x64xf32> -> vector<512x64xf32>
    %max3A_220 = arith.maximumf %max3A_188, %dot_general3A_219 : vector<512x64xf32>
    %reduce_min3A_221 = arith.constant dense<0x7F800000> : vector<512xf32>
    %reduce_min3A_222 = vector.multi_reduction <minimumf>, %select_n3A_204, %reduce_min3A_221 [1] : vector<512x512xf32> to vector<512xf32>
    %broadcast_in_dim3A_223 = vector.shape_cast %reduce_min3A_222 : vector<512xf32> to vector<512x1xf32>
    %eq3A_224 = vector.broadcast %broadcast_in_dim3A_223 : vector<512x1xf32> to vector<512x512xf32>
    %eq3A_225 = arith.cmpf oeq, %select_n3A_204, %eq3A_224 : vector<512x512xf32>
    %jit3A_226 = arith.constant 512 : i32
    %broadcast_in_dim3A_227 = vector.broadcast %jit3A_226 : i32 to vector<512x512xi32>
    %select_n3A_228 = arith.select %eq3A_225, %iota3A, %broadcast_in_dim3A_227 : vector<512x512xi1>, vector<512x512xi32>
    %reduce_min3A_229 = arith.constant dense<2147483647> : vector<512xi32>
    %reduce_min3A_230 = vector.multi_reduction <minsi>, %select_n3A_228, %reduce_min3A_229 [1] : vector<512x512xi32> to vector<512xi32>
    %broadcast_in_dim3A_231 = vector.shape_cast %reduce_min3A_230 : vector<512xi32> to vector<512x1xi32>
    %eq3A_232 = vector.broadcast %broadcast_in_dim3A_231 : vector<512x1xi32> to vector<512x512xi32>
    %eq3A_233 = arith.cmpi eq, %iota3A, %eq3A_232 : vector<512x512xi32>
    %jit3A_234 = arith.constant 0x7F800000 : f32
    %broadcast_in_dim3A_235 = vector.broadcast %jit3A_234 : f32 to vector<512x512xf32>
    %select_n3A_236 = arith.select %eq3A_233, %broadcast_in_dim3A_235, %select_n3A_204 : vector<512x512xi1>, vector<512x512xf32>
    %convert_element_type3A_237 = arith.extui %eq3A_233 : vector<512x512xi1> to vector<512x512xi32>
    %convert_element_type3A_238 = arith.sitofp %convert_element_type3A_237 : vector<512x512xi32> to vector<512x512xf32>
    %dot_general3A_239 = arith.constant dense<0.000000e+00> : vector<512x3xf32>
    %dot_general3A_240 = tpu.matmul %convert_element_type3A_238, %add3A_8, %dot_general3A_239 {dimension_numbers = #tpu.dot_dimension_numbers<[1], [0], [0], [1], [0, 0, 1, 1], [], []>, transpose_lhs_hint = false} : vector<512x512xf32>, vector<512x3xf32>, vector<512x3xf32> -> vector<512x3xf32>
    %dot_general3A_241 = arith.constant dense<0.000000e+00> : vector<512x64xf32>
    %dot_general3A_242 = tpu.matmul %dot_general3A_240, %get3A_14, %dot_general3A_241 {dimension_numbers = #tpu.dot_dimension_numbers<[1], [0], [0], [1], [0, 0, 1, 1], [], []>, transpose_lhs_hint = false} : vector<512x3xf32>, vector<3x64xf32>, vector<512x64xf32> -> vector<512x64xf32>
    %add3A_243 = arith.addf %add3A_21, %dot_general3A_242 : vector<512x64xf32>
    %max3A_244 = arith.constant 0.000000e+00 : f32
    %max3A_245 = vector.broadcast %max3A_244 : f32 to vector<512x64xf32>
    %max3A_246 = arith.maximumf %add3A_243, %max3A_245 : vector<512x64xf32>
    %get3A_247 = arith.constant 0 : index
    %get3A_248 = arith.constant 0 : index
    %get3A_249 = vector.load %arg5[%get3A_247, %get3A_248] : memref<64x64xf32, #tpu.memory_space<vmem>>, vector<64x64xf32>
    %dot_general3A_250 = arith.constant dense<0.000000e+00> : vector<512x64xf32>
    %dot_general3A_251 = tpu.matmul %max3A_246, %get3A_249, %dot_general3A_250 {dimension_numbers = #tpu.dot_dimension_numbers<[1], [0], [0], [1], [0, 0, 1, 1], [], []>, transpose_lhs_hint = false} : vector<512x64xf32>, vector<64x64xf32>, vector<512x64xf32> -> vector<512x64xf32>
    %max3A_252 = arith.maximumf %max3A_220, %dot_general3A_251 : vector<512x64xf32>
    %reduce_min3A_253 = arith.constant dense<0x7F800000> : vector<512xf32>
    %reduce_min3A_254 = vector.multi_reduction <minimumf>, %select_n3A_236, %reduce_min3A_253 [1] : vector<512x512xf32> to vector<512xf32>
    %broadcast_in_dim3A_255 = vector.shape_cast %reduce_min3A_254 : vector<512xf32> to vector<512x1xf32>
    %eq3A_256 = vector.broadcast %broadcast_in_dim3A_255 : vector<512x1xf32> to vector<512x512xf32>
    %eq3A_257 = arith.cmpf oeq, %select_n3A_236, %eq3A_256 : vector<512x512xf32>
    %jit3A_258 = arith.constant 512 : i32
    %broadcast_in_dim3A_259 = vector.broadcast %jit3A_258 : i32 to vector<512x512xi32>
    %select_n3A_260 = arith.select %eq3A_257, %iota3A, %broadcast_in_dim3A_259 : vector<512x512xi1>, vector<512x512xi32>
    %reduce_min3A_261 = arith.constant dense<2147483647> : vector<512xi32>
    %reduce_min3A_262 = vector.multi_reduction <minsi>, %select_n3A_260, %reduce_min3A_261 [1] : vector<512x512xi32> to vector<512xi32>
    %broadcast_in_dim3A_263 = vector.shape_cast %reduce_min3A_262 : vector<512xi32> to vector<512x1xi32>
    %eq3A_264 = vector.broadcast %broadcast_in_dim3A_263 : vector<512x1xi32> to vector<512x512xi32>
    %eq3A_265 = arith.cmpi eq, %iota3A, %eq3A_264 : vector<512x512xi32>
    %jit3A_266 = arith.constant 0x7F800000 : f32
    %broadcast_in_dim3A_267 = vector.broadcast %jit3A_266 : f32 to vector<512x512xf32>
    %select_n3A_268 = arith.select %eq3A_265, %broadcast_in_dim3A_267, %select_n3A_236 : vector<512x512xi1>, vector<512x512xf32>
    %convert_element_type3A_269 = arith.extui %eq3A_265 : vector<512x512xi1> to vector<512x512xi32>
    %convert_element_type3A_270 = arith.sitofp %convert_element_type3A_269 : vector<512x512xi32> to vector<512x512xf32>
    %dot_general3A_271 = arith.constant dense<0.000000e+00> : vector<512x3xf32>
    %dot_general3A_272 = tpu.matmul %convert_element_type3A_270, %add3A_8, %dot_general3A_271 {dimension_numbers = #tpu.dot_dimension_numbers<[1], [0], [0], [1], [0, 0, 1, 1], [], []>, transpose_lhs_hint = false} : vector<512x512xf32>, vector<512x3xf32>, vector<512x3xf32> -> vector<512x3xf32>
    %dot_general3A_273 = arith.constant dense<0.000000e+00> : vector<512x64xf32>
    %dot_general3A_274 = tpu.matmul %dot_general3A_272, %get3A_14, %dot_general3A_273 {dimension_numbers = #tpu.dot_dimension_numbers<[1], [0], [0], [1], [0, 0, 1, 1], [], []>, transpose_lhs_hint = false} : vector<512x3xf32>, vector<3x64xf32>, vector<512x64xf32> -> vector<512x64xf32>
    %add3A_275 = arith.addf %add3A_21, %dot_general3A_274 : vector<512x64xf32>
    %max3A_276 = arith.constant 0.000000e+00 : f32
    %max3A_277 = vector.broadcast %max3A_276 : f32 to vector<512x64xf32>
    %max3A_278 = arith.maximumf %add3A_275, %max3A_277 : vector<512x64xf32>
    %get3A_279 = arith.constant 0 : index
    %get3A_280 = arith.constant 0 : index
    %get3A_281 = vector.load %arg5[%get3A_279, %get3A_280] : memref<64x64xf32, #tpu.memory_space<vmem>>, vector<64x64xf32>
    %dot_general3A_282 = arith.constant dense<0.000000e+00> : vector<512x64xf32>
    %dot_general3A_283 = tpu.matmul %max3A_278, %get3A_281, %dot_general3A_282 {dimension_numbers = #tpu.dot_dimension_numbers<[1], [0], [0], [1], [0, 0, 1, 1], [], []>, transpose_lhs_hint = false} : vector<512x64xf32>, vector<64x64xf32>, vector<512x64xf32> -> vector<512x64xf32>
    %max3A_284 = arith.maximumf %max3A_252, %dot_general3A_283 : vector<512x64xf32>
    %reduce_min3A_285 = arith.constant dense<0x7F800000> : vector<512xf32>
    %reduce_min3A_286 = vector.multi_reduction <minimumf>, %select_n3A_268, %reduce_min3A_285 [1] : vector<512x512xf32> to vector<512xf32>
    %broadcast_in_dim3A_287 = vector.shape_cast %reduce_min3A_286 : vector<512xf32> to vector<512x1xf32>
    %eq3A_288 = vector.broadcast %broadcast_in_dim3A_287 : vector<512x1xf32> to vector<512x512xf32>
    %eq3A_289 = arith.cmpf oeq, %select_n3A_268, %eq3A_288 : vector<512x512xf32>
    %jit3A_290 = arith.constant 512 : i32
    %broadcast_in_dim3A_291 = vector.broadcast %jit3A_290 : i32 to vector<512x512xi32>
    %select_n3A_292 = arith.select %eq3A_289, %iota3A, %broadcast_in_dim3A_291 : vector<512x512xi1>, vector<512x512xi32>
    %reduce_min3A_293 = arith.constant dense<2147483647> : vector<512xi32>
    %reduce_min3A_294 = vector.multi_reduction <minsi>, %select_n3A_292, %reduce_min3A_293 [1] : vector<512x512xi32> to vector<512xi32>
    %broadcast_in_dim3A_295 = vector.shape_cast %reduce_min3A_294 : vector<512xi32> to vector<512x1xi32>
    %eq3A_296 = vector.broadcast %broadcast_in_dim3A_295 : vector<512x1xi32> to vector<512x512xi32>
    %eq3A_297 = arith.cmpi eq, %iota3A, %eq3A_296 : vector<512x512xi32>
    %jit3A_298 = arith.constant 0x7F800000 : f32
    %broadcast_in_dim3A_299 = vector.broadcast %jit3A_298 : f32 to vector<512x512xf32>
    %select_n3A_300 = arith.select %eq3A_297, %broadcast_in_dim3A_299, %select_n3A_268 : vector<512x512xi1>, vector<512x512xf32>
    %convert_element_type3A_301 = arith.extui %eq3A_297 : vector<512x512xi1> to vector<512x512xi32>
    %convert_element_type3A_302 = arith.sitofp %convert_element_type3A_301 : vector<512x512xi32> to vector<512x512xf32>
    %dot_general3A_303 = arith.constant dense<0.000000e+00> : vector<512x3xf32>
    %dot_general3A_304 = tpu.matmul %convert_element_type3A_302, %add3A_8, %dot_general3A_303 {dimension_numbers = #tpu.dot_dimension_numbers<[1], [0], [0], [1], [0, 0, 1, 1], [], []>, transpose_lhs_hint = false} : vector<512x512xf32>, vector<512x3xf32>, vector<512x3xf32> -> vector<512x3xf32>
    %dot_general3A_305 = arith.constant dense<0.000000e+00> : vector<512x64xf32>
    %dot_general3A_306 = tpu.matmul %dot_general3A_304, %get3A_14, %dot_general3A_305 {dimension_numbers = #tpu.dot_dimension_numbers<[1], [0], [0], [1], [0, 0, 1, 1], [], []>, transpose_lhs_hint = false} : vector<512x3xf32>, vector<3x64xf32>, vector<512x64xf32> -> vector<512x64xf32>
    %add3A_307 = arith.addf %add3A_21, %dot_general3A_306 : vector<512x64xf32>
    %max3A_308 = arith.constant 0.000000e+00 : f32
    %max3A_309 = vector.broadcast %max3A_308 : f32 to vector<512x64xf32>
    %max3A_310 = arith.maximumf %add3A_307, %max3A_309 : vector<512x64xf32>
    %get3A_311 = arith.constant 0 : index
    %get3A_312 = arith.constant 0 : index
    %get3A_313 = vector.load %arg5[%get3A_311, %get3A_312] : memref<64x64xf32, #tpu.memory_space<vmem>>, vector<64x64xf32>
    %dot_general3A_314 = arith.constant dense<0.000000e+00> : vector<512x64xf32>
    %dot_general3A_315 = tpu.matmul %max3A_310, %get3A_313, %dot_general3A_314 {dimension_numbers = #tpu.dot_dimension_numbers<[1], [0], [0], [1], [0, 0, 1, 1], [], []>, transpose_lhs_hint = false} : vector<512x64xf32>, vector<64x64xf32>, vector<512x64xf32> -> vector<512x64xf32>
    %max3A_316 = arith.maximumf %max3A_284, %dot_general3A_315 : vector<512x64xf32>
    %reduce_min3A_317 = arith.constant dense<0x7F800000> : vector<512xf32>
    %reduce_min3A_318 = vector.multi_reduction <minimumf>, %select_n3A_300, %reduce_min3A_317 [1] : vector<512x512xf32> to vector<512xf32>
    %broadcast_in_dim3A_319 = vector.shape_cast %reduce_min3A_318 : vector<512xf32> to vector<512x1xf32>
    %eq3A_320 = vector.broadcast %broadcast_in_dim3A_319 : vector<512x1xf32> to vector<512x512xf32>
    %eq3A_321 = arith.cmpf oeq, %select_n3A_300, %eq3A_320 : vector<512x512xf32>
    %jit3A_322 = arith.constant 512 : i32
    %broadcast_in_dim3A_323 = vector.broadcast %jit3A_322 : i32 to vector<512x512xi32>
    %select_n3A_324 = arith.select %eq3A_321, %iota3A, %broadcast_in_dim3A_323 : vector<512x512xi1>, vector<512x512xi32>
    %reduce_min3A_325 = arith.constant dense<2147483647> : vector<512xi32>
    %reduce_min3A_326 = vector.multi_reduction <minsi>, %select_n3A_324, %reduce_min3A_325 [1] : vector<512x512xi32> to vector<512xi32>
    %broadcast_in_dim3A_327 = vector.shape_cast %reduce_min3A_326 : vector<512xi32> to vector<512x1xi32>
    %eq3A_328 = vector.broadcast %broadcast_in_dim3A_327 : vector<512x1xi32> to vector<512x512xi32>
    %eq3A_329 = arith.cmpi eq, %iota3A, %eq3A_328 : vector<512x512xi32>
    %jit3A_330 = arith.constant 0x7F800000 : f32
    %broadcast_in_dim3A_331 = vector.broadcast %jit3A_330 : f32 to vector<512x512xf32>
    %select_n3A_332 = arith.select %eq3A_329, %broadcast_in_dim3A_331, %select_n3A_300 : vector<512x512xi1>, vector<512x512xf32>
    %convert_element_type3A_333 = arith.extui %eq3A_329 : vector<512x512xi1> to vector<512x512xi32>
    %convert_element_type3A_334 = arith.sitofp %convert_element_type3A_333 : vector<512x512xi32> to vector<512x512xf32>
    %dot_general3A_335 = arith.constant dense<0.000000e+00> : vector<512x3xf32>
    %dot_general3A_336 = tpu.matmul %convert_element_type3A_334, %add3A_8, %dot_general3A_335 {dimension_numbers = #tpu.dot_dimension_numbers<[1], [0], [0], [1], [0, 0, 1, 1], [], []>, transpose_lhs_hint = false} : vector<512x512xf32>, vector<512x3xf32>, vector<512x3xf32> -> vector<512x3xf32>
    %dot_general3A_337 = arith.constant dense<0.000000e+00> : vector<512x64xf32>
    %dot_general3A_338 = tpu.matmul %dot_general3A_336, %get3A_14, %dot_general3A_337 {dimension_numbers = #tpu.dot_dimension_numbers<[1], [0], [0], [1], [0, 0, 1, 1], [], []>, transpose_lhs_hint = false} : vector<512x3xf32>, vector<3x64xf32>, vector<512x64xf32> -> vector<512x64xf32>
    %add3A_339 = arith.addf %add3A_21, %dot_general3A_338 : vector<512x64xf32>
    %max3A_340 = arith.constant 0.000000e+00 : f32
    %max3A_341 = vector.broadcast %max3A_340 : f32 to vector<512x64xf32>
    %max3A_342 = arith.maximumf %add3A_339, %max3A_341 : vector<512x64xf32>
    %get3A_343 = arith.constant 0 : index
    %get3A_344 = arith.constant 0 : index
    %get3A_345 = vector.load %arg5[%get3A_343, %get3A_344] : memref<64x64xf32, #tpu.memory_space<vmem>>, vector<64x64xf32>
    %dot_general3A_346 = arith.constant dense<0.000000e+00> : vector<512x64xf32>
    %dot_general3A_347 = tpu.matmul %max3A_342, %get3A_345, %dot_general3A_346 {dimension_numbers = #tpu.dot_dimension_numbers<[1], [0], [0], [1], [0, 0, 1, 1], [], []>, transpose_lhs_hint = false} : vector<512x64xf32>, vector<64x64xf32>, vector<512x64xf32> -> vector<512x64xf32>
    %max3A_348 = arith.maximumf %max3A_316, %dot_general3A_347 : vector<512x64xf32>
    %reduce_min3A_349 = arith.constant dense<0x7F800000> : vector<512xf32>
    %reduce_min3A_350 = vector.multi_reduction <minimumf>, %select_n3A_332, %reduce_min3A_349 [1] : vector<512x512xf32> to vector<512xf32>
    %broadcast_in_dim3A_351 = vector.shape_cast %reduce_min3A_350 : vector<512xf32> to vector<512x1xf32>
    %eq3A_352 = vector.broadcast %broadcast_in_dim3A_351 : vector<512x1xf32> to vector<512x512xf32>
    %eq3A_353 = arith.cmpf oeq, %select_n3A_332, %eq3A_352 : vector<512x512xf32>
    %jit3A_354 = arith.constant 512 : i32
    %broadcast_in_dim3A_355 = vector.broadcast %jit3A_354 : i32 to vector<512x512xi32>
    %select_n3A_356 = arith.select %eq3A_353, %iota3A, %broadcast_in_dim3A_355 : vector<512x512xi1>, vector<512x512xi32>
    %reduce_min3A_357 = arith.constant dense<2147483647> : vector<512xi32>
    %reduce_min3A_358 = vector.multi_reduction <minsi>, %select_n3A_356, %reduce_min3A_357 [1] : vector<512x512xi32> to vector<512xi32>
    %broadcast_in_dim3A_359 = vector.shape_cast %reduce_min3A_358 : vector<512xi32> to vector<512x1xi32>
    %eq3A_360 = vector.broadcast %broadcast_in_dim3A_359 : vector<512x1xi32> to vector<512x512xi32>
    %eq3A_361 = arith.cmpi eq, %iota3A, %eq3A_360 : vector<512x512xi32>
    %jit3A_362 = arith.constant 0x7F800000 : f32
    %broadcast_in_dim3A_363 = vector.broadcast %jit3A_362 : f32 to vector<512x512xf32>
    %select_n3A_364 = arith.select %eq3A_361, %broadcast_in_dim3A_363, %select_n3A_332 : vector<512x512xi1>, vector<512x512xf32>
    %convert_element_type3A_365 = arith.extui %eq3A_361 : vector<512x512xi1> to vector<512x512xi32>
    %convert_element_type3A_366 = arith.sitofp %convert_element_type3A_365 : vector<512x512xi32> to vector<512x512xf32>
    %dot_general3A_367 = arith.constant dense<0.000000e+00> : vector<512x3xf32>
    %dot_general3A_368 = tpu.matmul %convert_element_type3A_366, %add3A_8, %dot_general3A_367 {dimension_numbers = #tpu.dot_dimension_numbers<[1], [0], [0], [1], [0, 0, 1, 1], [], []>, transpose_lhs_hint = false} : vector<512x512xf32>, vector<512x3xf32>, vector<512x3xf32> -> vector<512x3xf32>
    %dot_general3A_369 = arith.constant dense<0.000000e+00> : vector<512x64xf32>
    %dot_general3A_370 = tpu.matmul %dot_general3A_368, %get3A_14, %dot_general3A_369 {dimension_numbers = #tpu.dot_dimension_numbers<[1], [0], [0], [1], [0, 0, 1, 1], [], []>, transpose_lhs_hint = false} : vector<512x3xf32>, vector<3x64xf32>, vector<512x64xf32> -> vector<512x64xf32>
    %add3A_371 = arith.addf %add3A_21, %dot_general3A_370 : vector<512x64xf32>
    %max3A_372 = arith.constant 0.000000e+00 : f32
    %max3A_373 = vector.broadcast %max3A_372 : f32 to vector<512x64xf32>
    %max3A_374 = arith.maximumf %add3A_371, %max3A_373 : vector<512x64xf32>
    %get3A_375 = arith.constant 0 : index
    %get3A_376 = arith.constant 0 : index
    %get3A_377 = vector.load %arg5[%get3A_375, %get3A_376] : memref<64x64xf32, #tpu.memory_space<vmem>>, vector<64x64xf32>
    %dot_general3A_378 = arith.constant dense<0.000000e+00> : vector<512x64xf32>
    %dot_general3A_379 = tpu.matmul %max3A_374, %get3A_377, %dot_general3A_378 {dimension_numbers = #tpu.dot_dimension_numbers<[1], [0], [0], [1], [0, 0, 1, 1], [], []>, transpose_lhs_hint = false} : vector<512x64xf32>, vector<64x64xf32>, vector<512x64xf32> -> vector<512x64xf32>
    %max3A_380 = arith.maximumf %max3A_348, %dot_general3A_379 : vector<512x64xf32>
    %reduce_min3A_381 = arith.constant dense<0x7F800000> : vector<512xf32>
    %reduce_min3A_382 = vector.multi_reduction <minimumf>, %select_n3A_364, %reduce_min3A_381 [1] : vector<512x512xf32> to vector<512xf32>
    %broadcast_in_dim3A_383 = vector.shape_cast %reduce_min3A_382 : vector<512xf32> to vector<512x1xf32>
    %eq3A_384 = vector.broadcast %broadcast_in_dim3A_383 : vector<512x1xf32> to vector<512x512xf32>
    %eq3A_385 = arith.cmpf oeq, %select_n3A_364, %eq3A_384 : vector<512x512xf32>
    %jit3A_386 = arith.constant 512 : i32
    %broadcast_in_dim3A_387 = vector.broadcast %jit3A_386 : i32 to vector<512x512xi32>
    %select_n3A_388 = arith.select %eq3A_385, %iota3A, %broadcast_in_dim3A_387 : vector<512x512xi1>, vector<512x512xi32>
    %reduce_min3A_389 = arith.constant dense<2147483647> : vector<512xi32>
    %reduce_min3A_390 = vector.multi_reduction <minsi>, %select_n3A_388, %reduce_min3A_389 [1] : vector<512x512xi32> to vector<512xi32>
    %broadcast_in_dim3A_391 = vector.shape_cast %reduce_min3A_390 : vector<512xi32> to vector<512x1xi32>
    %eq3A_392 = vector.broadcast %broadcast_in_dim3A_391 : vector<512x1xi32> to vector<512x512xi32>
    %eq3A_393 = arith.cmpi eq, %iota3A, %eq3A_392 : vector<512x512xi32>
    %jit3A_394 = arith.constant 0x7F800000 : f32
    %broadcast_in_dim3A_395 = vector.broadcast %jit3A_394 : f32 to vector<512x512xf32>
    %select_n3A_396 = arith.select %eq3A_393, %broadcast_in_dim3A_395, %select_n3A_364 : vector<512x512xi1>, vector<512x512xf32>
    %convert_element_type3A_397 = arith.extui %eq3A_393 : vector<512x512xi1> to vector<512x512xi32>
    %convert_element_type3A_398 = arith.sitofp %convert_element_type3A_397 : vector<512x512xi32> to vector<512x512xf32>
    %dot_general3A_399 = arith.constant dense<0.000000e+00> : vector<512x3xf32>
    %dot_general3A_400 = tpu.matmul %convert_element_type3A_398, %add3A_8, %dot_general3A_399 {dimension_numbers = #tpu.dot_dimension_numbers<[1], [0], [0], [1], [0, 0, 1, 1], [], []>, transpose_lhs_hint = false} : vector<512x512xf32>, vector<512x3xf32>, vector<512x3xf32> -> vector<512x3xf32>
    %dot_general3A_401 = arith.constant dense<0.000000e+00> : vector<512x64xf32>
    %dot_general3A_402 = tpu.matmul %dot_general3A_400, %get3A_14, %dot_general3A_401 {dimension_numbers = #tpu.dot_dimension_numbers<[1], [0], [0], [1], [0, 0, 1, 1], [], []>, transpose_lhs_hint = false} : vector<512x3xf32>, vector<3x64xf32>, vector<512x64xf32> -> vector<512x64xf32>
    %add3A_403 = arith.addf %add3A_21, %dot_general3A_402 : vector<512x64xf32>
    %max3A_404 = arith.constant 0.000000e+00 : f32
    %max3A_405 = vector.broadcast %max3A_404 : f32 to vector<512x64xf32>
    %max3A_406 = arith.maximumf %add3A_403, %max3A_405 : vector<512x64xf32>
    %get3A_407 = arith.constant 0 : index
    %get3A_408 = arith.constant 0 : index
    %get3A_409 = vector.load %arg5[%get3A_407, %get3A_408] : memref<64x64xf32, #tpu.memory_space<vmem>>, vector<64x64xf32>
    %dot_general3A_410 = arith.constant dense<0.000000e+00> : vector<512x64xf32>
    %dot_general3A_411 = tpu.matmul %max3A_406, %get3A_409, %dot_general3A_410 {dimension_numbers = #tpu.dot_dimension_numbers<[1], [0], [0], [1], [0, 0, 1, 1], [], []>, transpose_lhs_hint = false} : vector<512x64xf32>, vector<64x64xf32>, vector<512x64xf32> -> vector<512x64xf32>
    %max3A_412 = arith.maximumf %max3A_380, %dot_general3A_411 : vector<512x64xf32>
    %reduce_min3A_413 = arith.constant dense<0x7F800000> : vector<512xf32>
    %reduce_min3A_414 = vector.multi_reduction <minimumf>, %select_n3A_396, %reduce_min3A_413 [1] : vector<512x512xf32> to vector<512xf32>
    %broadcast_in_dim3A_415 = vector.shape_cast %reduce_min3A_414 : vector<512xf32> to vector<512x1xf32>
    %eq3A_416 = vector.broadcast %broadcast_in_dim3A_415 : vector<512x1xf32> to vector<512x512xf32>
    %eq3A_417 = arith.cmpf oeq, %select_n3A_396, %eq3A_416 : vector<512x512xf32>
    %jit3A_418 = arith.constant 512 : i32
    %broadcast_in_dim3A_419 = vector.broadcast %jit3A_418 : i32 to vector<512x512xi32>
    %select_n3A_420 = arith.select %eq3A_417, %iota3A, %broadcast_in_dim3A_419 : vector<512x512xi1>, vector<512x512xi32>
    %reduce_min3A_421 = arith.constant dense<2147483647> : vector<512xi32>
    %reduce_min3A_422 = vector.multi_reduction <minsi>, %select_n3A_420, %reduce_min3A_421 [1] : vector<512x512xi32> to vector<512xi32>
    %broadcast_in_dim3A_423 = vector.shape_cast %reduce_min3A_422 : vector<512xi32> to vector<512x1xi32>
    %eq3A_424 = vector.broadcast %broadcast_in_dim3A_423 : vector<512x1xi32> to vector<512x512xi32>
    %eq3A_425 = arith.cmpi eq, %iota3A, %eq3A_424 : vector<512x512xi32>
    %jit3A_426 = arith.constant 0x7F800000 : f32
    %broadcast_in_dim3A_427 = vector.broadcast %jit3A_426 : f32 to vector<512x512xf32>
    %select_n3A_428 = arith.select %eq3A_425, %broadcast_in_dim3A_427, %select_n3A_396 : vector<512x512xi1>, vector<512x512xf32>
    %convert_element_type3A_429 = arith.extui %eq3A_425 : vector<512x512xi1> to vector<512x512xi32>
    %convert_element_type3A_430 = arith.sitofp %convert_element_type3A_429 : vector<512x512xi32> to vector<512x512xf32>
    %dot_general3A_431 = arith.constant dense<0.000000e+00> : vector<512x3xf32>
    %dot_general3A_432 = tpu.matmul %convert_element_type3A_430, %add3A_8, %dot_general3A_431 {dimension_numbers = #tpu.dot_dimension_numbers<[1], [0], [0], [1], [0, 0, 1, 1], [], []>, transpose_lhs_hint = false} : vector<512x512xf32>, vector<512x3xf32>, vector<512x3xf32> -> vector<512x3xf32>
    %dot_general3A_433 = arith.constant dense<0.000000e+00> : vector<512x64xf32>
    %dot_general3A_434 = tpu.matmul %dot_general3A_432, %get3A_14, %dot_general3A_433 {dimension_numbers = #tpu.dot_dimension_numbers<[1], [0], [0], [1], [0, 0, 1, 1], [], []>, transpose_lhs_hint = false} : vector<512x3xf32>, vector<3x64xf32>, vector<512x64xf32> -> vector<512x64xf32>
    %add3A_435 = arith.addf %add3A_21, %dot_general3A_434 : vector<512x64xf32>
    %max3A_436 = arith.constant 0.000000e+00 : f32
    %max3A_437 = vector.broadcast %max3A_436 : f32 to vector<512x64xf32>
    %max3A_438 = arith.maximumf %add3A_435, %max3A_437 : vector<512x64xf32>
    %get3A_439 = arith.constant 0 : index
    %get3A_440 = arith.constant 0 : index
    %get3A_441 = vector.load %arg5[%get3A_439, %get3A_440] : memref<64x64xf32, #tpu.memory_space<vmem>>, vector<64x64xf32>
    %dot_general3A_442 = arith.constant dense<0.000000e+00> : vector<512x64xf32>
    %dot_general3A_443 = tpu.matmul %max3A_438, %get3A_441, %dot_general3A_442 {dimension_numbers = #tpu.dot_dimension_numbers<[1], [0], [0], [1], [0, 0, 1, 1], [], []>, transpose_lhs_hint = false} : vector<512x64xf32>, vector<64x64xf32>, vector<512x64xf32> -> vector<512x64xf32>
    %max3A_444 = arith.maximumf %max3A_412, %dot_general3A_443 : vector<512x64xf32>
    %reduce_min3A_445 = arith.constant dense<0x7F800000> : vector<512xf32>
    %reduce_min3A_446 = vector.multi_reduction <minimumf>, %select_n3A_428, %reduce_min3A_445 [1] : vector<512x512xf32> to vector<512xf32>
    %broadcast_in_dim3A_447 = vector.shape_cast %reduce_min3A_446 : vector<512xf32> to vector<512x1xf32>
    %eq3A_448 = vector.broadcast %broadcast_in_dim3A_447 : vector<512x1xf32> to vector<512x512xf32>
    %eq3A_449 = arith.cmpf oeq, %select_n3A_428, %eq3A_448 : vector<512x512xf32>
    %jit3A_450 = arith.constant 512 : i32
    %broadcast_in_dim3A_451 = vector.broadcast %jit3A_450 : i32 to vector<512x512xi32>
    %select_n3A_452 = arith.select %eq3A_449, %iota3A, %broadcast_in_dim3A_451 : vector<512x512xi1>, vector<512x512xi32>
    %reduce_min3A_453 = arith.constant dense<2147483647> : vector<512xi32>
    %reduce_min3A_454 = vector.multi_reduction <minsi>, %select_n3A_452, %reduce_min3A_453 [1] : vector<512x512xi32> to vector<512xi32>
    %broadcast_in_dim3A_455 = vector.shape_cast %reduce_min3A_454 : vector<512xi32> to vector<512x1xi32>
    %eq3A_456 = vector.broadcast %broadcast_in_dim3A_455 : vector<512x1xi32> to vector<512x512xi32>
    %eq3A_457 = arith.cmpi eq, %iota3A, %eq3A_456 : vector<512x512xi32>
    %jit3A_458 = arith.constant 0x7F800000 : f32
    %broadcast_in_dim3A_459 = vector.broadcast %jit3A_458 : f32 to vector<512x512xf32>
    %select_n3A_460 = arith.select %eq3A_457, %broadcast_in_dim3A_459, %select_n3A_428 : vector<512x512xi1>, vector<512x512xf32>
    %convert_element_type3A_461 = arith.extui %eq3A_457 : vector<512x512xi1> to vector<512x512xi32>
    %convert_element_type3A_462 = arith.sitofp %convert_element_type3A_461 : vector<512x512xi32> to vector<512x512xf32>
    %dot_general3A_463 = arith.constant dense<0.000000e+00> : vector<512x3xf32>
    %dot_general3A_464 = tpu.matmul %convert_element_type3A_462, %add3A_8, %dot_general3A_463 {dimension_numbers = #tpu.dot_dimension_numbers<[1], [0], [0], [1], [0, 0, 1, 1], [], []>, transpose_lhs_hint = false} : vector<512x512xf32>, vector<512x3xf32>, vector<512x3xf32> -> vector<512x3xf32>
    %dot_general3A_465 = arith.constant dense<0.000000e+00> : vector<512x64xf32>
    %dot_general3A_466 = tpu.matmul %dot_general3A_464, %get3A_14, %dot_general3A_465 {dimension_numbers = #tpu.dot_dimension_numbers<[1], [0], [0], [1], [0, 0, 1, 1], [], []>, transpose_lhs_hint = false} : vector<512x3xf32>, vector<3x64xf32>, vector<512x64xf32> -> vector<512x64xf32>
    %add3A_467 = arith.addf %add3A_21, %dot_general3A_466 : vector<512x64xf32>
    %max3A_468 = arith.constant 0.000000e+00 : f32
    %max3A_469 = vector.broadcast %max3A_468 : f32 to vector<512x64xf32>
    %max3A_470 = arith.maximumf %add3A_467, %max3A_469 : vector<512x64xf32>
    %get3A_471 = arith.constant 0 : index
    %get3A_472 = arith.constant 0 : index
    %get3A_473 = vector.load %arg5[%get3A_471, %get3A_472] : memref<64x64xf32, #tpu.memory_space<vmem>>, vector<64x64xf32>
    %dot_general3A_474 = arith.constant dense<0.000000e+00> : vector<512x64xf32>
    %dot_general3A_475 = tpu.matmul %max3A_470, %get3A_473, %dot_general3A_474 {dimension_numbers = #tpu.dot_dimension_numbers<[1], [0], [0], [1], [0, 0, 1, 1], [], []>, transpose_lhs_hint = false} : vector<512x64xf32>, vector<64x64xf32>, vector<512x64xf32> -> vector<512x64xf32>
    %max3A_476 = arith.maximumf %max3A_444, %dot_general3A_475 : vector<512x64xf32>
    %reduce_min3A_477 = arith.constant dense<0x7F800000> : vector<512xf32>
    %reduce_min3A_478 = vector.multi_reduction <minimumf>, %select_n3A_460, %reduce_min3A_477 [1] : vector<512x512xf32> to vector<512xf32>
    %broadcast_in_dim3A_479 = vector.shape_cast %reduce_min3A_478 : vector<512xf32> to vector<512x1xf32>
    %eq3A_480 = vector.broadcast %broadcast_in_dim3A_479 : vector<512x1xf32> to vector<512x512xf32>
    %eq3A_481 = arith.cmpf oeq, %select_n3A_460, %eq3A_480 : vector<512x512xf32>
    %jit3A_482 = arith.constant 512 : i32
    %broadcast_in_dim3A_483 = vector.broadcast %jit3A_482 : i32 to vector<512x512xi32>
    %select_n3A_484 = arith.select %eq3A_481, %iota3A, %broadcast_in_dim3A_483 : vector<512x512xi1>, vector<512x512xi32>
    %reduce_min3A_485 = arith.constant dense<2147483647> : vector<512xi32>
    %reduce_min3A_486 = vector.multi_reduction <minsi>, %select_n3A_484, %reduce_min3A_485 [1] : vector<512x512xi32> to vector<512xi32>
    %broadcast_in_dim3A_487 = vector.shape_cast %reduce_min3A_486 : vector<512xi32> to vector<512x1xi32>
    %eq3A_488 = vector.broadcast %broadcast_in_dim3A_487 : vector<512x1xi32> to vector<512x512xi32>
    %eq3A_489 = arith.cmpi eq, %iota3A, %eq3A_488 : vector<512x512xi32>
    %jit3A_490 = arith.constant 0x7F800000 : f32
    %broadcast_in_dim3A_491 = vector.broadcast %jit3A_490 : f32 to vector<512x512xf32>
    %select_n3A_492 = arith.select %eq3A_489, %broadcast_in_dim3A_491, %select_n3A_460 : vector<512x512xi1>, vector<512x512xf32>
    %convert_element_type3A_493 = arith.extui %eq3A_489 : vector<512x512xi1> to vector<512x512xi32>
    %convert_element_type3A_494 = arith.sitofp %convert_element_type3A_493 : vector<512x512xi32> to vector<512x512xf32>
    %dot_general3A_495 = arith.constant dense<0.000000e+00> : vector<512x3xf32>
    %dot_general3A_496 = tpu.matmul %convert_element_type3A_494, %add3A_8, %dot_general3A_495 {dimension_numbers = #tpu.dot_dimension_numbers<[1], [0], [0], [1], [0, 0, 1, 1], [], []>, transpose_lhs_hint = false} : vector<512x512xf32>, vector<512x3xf32>, vector<512x3xf32> -> vector<512x3xf32>
    %dot_general3A_497 = arith.constant dense<0.000000e+00> : vector<512x64xf32>
    %dot_general3A_498 = tpu.matmul %dot_general3A_496, %get3A_14, %dot_general3A_497 {dimension_numbers = #tpu.dot_dimension_numbers<[1], [0], [0], [1], [0, 0, 1, 1], [], []>, transpose_lhs_hint = false} : vector<512x3xf32>, vector<3x64xf32>, vector<512x64xf32> -> vector<512x64xf32>
    %add3A_499 = arith.addf %add3A_21, %dot_general3A_498 : vector<512x64xf32>
    %max3A_500 = arith.constant 0.000000e+00 : f32
    %max3A_501 = vector.broadcast %max3A_500 : f32 to vector<512x64xf32>
    %max3A_502 = arith.maximumf %add3A_499, %max3A_501 : vector<512x64xf32>
    %get3A_503 = arith.constant 0 : index
    %get3A_504 = arith.constant 0 : index
    %get3A_505 = vector.load %arg5[%get3A_503, %get3A_504] : memref<64x64xf32, #tpu.memory_space<vmem>>, vector<64x64xf32>
    %dot_general3A_506 = arith.constant dense<0.000000e+00> : vector<512x64xf32>
    %dot_general3A_507 = tpu.matmul %max3A_502, %get3A_505, %dot_general3A_506 {dimension_numbers = #tpu.dot_dimension_numbers<[1], [0], [0], [1], [0, 0, 1, 1], [], []>, transpose_lhs_hint = false} : vector<512x64xf32>, vector<64x64xf32>, vector<512x64xf32> -> vector<512x64xf32>
    %max3A_508 = arith.maximumf %max3A_476, %dot_general3A_507 : vector<512x64xf32>
    %reduce_min3A_509 = arith.constant dense<0x7F800000> : vector<512xf32>
    %reduce_min3A_510 = vector.multi_reduction <minimumf>, %select_n3A_492, %reduce_min3A_509 [1] : vector<512x512xf32> to vector<512xf32>
    %broadcast_in_dim3A_511 = vector.shape_cast %reduce_min3A_510 : vector<512xf32> to vector<512x1xf32>
    %eq3A_512 = vector.broadcast %broadcast_in_dim3A_511 : vector<512x1xf32> to vector<512x512xf32>
    %eq3A_513 = arith.cmpf oeq, %select_n3A_492, %eq3A_512 : vector<512x512xf32>
    %jit3A_514 = arith.constant 512 : i32
    %broadcast_in_dim3A_515 = vector.broadcast %jit3A_514 : i32 to vector<512x512xi32>
    %select_n3A_516 = arith.select %eq3A_513, %iota3A, %broadcast_in_dim3A_515 : vector<512x512xi1>, vector<512x512xi32>
    %reduce_min3A_517 = arith.constant dense<2147483647> : vector<512xi32>
    %reduce_min3A_518 = vector.multi_reduction <minsi>, %select_n3A_516, %reduce_min3A_517 [1] : vector<512x512xi32> to vector<512xi32>
    %broadcast_in_dim3A_519 = vector.shape_cast %reduce_min3A_518 : vector<512xi32> to vector<512x1xi32>
    %eq3A_520 = vector.broadcast %broadcast_in_dim3A_519 : vector<512x1xi32> to vector<512x512xi32>
    %eq3A_521 = arith.cmpi eq, %iota3A, %eq3A_520 : vector<512x512xi32>
    %jit3A_522 = arith.constant 0x7F800000 : f32
    %broadcast_in_dim3A_523 = vector.broadcast %jit3A_522 : f32 to vector<512x512xf32>
    %select_n3A_524 = arith.select %eq3A_521, %broadcast_in_dim3A_523, %select_n3A_492 : vector<512x512xi1>, vector<512x512xf32>
    %convert_element_type3A_525 = arith.extui %eq3A_521 : vector<512x512xi1> to vector<512x512xi32>
    %convert_element_type3A_526 = arith.sitofp %convert_element_type3A_525 : vector<512x512xi32> to vector<512x512xf32>
    %dot_general3A_527 = arith.constant dense<0.000000e+00> : vector<512x3xf32>
    %dot_general3A_528 = tpu.matmul %convert_element_type3A_526, %add3A_8, %dot_general3A_527 {dimension_numbers = #tpu.dot_dimension_numbers<[1], [0], [0], [1], [0, 0, 1, 1], [], []>, transpose_lhs_hint = false} : vector<512x512xf32>, vector<512x3xf32>, vector<512x3xf32> -> vector<512x3xf32>
    %dot_general3A_529 = arith.constant dense<0.000000e+00> : vector<512x64xf32>
    %dot_general3A_530 = tpu.matmul %dot_general3A_528, %get3A_14, %dot_general3A_529 {dimension_numbers = #tpu.dot_dimension_numbers<[1], [0], [0], [1], [0, 0, 1, 1], [], []>, transpose_lhs_hint = false} : vector<512x3xf32>, vector<3x64xf32>, vector<512x64xf32> -> vector<512x64xf32>
    %add3A_531 = arith.addf %add3A_21, %dot_general3A_530 : vector<512x64xf32>
    %max3A_532 = arith.constant 0.000000e+00 : f32
    %max3A_533 = vector.broadcast %max3A_532 : f32 to vector<512x64xf32>
    %max3A_534 = arith.maximumf %add3A_531, %max3A_533 : vector<512x64xf32>
    %get3A_535 = arith.constant 0 : index
    %get3A_536 = arith.constant 0 : index
    %get3A_537 = vector.load %arg5[%get3A_535, %get3A_536] : memref<64x64xf32, #tpu.memory_space<vmem>>, vector<64x64xf32>
    %dot_general3A_538 = arith.constant dense<0.000000e+00> : vector<512x64xf32>
    %dot_general3A_539 = tpu.matmul %max3A_534, %get3A_537, %dot_general3A_538 {dimension_numbers = #tpu.dot_dimension_numbers<[1], [0], [0], [1], [0, 0, 1, 1], [], []>, transpose_lhs_hint = false} : vector<512x64xf32>, vector<64x64xf32>, vector<512x64xf32> -> vector<512x64xf32>
    %max3A_540 = arith.maximumf %max3A_508, %dot_general3A_539 : vector<512x64xf32>
    %reduce_min3A_541 = arith.constant dense<0x7F800000> : vector<512xf32>
    %reduce_min3A_542 = vector.multi_reduction <minimumf>, %select_n3A_524, %reduce_min3A_541 [1] : vector<512x512xf32> to vector<512xf32>
    %broadcast_in_dim3A_543 = vector.shape_cast %reduce_min3A_542 : vector<512xf32> to vector<512x1xf32>
    %eq3A_544 = vector.broadcast %broadcast_in_dim3A_543 : vector<512x1xf32> to vector<512x512xf32>
    %eq3A_545 = arith.cmpf oeq, %select_n3A_524, %eq3A_544 : vector<512x512xf32>
    %jit3A_546 = arith.constant 512 : i32
    %broadcast_in_dim3A_547 = vector.broadcast %jit3A_546 : i32 to vector<512x512xi32>
    %select_n3A_548 = arith.select %eq3A_545, %iota3A, %broadcast_in_dim3A_547 : vector<512x512xi1>, vector<512x512xi32>
    %reduce_min3A_549 = arith.constant dense<2147483647> : vector<512xi32>
    %reduce_min3A_550 = vector.multi_reduction <minsi>, %select_n3A_548, %reduce_min3A_549 [1] : vector<512x512xi32> to vector<512xi32>
    %broadcast_in_dim3A_551 = vector.shape_cast %reduce_min3A_550 : vector<512xi32> to vector<512x1xi32>
    %eq3A_552 = vector.broadcast %broadcast_in_dim3A_551 : vector<512x1xi32> to vector<512x512xi32>
    %eq3A_553 = arith.cmpi eq, %iota3A, %eq3A_552 : vector<512x512xi32>
    %jit3A_554 = arith.constant 0x7F800000 : f32
    %broadcast_in_dim3A_555 = vector.broadcast %jit3A_554 : f32 to vector<512x512xf32>
    %select_n3A_556 = arith.select %eq3A_553, %broadcast_in_dim3A_555, %select_n3A_524 : vector<512x512xi1>, vector<512x512xf32>
    %convert_element_type3A_557 = arith.extui %eq3A_553 : vector<512x512xi1> to vector<512x512xi32>
    %convert_element_type3A_558 = arith.sitofp %convert_element_type3A_557 : vector<512x512xi32> to vector<512x512xf32>
    %dot_general3A_559 = arith.constant dense<0.000000e+00> : vector<512x3xf32>
    %dot_general3A_560 = tpu.matmul %convert_element_type3A_558, %add3A_8, %dot_general3A_559 {dimension_numbers = #tpu.dot_dimension_numbers<[1], [0], [0], [1], [0, 0, 1, 1], [], []>, transpose_lhs_hint = false} : vector<512x512xf32>, vector<512x3xf32>, vector<512x3xf32> -> vector<512x3xf32>
    %dot_general3A_561 = arith.constant dense<0.000000e+00> : vector<512x64xf32>
    %dot_general3A_562 = tpu.matmul %dot_general3A_560, %get3A_14, %dot_general3A_561 {dimension_numbers = #tpu.dot_dimension_numbers<[1], [0], [0], [1], [0, 0, 1, 1], [], []>, transpose_lhs_hint = false} : vector<512x3xf32>, vector<3x64xf32>, vector<512x64xf32> -> vector<512x64xf32>
    %add3A_563 = arith.addf %add3A_21, %dot_general3A_562 : vector<512x64xf32>
    %max3A_564 = arith.constant 0.000000e+00 : f32
    %max3A_565 = vector.broadcast %max3A_564 : f32 to vector<512x64xf32>
    %max3A_566 = arith.maximumf %add3A_563, %max3A_565 : vector<512x64xf32>
    %get3A_567 = arith.constant 0 : index
    %get3A_568 = arith.constant 0 : index
    %get3A_569 = vector.load %arg5[%get3A_567, %get3A_568] : memref<64x64xf32, #tpu.memory_space<vmem>>, vector<64x64xf32>
    %dot_general3A_570 = arith.constant dense<0.000000e+00> : vector<512x64xf32>
    %dot_general3A_571 = tpu.matmul %max3A_566, %get3A_569, %dot_general3A_570 {dimension_numbers = #tpu.dot_dimension_numbers<[1], [0], [0], [1], [0, 0, 1, 1], [], []>, transpose_lhs_hint = false} : vector<512x64xf32>, vector<64x64xf32>, vector<512x64xf32> -> vector<512x64xf32>
    %max3A_572 = arith.maximumf %max3A_540, %dot_general3A_571 : vector<512x64xf32>
    %reduce_min3A_573 = arith.constant dense<0x7F800000> : vector<512xf32>
    %reduce_min3A_574 = vector.multi_reduction <minimumf>, %select_n3A_556, %reduce_min3A_573 [1] : vector<512x512xf32> to vector<512xf32>
    %broadcast_in_dim3A_575 = vector.shape_cast %reduce_min3A_574 : vector<512xf32> to vector<512x1xf32>
    %eq3A_576 = vector.broadcast %broadcast_in_dim3A_575 : vector<512x1xf32> to vector<512x512xf32>
    %eq3A_577 = arith.cmpf oeq, %select_n3A_556, %eq3A_576 : vector<512x512xf32>
    %jit3A_578 = arith.constant 512 : i32
    %broadcast_in_dim3A_579 = vector.broadcast %jit3A_578 : i32 to vector<512x512xi32>
    %select_n3A_580 = arith.select %eq3A_577, %iota3A, %broadcast_in_dim3A_579 : vector<512x512xi1>, vector<512x512xi32>
    %reduce_min3A_581 = arith.constant dense<2147483647> : vector<512xi32>
    %reduce_min3A_582 = vector.multi_reduction <minsi>, %select_n3A_580, %reduce_min3A_581 [1] : vector<512x512xi32> to vector<512xi32>
    %broadcast_in_dim3A_583 = vector.shape_cast %reduce_min3A_582 : vector<512xi32> to vector<512x1xi32>
    %eq3A_584 = vector.broadcast %broadcast_in_dim3A_583 : vector<512x1xi32> to vector<512x512xi32>
    %eq3A_585 = arith.cmpi eq, %iota3A, %eq3A_584 : vector<512x512xi32>
    %jit3A_586 = arith.constant 0x7F800000 : f32
    %broadcast_in_dim3A_587 = vector.broadcast %jit3A_586 : f32 to vector<512x512xf32>
    %select_n3A_588 = arith.select %eq3A_585, %broadcast_in_dim3A_587, %select_n3A_556 : vector<512x512xi1>, vector<512x512xf32>
    %convert_element_type3A_589 = arith.extui %eq3A_585 : vector<512x512xi1> to vector<512x512xi32>
    %convert_element_type3A_590 = arith.sitofp %convert_element_type3A_589 : vector<512x512xi32> to vector<512x512xf32>
    %dot_general3A_591 = arith.constant dense<0.000000e+00> : vector<512x3xf32>
    %dot_general3A_592 = tpu.matmul %convert_element_type3A_590, %add3A_8, %dot_general3A_591 {dimension_numbers = #tpu.dot_dimension_numbers<[1], [0], [0], [1], [0, 0, 1, 1], [], []>, transpose_lhs_hint = false} : vector<512x512xf32>, vector<512x3xf32>, vector<512x3xf32> -> vector<512x3xf32>
    %dot_general3A_593 = arith.constant dense<0.000000e+00> : vector<512x64xf32>
    %dot_general3A_594 = tpu.matmul %dot_general3A_592, %get3A_14, %dot_general3A_593 {dimension_numbers = #tpu.dot_dimension_numbers<[1], [0], [0], [1], [0, 0, 1, 1], [], []>, transpose_lhs_hint = false} : vector<512x3xf32>, vector<3x64xf32>, vector<512x64xf32> -> vector<512x64xf32>
    %add3A_595 = arith.addf %add3A_21, %dot_general3A_594 : vector<512x64xf32>
    %max3A_596 = arith.constant 0.000000e+00 : f32
    %max3A_597 = vector.broadcast %max3A_596 : f32 to vector<512x64xf32>
    %max3A_598 = arith.maximumf %add3A_595, %max3A_597 : vector<512x64xf32>
    %get3A_599 = arith.constant 0 : index
    %get3A_600 = arith.constant 0 : index
    %get3A_601 = vector.load %arg5[%get3A_599, %get3A_600] : memref<64x64xf32, #tpu.memory_space<vmem>>, vector<64x64xf32>
    %dot_general3A_602 = arith.constant dense<0.000000e+00> : vector<512x64xf32>
    %dot_general3A_603 = tpu.matmul %max3A_598, %get3A_601, %dot_general3A_602 {dimension_numbers = #tpu.dot_dimension_numbers<[1], [0], [0], [1], [0, 0, 1, 1], [], []>, transpose_lhs_hint = false} : vector<512x64xf32>, vector<64x64xf32>, vector<512x64xf32> -> vector<512x64xf32>
    %max3A_604 = arith.maximumf %max3A_572, %dot_general3A_603 : vector<512x64xf32>
    %reduce_min3A_605 = arith.constant dense<0x7F800000> : vector<512xf32>
    %reduce_min3A_606 = vector.multi_reduction <minimumf>, %select_n3A_588, %reduce_min3A_605 [1] : vector<512x512xf32> to vector<512xf32>
    %broadcast_in_dim3A_607 = vector.shape_cast %reduce_min3A_606 : vector<512xf32> to vector<512x1xf32>
    %eq3A_608 = vector.broadcast %broadcast_in_dim3A_607 : vector<512x1xf32> to vector<512x512xf32>
    %eq3A_609 = arith.cmpf oeq, %select_n3A_588, %eq3A_608 : vector<512x512xf32>
    %jit3A_610 = arith.constant 512 : i32
    %broadcast_in_dim3A_611 = vector.broadcast %jit3A_610 : i32 to vector<512x512xi32>
    %select_n3A_612 = arith.select %eq3A_609, %iota3A, %broadcast_in_dim3A_611 : vector<512x512xi1>, vector<512x512xi32>
    %reduce_min3A_613 = arith.constant dense<2147483647> : vector<512xi32>
    %reduce_min3A_614 = vector.multi_reduction <minsi>, %select_n3A_612, %reduce_min3A_613 [1] : vector<512x512xi32> to vector<512xi32>
    %broadcast_in_dim3A_615 = vector.shape_cast %reduce_min3A_614 : vector<512xi32> to vector<512x1xi32>
    %eq3A_616 = vector.broadcast %broadcast_in_dim3A_615 : vector<512x1xi32> to vector<512x512xi32>
    %eq3A_617 = arith.cmpi eq, %iota3A, %eq3A_616 : vector<512x512xi32>
    %jit3A_618 = arith.constant 0x7F800000 : f32
    %broadcast_in_dim3A_619 = vector.broadcast %jit3A_618 : f32 to vector<512x512xf32>
    %select_n3A_620 = arith.select %eq3A_617, %broadcast_in_dim3A_619, %select_n3A_588 : vector<512x512xi1>, vector<512x512xf32>
    %convert_element_type3A_621 = arith.extui %eq3A_617 : vector<512x512xi1> to vector<512x512xi32>
    %convert_element_type3A_622 = arith.sitofp %convert_element_type3A_621 : vector<512x512xi32> to vector<512x512xf32>
    %dot_general3A_623 = arith.constant dense<0.000000e+00> : vector<512x3xf32>
    %dot_general3A_624 = tpu.matmul %convert_element_type3A_622, %add3A_8, %dot_general3A_623 {dimension_numbers = #tpu.dot_dimension_numbers<[1], [0], [0], [1], [0, 0, 1, 1], [], []>, transpose_lhs_hint = false} : vector<512x512xf32>, vector<512x3xf32>, vector<512x3xf32> -> vector<512x3xf32>
    %dot_general3A_625 = arith.constant dense<0.000000e+00> : vector<512x64xf32>
    %dot_general3A_626 = tpu.matmul %dot_general3A_624, %get3A_14, %dot_general3A_625 {dimension_numbers = #tpu.dot_dimension_numbers<[1], [0], [0], [1], [0, 0, 1, 1], [], []>, transpose_lhs_hint = false} : vector<512x3xf32>, vector<3x64xf32>, vector<512x64xf32> -> vector<512x64xf32>
    %add3A_627 = arith.addf %add3A_21, %dot_general3A_626 : vector<512x64xf32>
    %max3A_628 = arith.constant 0.000000e+00 : f32
    %max3A_629 = vector.broadcast %max3A_628 : f32 to vector<512x64xf32>
    %max3A_630 = arith.maximumf %add3A_627, %max3A_629 : vector<512x64xf32>
    %get3A_631 = arith.constant 0 : index
    %get3A_632 = arith.constant 0 : index
    %get3A_633 = vector.load %arg5[%get3A_631, %get3A_632] : memref<64x64xf32, #tpu.memory_space<vmem>>, vector<64x64xf32>
    %dot_general3A_634 = arith.constant dense<0.000000e+00> : vector<512x64xf32>
    %dot_general3A_635 = tpu.matmul %max3A_630, %get3A_633, %dot_general3A_634 {dimension_numbers = #tpu.dot_dimension_numbers<[1], [0], [0], [1], [0, 0, 1, 1], [], []>, transpose_lhs_hint = false} : vector<512x64xf32>, vector<64x64xf32>, vector<512x64xf32> -> vector<512x64xf32>
    %max3A_636 = arith.maximumf %max3A_604, %dot_general3A_635 : vector<512x64xf32>
    %reduce_min3A_637 = arith.constant dense<0x7F800000> : vector<512xf32>
    %reduce_min3A_638 = vector.multi_reduction <minimumf>, %select_n3A_620, %reduce_min3A_637 [1] : vector<512x512xf32> to vector<512xf32>
    %broadcast_in_dim3A_639 = vector.shape_cast %reduce_min3A_638 : vector<512xf32> to vector<512x1xf32>
    %eq3A_640 = vector.broadcast %broadcast_in_dim3A_639 : vector<512x1xf32> to vector<512x512xf32>
    %eq3A_641 = arith.cmpf oeq, %select_n3A_620, %eq3A_640 : vector<512x512xf32>
    %jit3A_642 = arith.constant 512 : i32
    %broadcast_in_dim3A_643 = vector.broadcast %jit3A_642 : i32 to vector<512x512xi32>
    %select_n3A_644 = arith.select %eq3A_641, %iota3A, %broadcast_in_dim3A_643 : vector<512x512xi1>, vector<512x512xi32>
    %reduce_min3A_645 = arith.constant dense<2147483647> : vector<512xi32>
    %reduce_min3A_646 = vector.multi_reduction <minsi>, %select_n3A_644, %reduce_min3A_645 [1] : vector<512x512xi32> to vector<512xi32>
    %broadcast_in_dim3A_647 = vector.shape_cast %reduce_min3A_646 : vector<512xi32> to vector<512x1xi32>
    %eq3A_648 = vector.broadcast %broadcast_in_dim3A_647 : vector<512x1xi32> to vector<512x512xi32>
    %eq3A_649 = arith.cmpi eq, %iota3A, %eq3A_648 : vector<512x512xi32>
    %convert_element_type3A_650 = arith.extui %eq3A_649 : vector<512x512xi1> to vector<512x512xi32>
    %convert_element_type3A_651 = arith.sitofp %convert_element_type3A_650 : vector<512x512xi32> to vector<512x512xf32>
    %dot_general3A_652 = arith.constant dense<0.000000e+00> : vector<512x3xf32>
    %dot_general3A_653 = tpu.matmul %convert_element_type3A_651, %add3A_8, %dot_general3A_652 {dimension_numbers = #tpu.dot_dimension_numbers<[1], [0], [0], [1], [0, 0, 1, 1], [], []>, transpose_lhs_hint = false} : vector<512x512xf32>, vector<512x3xf32>, vector<512x3xf32> -> vector<512x3xf32>
    %dot_general3A_654 = arith.constant dense<0.000000e+00> : vector<512x64xf32>
    %dot_general3A_655 = tpu.matmul %dot_general3A_653, %get3A_14, %dot_general3A_654 {dimension_numbers = #tpu.dot_dimension_numbers<[1], [0], [0], [1], [0, 0, 1, 1], [], []>, transpose_lhs_hint = false} : vector<512x3xf32>, vector<3x64xf32>, vector<512x64xf32> -> vector<512x64xf32>
    %add3A_656 = arith.addf %add3A_21, %dot_general3A_655 : vector<512x64xf32>
    %max3A_657 = arith.constant 0.000000e+00 : f32
    %max3A_658 = vector.broadcast %max3A_657 : f32 to vector<512x64xf32>
    %max3A_659 = arith.maximumf %add3A_656, %max3A_658 : vector<512x64xf32>
    %get3A_660 = arith.constant 0 : index
    %get3A_661 = arith.constant 0 : index
    %get3A_662 = vector.load %arg5[%get3A_660, %get3A_661] : memref<64x64xf32, #tpu.memory_space<vmem>>, vector<64x64xf32>
    %dot_general3A_663 = arith.constant dense<0.000000e+00> : vector<512x64xf32>
    %dot_general3A_664 = tpu.matmul %max3A_659, %get3A_662, %dot_general3A_663 {dimension_numbers = #tpu.dot_dimension_numbers<[1], [0], [0], [1], [0, 0, 1, 1], [], []>, transpose_lhs_hint = false} : vector<512x64xf32>, vector<64x64xf32>, vector<512x64xf32> -> vector<512x64xf32>
    %max3A_665 = arith.maximumf %max3A_636, %dot_general3A_664 : vector<512x64xf32>
    %get3A_666 = arith.constant 0 : index
    %get3A_667 = arith.constant 0 : index
    %get3A_668 = vector.load %arg6[%get3A_666, %get3A_667] : memref<1x64xf32, #tpu.memory_space<vmem>>, vector<1x64xf32>
    %get3A_669 = vector.shape_cast %get3A_668 : vector<1x64xf32> to vector<64xf32>
    %broadcast_in_dim3A_670 = vector.shape_cast %get3A_669 : vector<64xf32> to vector<1x64xf32>
    %add3A_671 = vector.broadcast %broadcast_in_dim3A_670 : vector<1x64xf32> to vector<512x64xf32>
    %add3A_672 = arith.addf %max3A_665, %add3A_671 : vector<512x64xf32>
    %mul3A_673 = arith.mulf %add3A_672, %add3A_672 : vector<512x64xf32>
    %reduce_sum3A_674 = arith.constant dense<0.000000e+00> : vector<512xf32>
    %reduce_sum3A_675 = vector.multi_reduction <add>, %mul3A_673, %reduce_sum3A_674 [1] : vector<512x64xf32> to vector<512xf32>
    %broadcast_in_dim3A_676 = vector.shape_cast %reduce_sum3A_675 : vector<512xf32> to vector<512x1xf32>
    %dot_general3A_677 = arith.constant dense<0.000000e+00> : vector<512x512xf32>
    %dot_general3A_678 = tpu.matmul %add3A_672, %add3A_672, %dot_general3A_677 {dimension_numbers = #tpu.dot_dimension_numbers<[1], [1], [0], [0], [0, 0, 1, 0], [], []>, transpose_lhs_hint = false} : vector<512x64xf32>, vector<512x64xf32>, vector<512x512xf32> -> vector<512x512xf32>
    %reshape3A_679 = vector.shape_cast %broadcast_in_dim3A_676 : vector<512x1xf32> to vector<1x512xf32>
    %add3A_680 = vector.broadcast %broadcast_in_dim3A_676 : vector<512x1xf32> to vector<512x512xf32>
    %add3A_681 = vector.broadcast %reshape3A_679 : vector<1x512xf32> to vector<512x512xf32>
    %add3A_682 = arith.addf %add3A_680, %add3A_681 : vector<512x512xf32>
    %mul3A_683 = arith.constant 2.000000e+00 : f32
    %mul3A_684 = vector.broadcast %mul3A_683 : f32 to vector<512x512xf32>
    %mul3A_685 = arith.mulf %mul3A_684, %dot_general3A_678 : vector<512x512xf32>
    %sub3A_686 = arith.subf %add3A_682, %mul3A_685 : vector<512x512xf32>
    %reduce_min3A_687 = arith.constant dense<0x7F800000> : vector<512xf32>
    %reduce_min3A_688 = vector.multi_reduction <minimumf>, %sub3A_686, %reduce_min3A_687 [1] : vector<512x512xf32> to vector<512xf32>
    %broadcast_in_dim3A_689 = vector.shape_cast %reduce_min3A_688 : vector<512xf32> to vector<512x1xf32>
    %eq3A_690 = vector.broadcast %broadcast_in_dim3A_689 : vector<512x1xf32> to vector<512x512xf32>
    %eq3A_691 = arith.cmpf oeq, %sub3A_686, %eq3A_690 : vector<512x512xf32>
    %jit3A_692 = arith.constant 512 : i32
    %broadcast_in_dim3A_693 = vector.broadcast %jit3A_692 : i32 to vector<512x512xi32>
    %select_n3A_694 = arith.select %eq3A_691, %iota3A, %broadcast_in_dim3A_693 : vector<512x512xi1>, vector<512x512xi32>
    %reduce_min3A_695 = arith.constant dense<2147483647> : vector<512xi32>
    %reduce_min3A_696 = vector.multi_reduction <minsi>, %select_n3A_694, %reduce_min3A_695 [1] : vector<512x512xi32> to vector<512xi32>
    %broadcast_in_dim3A_697 = vector.shape_cast %reduce_min3A_696 : vector<512xi32> to vector<512x1xi32>
    %eq3A_698 = vector.broadcast %broadcast_in_dim3A_697 : vector<512x1xi32> to vector<512x512xi32>
    %eq3A_699 = arith.cmpi eq, %iota3A, %eq3A_698 : vector<512x512xi32>
    %jit3A_700 = arith.constant 0x7F800000 : f32
    %broadcast_in_dim3A_701 = vector.broadcast %jit3A_700 : f32 to vector<512x512xf32>
    %select_n3A_702 = arith.select %eq3A_699, %broadcast_in_dim3A_701, %sub3A_686 : vector<512x512xi1>, vector<512x512xf32>
    %swap3A = arith.constant 0 : index
    %swap3A_703 = arith.constant 0 : index
    %swap3A_704 = arith.constant 0 : index
    %swap3A_705 = vector.load %arg11[%swap3A, %swap3A_703, %swap3A_704] : memref<1x512x20xi32, #tpu.memory_space<vmem>>, vector<1x512x1xi32>
    %swap3A_706 = vector.shape_cast %swap3A_705 : vector<1x512x1xi32> to vector<512x1xi32>
    %swap3A_707 = vector.shape_cast %broadcast_in_dim3A_697 : vector<512x1xi32> to vector<1x512x1xi32>
    tpu.vector_store %arg11[%swap3A, %swap3A_703, %swap3A_704], %swap3A_707 {strides = array<i32>} : memref<1x512x20xi32, #tpu.memory_space<vmem>>, vector<1x512x1xi32>,
    %reduce_min3A_708 = arith.constant dense<0x7F800000> : vector<512xf32>
    %reduce_min3A_709 = vector.multi_reduction <minimumf>, %select_n3A_702, %reduce_min3A_708 [1] : vector<512x512xf32> to vector<512xf32>
    %broadcast_in_dim3A_710 = vector.shape_cast %reduce_min3A_709 : vector<512xf32> to vector<512x1xf32>
    %eq3A_711 = vector.broadcast %broadcast_in_dim3A_710 : vector<512x1xf32> to vector<512x512xf32>
    %eq3A_712 = arith.cmpf oeq, %select_n3A_702, %eq3A_711 : vector<512x512xf32>
    %jit3A_713 = arith.constant 512 : i32
    %broadcast_in_dim3A_714 = vector.broadcast %jit3A_713 : i32 to vector<512x512xi32>
    %select_n3A_715 = arith.select %eq3A_712, %iota3A, %broadcast_in_dim3A_714 : vector<512x512xi1>, vector<512x512xi32>
    %reduce_min3A_716 = arith.constant dense<2147483647> : vector<512xi32>
    %reduce_min3A_717 = vector.multi_reduction <minsi>, %select_n3A_715, %reduce_min3A_716 [1] : vector<512x512xi32> to vector<512xi32>
    %broadcast_in_dim3A_718 = vector.shape_cast %reduce_min3A_717 : vector<512xi32> to vector<512x1xi32>
    %eq3A_719 = vector.broadcast %broadcast_in_dim3A_718 : vector<512x1xi32> to vector<512x512xi32>
    %eq3A_720 = arith.cmpi eq, %iota3A, %eq3A_719 : vector<512x512xi32>
    %jit3A_721 = arith.constant 0x7F800000 : f32
    %broadcast_in_dim3A_722 = vector.broadcast %jit3A_721 : f32 to vector<512x512xf32>
    %select_n3A_723 = arith.select %eq3A_720, %broadcast_in_dim3A_722, %select_n3A_702 : vector<512x512xi1>, vector<512x512xf32>
    %swap3A_724 = arith.constant 0 : index
    %swap3A_725 = arith.constant 0 : index
    %swap3A_726 = arith.constant 1 : index
    %swap3A_727 = vector.load %arg11[%swap3A_724, %swap3A_725, %swap3A_726] : memref<1x512x20xi32, #tpu.memory_space<vmem>>, vector<1x512x1xi32>
    %swap3A_728 = vector.shape_cast %swap3A_727 : vector<1x512x1xi32> to vector<512x1xi32>
    %swap3A_729 = vector.shape_cast %broadcast_in_dim3A_718 : vector<512x1xi32> to vector<1x512x1xi32>
    tpu.vector_store %arg11[%swap3A_724, %swap3A_725, %swap3A_726], %swap3A_729 {strides = array<i32>} : memref<1x512x20xi32, #tpu.memory_space<vmem>>, vector<1x512x1xi32>,
    %reduce_min3A_730 = arith.constant dense<0x7F800000> : vector<512xf32>
    %reduce_min3A_731 = vector.multi_reduction <minimumf>, %select_n3A_723, %reduce_min3A_730 [1] : vector<512x512xf32> to vector<512xf32>
    %broadcast_in_dim3A_732 = vector.shape_cast %reduce_min3A_731 : vector<512xf32> to vector<512x1xf32>
    %eq3A_733 = vector.broadcast %broadcast_in_dim3A_732 : vector<512x1xf32> to vector<512x512xf32>
    %eq3A_734 = arith.cmpf oeq, %select_n3A_723, %eq3A_733 : vector<512x512xf32>
    %jit3A_735 = arith.constant 512 : i32
    %broadcast_in_dim3A_736 = vector.broadcast %jit3A_735 : i32 to vector<512x512xi32>
    %select_n3A_737 = arith.select %eq3A_734, %iota3A, %broadcast_in_dim3A_736 : vector<512x512xi1>, vector<512x512xi32>
    %reduce_min3A_738 = arith.constant dense<2147483647> : vector<512xi32>
    %reduce_min3A_739 = vector.multi_reduction <minsi>, %select_n3A_737, %reduce_min3A_738 [1] : vector<512x512xi32> to vector<512xi32>
    %broadcast_in_dim3A_740 = vector.shape_cast %reduce_min3A_739 : vector<512xi32> to vector<512x1xi32>
    %eq3A_741 = vector.broadcast %broadcast_in_dim3A_740 : vector<512x1xi32> to vector<512x512xi32>
    %eq3A_742 = arith.cmpi eq, %iota3A, %eq3A_741 : vector<512x512xi32>
    %jit3A_743 = arith.constant 0x7F800000 : f32
    %broadcast_in_dim3A_744 = vector.broadcast %jit3A_743 : f32 to vector<512x512xf32>
    %select_n3A_745 = arith.select %eq3A_742, %broadcast_in_dim3A_744, %select_n3A_723 : vector<512x512xi1>, vector<512x512xf32>
    %swap3A_746 = arith.constant 0 : index
    %swap3A_747 = arith.constant 0 : index
    %swap3A_748 = arith.constant 2 : index
    %swap3A_749 = vector.load %arg11[%swap3A_746, %swap3A_747, %swap3A_748] : memref<1x512x20xi32, #tpu.memory_space<vmem>>, vector<1x512x1xi32>
    %swap3A_750 = vector.shape_cast %swap3A_749 : vector<1x512x1xi32> to vector<512x1xi32>
    %swap3A_751 = vector.shape_cast %broadcast_in_dim3A_740 : vector<512x1xi32> to vector<1x512x1xi32>
    tpu.vector_store %arg11[%swap3A_746, %swap3A_747, %swap3A_748], %swap3A_751 {strides = array<i32>} : memref<1x512x20xi32, #tpu.memory_space<vmem>>, vector<1x512x1xi32>,
    %reduce_min3A_752 = arith.constant dense<0x7F800000> : vector<512xf32>
    %reduce_min3A_753 = vector.multi_reduction <minimumf>, %select_n3A_745, %reduce_min3A_752 [1] : vector<512x512xf32> to vector<512xf32>
    %broadcast_in_dim3A_754 = vector.shape_cast %reduce_min3A_753 : vector<512xf32> to vector<512x1xf32>
    %eq3A_755 = vector.broadcast %broadcast_in_dim3A_754 : vector<512x1xf32> to vector<512x512xf32>
    %eq3A_756 = arith.cmpf oeq, %select_n3A_745, %eq3A_755 : vector<512x512xf32>
    %jit3A_757 = arith.constant 512 : i32
    %broadcast_in_dim3A_758 = vector.broadcast %jit3A_757 : i32 to vector<512x512xi32>
    %select_n3A_759 = arith.select %eq3A_756, %iota3A, %broadcast_in_dim3A_758 : vector<512x512xi1>, vector<512x512xi32>
    %reduce_min3A_760 = arith.constant dense<2147483647> : vector<512xi32>
    %reduce_min3A_761 = vector.multi_reduction <minsi>, %select_n3A_759, %reduce_min3A_760 [1] : vector<512x512xi32> to vector<512xi32>
    %broadcast_in_dim3A_762 = vector.shape_cast %reduce_min3A_761 : vector<512xi32> to vector<512x1xi32>
    %eq3A_763 = vector.broadcast %broadcast_in_dim3A_762 : vector<512x1xi32> to vector<512x512xi32>
    %eq3A_764 = arith.cmpi eq, %iota3A, %eq3A_763 : vector<512x512xi32>
    %jit3A_765 = arith.constant 0x7F800000 : f32
    %broadcast_in_dim3A_766 = vector.broadcast %jit3A_765 : f32 to vector<512x512xf32>
    %select_n3A_767 = arith.select %eq3A_764, %broadcast_in_dim3A_766, %select_n3A_745 : vector<512x512xi1>, vector<512x512xf32>
    %swap3A_768 = arith.constant 0 : index
    %swap3A_769 = arith.constant 0 : index
    %swap3A_770 = arith.constant 3 : index
    %swap3A_771 = vector.load %arg11[%swap3A_768, %swap3A_769, %swap3A_770] : memref<1x512x20xi32, #tpu.memory_space<vmem>>, vector<1x512x1xi32>
    %swap3A_772 = vector.shape_cast %swap3A_771 : vector<1x512x1xi32> to vector<512x1xi32>
    %swap3A_773 = vector.shape_cast %broadcast_in_dim3A_762 : vector<512x1xi32> to vector<1x512x1xi32>
    tpu.vector_store %arg11[%swap3A_768, %swap3A_769, %swap3A_770], %swap3A_773 {strides = array<i32>} : memref<1x512x20xi32, #tpu.memory_space<vmem>>, vector<1x512x1xi32>,
    %reduce_min3A_774 = arith.constant dense<0x7F800000> : vector<512xf32>
    %reduce_min3A_775 = vector.multi_reduction <minimumf>, %select_n3A_767, %reduce_min3A_774 [1] : vector<512x512xf32> to vector<512xf32>
    %broadcast_in_dim3A_776 = vector.shape_cast %reduce_min3A_775 : vector<512xf32> to vector<512x1xf32>
    %eq3A_777 = vector.broadcast %broadcast_in_dim3A_776 : vector<512x1xf32> to vector<512x512xf32>
    %eq3A_778 = arith.cmpf oeq, %select_n3A_767, %eq3A_777 : vector<512x512xf32>
    %jit3A_779 = arith.constant 512 : i32
    %broadcast_in_dim3A_780 = vector.broadcast %jit3A_779 : i32 to vector<512x512xi32>
    %select_n3A_781 = arith.select %eq3A_778, %iota3A, %broadcast_in_dim3A_780 : vector<512x512xi1>, vector<512x512xi32>
    %reduce_min3A_782 = arith.constant dense<2147483647> : vector<512xi32>
    %reduce_min3A_783 = vector.multi_reduction <minsi>, %select_n3A_781, %reduce_min3A_782 [1] : vector<512x512xi32> to vector<512xi32>
    %broadcast_in_dim3A_784 = vector.shape_cast %reduce_min3A_783 : vector<512xi32> to vector<512x1xi32>
    %eq3A_785 = vector.broadcast %broadcast_in_dim3A_784 : vector<512x1xi32> to vector<512x512xi32>
    %eq3A_786 = arith.cmpi eq, %iota3A, %eq3A_785 : vector<512x512xi32>
    %jit3A_787 = arith.constant 0x7F800000 : f32
    %broadcast_in_dim3A_788 = vector.broadcast %jit3A_787 : f32 to vector<512x512xf32>
    %select_n3A_789 = arith.select %eq3A_786, %broadcast_in_dim3A_788, %select_n3A_767 : vector<512x512xi1>, vector<512x512xf32>
    %swap3A_790 = arith.constant 0 : index
    %swap3A_791 = arith.constant 0 : index
    %swap3A_792 = arith.constant 4 : index
    %swap3A_793 = vector.load %arg11[%swap3A_790, %swap3A_791, %swap3A_792] : memref<1x512x20xi32, #tpu.memory_space<vmem>>, vector<1x512x1xi32>
    %swap3A_794 = vector.shape_cast %swap3A_793 : vector<1x512x1xi32> to vector<512x1xi32>
    %swap3A_795 = vector.shape_cast %broadcast_in_dim3A_784 : vector<512x1xi32> to vector<1x512x1xi32>
    tpu.vector_store %arg11[%swap3A_790, %swap3A_791, %swap3A_792], %swap3A_795 {strides = array<i32>} : memref<1x512x20xi32, #tpu.memory_space<vmem>>, vector<1x512x1xi32>,
    %reduce_min3A_796 = arith.constant dense<0x7F800000> : vector<512xf32>
    %reduce_min3A_797 = vector.multi_reduction <minimumf>, %select_n3A_789, %reduce_min3A_796 [1] : vector<512x512xf32> to vector<512xf32>
    %broadcast_in_dim3A_798 = vector.shape_cast %reduce_min3A_797 : vector<512xf32> to vector<512x1xf32>
    %eq3A_799 = vector.broadcast %broadcast_in_dim3A_798 : vector<512x1xf32> to vector<512x512xf32>
    %eq3A_800 = arith.cmpf oeq, %select_n3A_789, %eq3A_799 : vector<512x512xf32>
    %jit3A_801 = arith.constant 512 : i32
    %broadcast_in_dim3A_802 = vector.broadcast %jit3A_801 : i32 to vector<512x512xi32>
    %select_n3A_803 = arith.select %eq3A_800, %iota3A, %broadcast_in_dim3A_802 : vector<512x512xi1>, vector<512x512xi32>
    %reduce_min3A_804 = arith.constant dense<2147483647> : vector<512xi32>
    %reduce_min3A_805 = vector.multi_reduction <minsi>, %select_n3A_803, %reduce_min3A_804 [1] : vector<512x512xi32> to vector<512xi32>
    %broadcast_in_dim3A_806 = vector.shape_cast %reduce_min3A_805 : vector<512xi32> to vector<512x1xi32>
    %eq3A_807 = vector.broadcast %broadcast_in_dim3A_806 : vector<512x1xi32> to vector<512x512xi32>
    %eq3A_808 = arith.cmpi eq, %iota3A, %eq3A_807 : vector<512x512xi32>
    %jit3A_809 = arith.constant 0x7F800000 : f32
    %broadcast_in_dim3A_810 = vector.broadcast %jit3A_809 : f32 to vector<512x512xf32>
    %select_n3A_811 = arith.select %eq3A_808, %broadcast_in_dim3A_810, %select_n3A_789 : vector<512x512xi1>, vector<512x512xf32>
    %swap3A_812 = arith.constant 0 : index
    %swap3A_813 = arith.constant 0 : index
    %swap3A_814 = arith.constant 5 : index
    %swap3A_815 = vector.load %arg11[%swap3A_812, %swap3A_813, %swap3A_814] : memref<1x512x20xi32, #tpu.memory_space<vmem>>, vector<1x512x1xi32>
    %swap3A_816 = vector.shape_cast %swap3A_815 : vector<1x512x1xi32> to vector<512x1xi32>
    %swap3A_817 = vector.shape_cast %broadcast_in_dim3A_806 : vector<512x1xi32> to vector<1x512x1xi32>
    tpu.vector_store %arg11[%swap3A_812, %swap3A_813, %swap3A_814], %swap3A_817 {strides = array<i32>} : memref<1x512x20xi32, #tpu.memory_space<vmem>>, vector<1x512x1xi32>,
    %reduce_min3A_818 = arith.constant dense<0x7F800000> : vector<512xf32>
    %reduce_min3A_819 = vector.multi_reduction <minimumf>, %select_n3A_811, %reduce_min3A_818 [1] : vector<512x512xf32> to vector<512xf32>
    %broadcast_in_dim3A_820 = vector.shape_cast %reduce_min3A_819 : vector<512xf32> to vector<512x1xf32>
    %eq3A_821 = vector.broadcast %broadcast_in_dim3A_820 : vector<512x1xf32> to vector<512x512xf32>
    %eq3A_822 = arith.cmpf oeq, %select_n3A_811, %eq3A_821 : vector<512x512xf32>
    %jit3A_823 = arith.constant 512 : i32
    %broadcast_in_dim3A_824 = vector.broadcast %jit3A_823 : i32 to vector<512x512xi32>
    %select_n3A_825 = arith.select %eq3A_822, %iota3A, %broadcast_in_dim3A_824 : vector<512x512xi1>, vector<512x512xi32>
    %reduce_min3A_826 = arith.constant dense<2147483647> : vector<512xi32>
    %reduce_min3A_827 = vector.multi_reduction <minsi>, %select_n3A_825, %reduce_min3A_826 [1] : vector<512x512xi32> to vector<512xi32>
    %broadcast_in_dim3A_828 = vector.shape_cast %reduce_min3A_827 : vector<512xi32> to vector<512x1xi32>
    %eq3A_829 = vector.broadcast %broadcast_in_dim3A_828 : vector<512x1xi32> to vector<512x512xi32>
    %eq3A_830 = arith.cmpi eq, %iota3A, %eq3A_829 : vector<512x512xi32>
    %jit3A_831 = arith.constant 0x7F800000 : f32
    %broadcast_in_dim3A_832 = vector.broadcast %jit3A_831 : f32 to vector<512x512xf32>
    %select_n3A_833 = arith.select %eq3A_830, %broadcast_in_dim3A_832, %select_n3A_811 : vector<512x512xi1>, vector<512x512xf32>
    %swap3A_834 = arith.constant 0 : index
    %swap3A_835 = arith.constant 0 : index
    %swap3A_836 = arith.constant 6 : index
    %swap3A_837 = vector.load %arg11[%swap3A_834, %swap3A_835, %swap3A_836] : memref<1x512x20xi32, #tpu.memory_space<vmem>>, vector<1x512x1xi32>
    %swap3A_838 = vector.shape_cast %swap3A_837 : vector<1x512x1xi32> to vector<512x1xi32>
    %swap3A_839 = vector.shape_cast %broadcast_in_dim3A_828 : vector<512x1xi32> to vector<1x512x1xi32>
    tpu.vector_store %arg11[%swap3A_834, %swap3A_835, %swap3A_836], %swap3A_839 {strides = array<i32>} : memref<1x512x20xi32, #tpu.memory_space<vmem>>, vector<1x512x1xi32>,
    %reduce_min3A_840 = arith.constant dense<0x7F800000> : vector<512xf32>
    %reduce_min3A_841 = vector.multi_reduction <minimumf>, %select_n3A_833, %reduce_min3A_840 [1] : vector<512x512xf32> to vector<512xf32>
    %broadcast_in_dim3A_842 = vector.shape_cast %reduce_min3A_841 : vector<512xf32> to vector<512x1xf32>
    %eq3A_843 = vector.broadcast %broadcast_in_dim3A_842 : vector<512x1xf32> to vector<512x512xf32>
    %eq3A_844 = arith.cmpf oeq, %select_n3A_833, %eq3A_843 : vector<512x512xf32>
    %jit3A_845 = arith.constant 512 : i32
    %broadcast_in_dim3A_846 = vector.broadcast %jit3A_845 : i32 to vector<512x512xi32>
    %select_n3A_847 = arith.select %eq3A_844, %iota3A, %broadcast_in_dim3A_846 : vector<512x512xi1>, vector<512x512xi32>
    %reduce_min3A_848 = arith.constant dense<2147483647> : vector<512xi32>
    %reduce_min3A_849 = vector.multi_reduction <minsi>, %select_n3A_847, %reduce_min3A_848 [1] : vector<512x512xi32> to vector<512xi32>
    %broadcast_in_dim3A_850 = vector.shape_cast %reduce_min3A_849 : vector<512xi32> to vector<512x1xi32>
    %eq3A_851 = vector.broadcast %broadcast_in_dim3A_850 : vector<512x1xi32> to vector<512x512xi32>
    %eq3A_852 = arith.cmpi eq, %iota3A, %eq3A_851 : vector<512x512xi32>
    %jit3A_853 = arith.constant 0x7F800000 : f32
    %broadcast_in_dim3A_854 = vector.broadcast %jit3A_853 : f32 to vector<512x512xf32>
    %select_n3A_855 = arith.select %eq3A_852, %broadcast_in_dim3A_854, %select_n3A_833 : vector<512x512xi1>, vector<512x512xf32>
    %swap3A_856 = arith.constant 0 : index
    %swap3A_857 = arith.constant 0 : index
    %swap3A_858 = arith.constant 7 : index
    %swap3A_859 = vector.load %arg11[%swap3A_856, %swap3A_857, %swap3A_858] : memref<1x512x20xi32, #tpu.memory_space<vmem>>, vector<1x512x1xi32>
    %swap3A_860 = vector.shape_cast %swap3A_859 : vector<1x512x1xi32> to vector<512x1xi32>
    %swap3A_861 = vector.shape_cast %broadcast_in_dim3A_850 : vector<512x1xi32> to vector<1x512x1xi32>
    tpu.vector_store %arg11[%swap3A_856, %swap3A_857, %swap3A_858], %swap3A_861 {strides = array<i32>} : memref<1x512x20xi32, #tpu.memory_space<vmem>>, vector<1x512x1xi32>,
    %reduce_min3A_862 = arith.constant dense<0x7F800000> : vector<512xf32>
    %reduce_min3A_863 = vector.multi_reduction <minimumf>, %select_n3A_855, %reduce_min3A_862 [1] : vector<512x512xf32> to vector<512xf32>
    %broadcast_in_dim3A_864 = vector.shape_cast %reduce_min3A_863 : vector<512xf32> to vector<512x1xf32>
    %eq3A_865 = vector.broadcast %broadcast_in_dim3A_864 : vector<512x1xf32> to vector<512x512xf32>
    %eq3A_866 = arith.cmpf oeq, %select_n3A_855, %eq3A_865 : vector<512x512xf32>
    %jit3A_867 = arith.constant 512 : i32
    %broadcast_in_dim3A_868 = vector.broadcast %jit3A_867 : i32 to vector<512x512xi32>
    %select_n3A_869 = arith.select %eq3A_866, %iota3A, %broadcast_in_dim3A_868 : vector<512x512xi1>, vector<512x512xi32>
    %reduce_min3A_870 = arith.constant dense<2147483647> : vector<512xi32>
    %reduce_min3A_871 = vector.multi_reduction <minsi>, %select_n3A_869, %reduce_min3A_870 [1] : vector<512x512xi32> to vector<512xi32>
    %broadcast_in_dim3A_872 = vector.shape_cast %reduce_min3A_871 : vector<512xi32> to vector<512x1xi32>
    %eq3A_873 = vector.broadcast %broadcast_in_dim3A_872 : vector<512x1xi32> to vector<512x512xi32>
    %eq3A_874 = arith.cmpi eq, %iota3A, %eq3A_873 : vector<512x512xi32>
    %jit3A_875 = arith.constant 0x7F800000 : f32
    %broadcast_in_dim3A_876 = vector.broadcast %jit3A_875 : f32 to vector<512x512xf32>
    %select_n3A_877 = arith.select %eq3A_874, %broadcast_in_dim3A_876, %select_n3A_855 : vector<512x512xi1>, vector<512x512xf32>
    %swap3A_878 = arith.constant 0 : index
    %swap3A_879 = arith.constant 0 : index
    %swap3A_880 = arith.constant 8 : index
    %swap3A_881 = vector.load %arg11[%swap3A_878, %swap3A_879, %swap3A_880] : memref<1x512x20xi32, #tpu.memory_space<vmem>>, vector<1x512x1xi32>
    %swap3A_882 = vector.shape_cast %swap3A_881 : vector<1x512x1xi32> to vector<512x1xi32>
    %swap3A_883 = vector.shape_cast %broadcast_in_dim3A_872 : vector<512x1xi32> to vector<1x512x1xi32>
    tpu.vector_store %arg11[%swap3A_878, %swap3A_879, %swap3A_880], %swap3A_883 {strides = array<i32>} : memref<1x512x20xi32, #tpu.memory_space<vmem>>, vector<1x512x1xi32>,
    %reduce_min3A_884 = arith.constant dense<0x7F800000> : vector<512xf32>
    %reduce_min3A_885 = vector.multi_reduction <minimumf>, %select_n3A_877, %reduce_min3A_884 [1] : vector<512x512xf32> to vector<512xf32>
    %broadcast_in_dim3A_886 = vector.shape_cast %reduce_min3A_885 : vector<512xf32> to vector<512x1xf32>
    %eq3A_887 = vector.broadcast %broadcast_in_dim3A_886 : vector<512x1xf32> to vector<512x512xf32>
    %eq3A_888 = arith.cmpf oeq, %select_n3A_877, %eq3A_887 : vector<512x512xf32>
    %jit3A_889 = arith.constant 512 : i32
    %broadcast_in_dim3A_890 = vector.broadcast %jit3A_889 : i32 to vector<512x512xi32>
    %select_n3A_891 = arith.select %eq3A_888, %iota3A, %broadcast_in_dim3A_890 : vector<512x512xi1>, vector<512x512xi32>
    %reduce_min3A_892 = arith.constant dense<2147483647> : vector<512xi32>
    %reduce_min3A_893 = vector.multi_reduction <minsi>, %select_n3A_891, %reduce_min3A_892 [1] : vector<512x512xi32> to vector<512xi32>
    %broadcast_in_dim3A_894 = vector.shape_cast %reduce_min3A_893 : vector<512xi32> to vector<512x1xi32>
    %eq3A_895 = vector.broadcast %broadcast_in_dim3A_894 : vector<512x1xi32> to vector<512x512xi32>
    %eq3A_896 = arith.cmpi eq, %iota3A, %eq3A_895 : vector<512x512xi32>
    %jit3A_897 = arith.constant 0x7F800000 : f32
    %broadcast_in_dim3A_898 = vector.broadcast %jit3A_897 : f32 to vector<512x512xf32>
    %select_n3A_899 = arith.select %eq3A_896, %broadcast_in_dim3A_898, %select_n3A_877 : vector<512x512xi1>, vector<512x512xf32>
    %swap3A_900 = arith.constant 0 : index
    %swap3A_901 = arith.constant 0 : index
    %swap3A_902 = arith.constant 9 : index
    %swap3A_903 = vector.load %arg11[%swap3A_900, %swap3A_901, %swap3A_902] : memref<1x512x20xi32, #tpu.memory_space<vmem>>, vector<1x512x1xi32>
    %swap3A_904 = vector.shape_cast %swap3A_903 : vector<1x512x1xi32> to vector<512x1xi32>
    %swap3A_905 = vector.shape_cast %broadcast_in_dim3A_894 : vector<512x1xi32> to vector<1x512x1xi32>
    tpu.vector_store %arg11[%swap3A_900, %swap3A_901, %swap3A_902], %swap3A_905 {strides = array<i32>} : memref<1x512x20xi32, #tpu.memory_space<vmem>>, vector<1x512x1xi32>,
    %reduce_min3A_906 = arith.constant dense<0x7F800000> : vector<512xf32>
    %reduce_min3A_907 = vector.multi_reduction <minimumf>, %select_n3A_899, %reduce_min3A_906 [1] : vector<512x512xf32> to vector<512xf32>
    %broadcast_in_dim3A_908 = vector.shape_cast %reduce_min3A_907 : vector<512xf32> to vector<512x1xf32>
    %eq3A_909 = vector.broadcast %broadcast_in_dim3A_908 : vector<512x1xf32> to vector<512x512xf32>
    %eq3A_910 = arith.cmpf oeq, %select_n3A_899, %eq3A_909 : vector<512x512xf32>
    %jit3A_911 = arith.constant 512 : i32
    %broadcast_in_dim3A_912 = vector.broadcast %jit3A_911 : i32 to vector<512x512xi32>
    %select_n3A_913 = arith.select %eq3A_910, %iota3A, %broadcast_in_dim3A_912 : vector<512x512xi1>, vector<512x512xi32>
    %reduce_min3A_914 = arith.constant dense<2147483647> : vector<512xi32>
    %reduce_min3A_915 = vector.multi_reduction <minsi>, %select_n3A_913, %reduce_min3A_914 [1] : vector<512x512xi32> to vector<512xi32>
    %broadcast_in_dim3A_916 = vector.shape_cast %reduce_min3A_915 : vector<512xi32> to vector<512x1xi32>
    %eq3A_917 = vector.broadcast %broadcast_in_dim3A_916 : vector<512x1xi32> to vector<512x512xi32>
    %eq3A_918 = arith.cmpi eq, %iota3A, %eq3A_917 : vector<512x512xi32>
    %jit3A_919 = arith.constant 0x7F800000 : f32
    %broadcast_in_dim3A_920 = vector.broadcast %jit3A_919 : f32 to vector<512x512xf32>
    %select_n3A_921 = arith.select %eq3A_918, %broadcast_in_dim3A_920, %select_n3A_899 : vector<512x512xi1>, vector<512x512xf32>
    %swap3A_922 = arith.constant 0 : index
    %swap3A_923 = arith.constant 0 : index
    %swap3A_924 = arith.constant 10 : index
    %swap3A_925 = vector.load %arg11[%swap3A_922, %swap3A_923, %swap3A_924] : memref<1x512x20xi32, #tpu.memory_space<vmem>>, vector<1x512x1xi32>
    %swap3A_926 = vector.shape_cast %swap3A_925 : vector<1x512x1xi32> to vector<512x1xi32>
    %swap3A_927 = vector.shape_cast %broadcast_in_dim3A_916 : vector<512x1xi32> to vector<1x512x1xi32>
    tpu.vector_store %arg11[%swap3A_922, %swap3A_923, %swap3A_924], %swap3A_927 {strides = array<i32>} : memref<1x512x20xi32, #tpu.memory_space<vmem>>, vector<1x512x1xi32>,
    %reduce_min3A_928 = arith.constant dense<0x7F800000> : vector<512xf32>
    %reduce_min3A_929 = vector.multi_reduction <minimumf>, %select_n3A_921, %reduce_min3A_928 [1] : vector<512x512xf32> to vector<512xf32>
    %broadcast_in_dim3A_930 = vector.shape_cast %reduce_min3A_929 : vector<512xf32> to vector<512x1xf32>
    %eq3A_931 = vector.broadcast %broadcast_in_dim3A_930 : vector<512x1xf32> to vector<512x512xf32>
    %eq3A_932 = arith.cmpf oeq, %select_n3A_921, %eq3A_931 : vector<512x512xf32>
    %jit3A_933 = arith.constant 512 : i32
    %broadcast_in_dim3A_934 = vector.broadcast %jit3A_933 : i32 to vector<512x512xi32>
    %select_n3A_935 = arith.select %eq3A_932, %iota3A, %broadcast_in_dim3A_934 : vector<512x512xi1>, vector<512x512xi32>
    %reduce_min3A_936 = arith.constant dense<2147483647> : vector<512xi32>
    %reduce_min3A_937 = vector.multi_reduction <minsi>, %select_n3A_935, %reduce_min3A_936 [1] : vector<512x512xi32> to vector<512xi32>
    %broadcast_in_dim3A_938 = vector.shape_cast %reduce_min3A_937 : vector<512xi32> to vector<512x1xi32>
    %eq3A_939 = vector.broadcast %broadcast_in_dim3A_938 : vector<512x1xi32> to vector<512x512xi32>
    %eq3A_940 = arith.cmpi eq, %iota3A, %eq3A_939 : vector<512x512xi32>
    %jit3A_941 = arith.constant 0x7F800000 : f32
    %broadcast_in_dim3A_942 = vector.broadcast %jit3A_941 : f32 to vector<512x512xf32>
    %select_n3A_943 = arith.select %eq3A_940, %broadcast_in_dim3A_942, %select_n3A_921 : vector<512x512xi1>, vector<512x512xf32>
    %swap3A_944 = arith.constant 0 : index
    %swap3A_945 = arith.constant 0 : index
    %swap3A_946 = arith.constant 11 : index
    %swap3A_947 = vector.load %arg11[%swap3A_944, %swap3A_945, %swap3A_946] : memref<1x512x20xi32, #tpu.memory_space<vmem>>, vector<1x512x1xi32>
    %swap3A_948 = vector.shape_cast %swap3A_947 : vector<1x512x1xi32> to vector<512x1xi32>
    %swap3A_949 = vector.shape_cast %broadcast_in_dim3A_938 : vector<512x1xi32> to vector<1x512x1xi32>
    tpu.vector_store %arg11[%swap3A_944, %swap3A_945, %swap3A_946], %swap3A_949 {strides = array<i32>} : memref<1x512x20xi32, #tpu.memory_space<vmem>>, vector<1x512x1xi32>,
    %reduce_min3A_950 = arith.constant dense<0x7F800000> : vector<512xf32>
    %reduce_min3A_951 = vector.multi_reduction <minimumf>, %select_n3A_943, %reduce_min3A_950 [1] : vector<512x512xf32> to vector<512xf32>
    %broadcast_in_dim3A_952 = vector.shape_cast %reduce_min3A_951 : vector<512xf32> to vector<512x1xf32>
    %eq3A_953 = vector.broadcast %broadcast_in_dim3A_952 : vector<512x1xf32> to vector<512x512xf32>
    %eq3A_954 = arith.cmpf oeq, %select_n3A_943, %eq3A_953 : vector<512x512xf32>
    %jit3A_955 = arith.constant 512 : i32
    %broadcast_in_dim3A_956 = vector.broadcast %jit3A_955 : i32 to vector<512x512xi32>
    %select_n3A_957 = arith.select %eq3A_954, %iota3A, %broadcast_in_dim3A_956 : vector<512x512xi1>, vector<512x512xi32>
    %reduce_min3A_958 = arith.constant dense<2147483647> : vector<512xi32>
    %reduce_min3A_959 = vector.multi_reduction <minsi>, %select_n3A_957, %reduce_min3A_958 [1] : vector<512x512xi32> to vector<512xi32>
    %broadcast_in_dim3A_960 = vector.shape_cast %reduce_min3A_959 : vector<512xi32> to vector<512x1xi32>
    %eq3A_961 = vector.broadcast %broadcast_in_dim3A_960 : vector<512x1xi32> to vector<512x512xi32>
    %eq3A_962 = arith.cmpi eq, %iota3A, %eq3A_961 : vector<512x512xi32>
    %jit3A_963 = arith.constant 0x7F800000 : f32
    %broadcast_in_dim3A_964 = vector.broadcast %jit3A_963 : f32 to vector<512x512xf32>
    %select_n3A_965 = arith.select %eq3A_962, %broadcast_in_dim3A_964, %select_n3A_943 : vector<512x512xi1>, vector<512x512xf32>
    %swap3A_966 = arith.constant 0 : index
    %swap3A_967 = arith.constant 0 : index
    %swap3A_968 = arith.constant 12 : index
    %swap3A_969 = vector.load %arg11[%swap3A_966, %swap3A_967, %swap3A_968] : memref<1x512x20xi32, #tpu.memory_space<vmem>>, vector<1x512x1xi32>
    %swap3A_970 = vector.shape_cast %swap3A_969 : vector<1x512x1xi32> to vector<512x1xi32>
    %swap3A_971 = vector.shape_cast %broadcast_in_dim3A_960 : vector<512x1xi32> to vector<1x512x1xi32>
    tpu.vector_store %arg11[%swap3A_966, %swap3A_967, %swap3A_968], %swap3A_971 {strides = array<i32>} : memref<1x512x20xi32, #tpu.memory_space<vmem>>, vector<1x512x1xi32>,
    %reduce_min3A_972 = arith.constant dense<0x7F800000> : vector<512xf32>
    %reduce_min3A_973 = vector.multi_reduction <minimumf>, %select_n3A_965, %reduce_min3A_972 [1] : vector<512x512xf32> to vector<512xf32>
    %broadcast_in_dim3A_974 = vector.shape_cast %reduce_min3A_973 : vector<512xf32> to vector<512x1xf32>
    %eq3A_975 = vector.broadcast %broadcast_in_dim3A_974 : vector<512x1xf32> to vector<512x512xf32>
    %eq3A_976 = arith.cmpf oeq, %select_n3A_965, %eq3A_975 : vector<512x512xf32>
    %jit3A_977 = arith.constant 512 : i32
    %broadcast_in_dim3A_978 = vector.broadcast %jit3A_977 : i32 to vector<512x512xi32>
    %select_n3A_979 = arith.select %eq3A_976, %iota3A, %broadcast_in_dim3A_978 : vector<512x512xi1>, vector<512x512xi32>
    %reduce_min3A_980 = arith.constant dense<2147483647> : vector<512xi32>
    %reduce_min3A_981 = vector.multi_reduction <minsi>, %select_n3A_979, %reduce_min3A_980 [1] : vector<512x512xi32> to vector<512xi32>
    %broadcast_in_dim3A_982 = vector.shape_cast %reduce_min3A_981 : vector<512xi32> to vector<512x1xi32>
    %eq3A_983 = vector.broadcast %broadcast_in_dim3A_982 : vector<512x1xi32> to vector<512x512xi32>
    %eq3A_984 = arith.cmpi eq, %iota3A, %eq3A_983 : vector<512x512xi32>
    %jit3A_985 = arith.constant 0x7F800000 : f32
    %broadcast_in_dim3A_986 = vector.broadcast %jit3A_985 : f32 to vector<512x512xf32>
    %select_n3A_987 = arith.select %eq3A_984, %broadcast_in_dim3A_986, %select_n3A_965 : vector<512x512xi1>, vector<512x512xf32>
    %swap3A_988 = arith.constant 0 : index
    %swap3A_989 = arith.constant 0 : index
    %swap3A_990 = arith.constant 13 : index
    %swap3A_991 = vector.load %arg11[%swap3A_988, %swap3A_989, %swap3A_990] : memref<1x512x20xi32, #tpu.memory_space<vmem>>, vector<1x512x1xi32>
    %swap3A_992 = vector.shape_cast %swap3A_991 : vector<1x512x1xi32> to vector<512x1xi32>
    %swap3A_993 = vector.shape_cast %broadcast_in_dim3A_982 : vector<512x1xi32> to vector<1x512x1xi32>
    tpu.vector_store %arg11[%swap3A_988, %swap3A_989, %swap3A_990], %swap3A_993 {strides = array<i32>} : memref<1x512x20xi32, #tpu.memory_space<vmem>>, vector<1x512x1xi32>,
    %reduce_min3A_994 = arith.constant dense<0x7F800000> : vector<512xf32>
    %reduce_min3A_995 = vector.multi_reduction <minimumf>, %select_n3A_987, %reduce_min3A_994 [1] : vector<512x512xf32> to vector<512xf32>
    %broadcast_in_dim3A_996 = vector.shape_cast %reduce_min3A_995 : vector<512xf32> to vector<512x1xf32>
    %eq3A_997 = vector.broadcast %broadcast_in_dim3A_996 : vector<512x1xf32> to vector<512x512xf32>
    %eq3A_998 = arith.cmpf oeq, %select_n3A_987, %eq3A_997 : vector<512x512xf32>
    %jit3A_999 = arith.constant 512 : i32
    %broadcast_in_dim3A_1000 = vector.broadcast %jit3A_999 : i32 to vector<512x512xi32>
    %select_n3A_1001 = arith.select %eq3A_998, %iota3A, %broadcast_in_dim3A_1000 : vector<512x512xi1>, vector<512x512xi32>
    %reduce_min3A_1002 = arith.constant dense<2147483647> : vector<512xi32>
    %reduce_min3A_1003 = vector.multi_reduction <minsi>, %select_n3A_1001, %reduce_min3A_1002 [1] : vector<512x512xi32> to vector<512xi32>
    %broadcast_in_dim3A_1004 = vector.shape_cast %reduce_min3A_1003 : vector<512xi32> to vector<512x1xi32>
    %eq3A_1005 = vector.broadcast %broadcast_in_dim3A_1004 : vector<512x1xi32> to vector<512x512xi32>
    %eq3A_1006 = arith.cmpi eq, %iota3A, %eq3A_1005 : vector<512x512xi32>
    %jit3A_1007 = arith.constant 0x7F800000 : f32
    %broadcast_in_dim3A_1008 = vector.broadcast %jit3A_1007 : f32 to vector<512x512xf32>
    %select_n3A_1009 = arith.select %eq3A_1006, %broadcast_in_dim3A_1008, %select_n3A_987 : vector<512x512xi1>, vector<512x512xf32>
    %swap3A_1010 = arith.constant 0 : index
    %swap3A_1011 = arith.constant 0 : index
    %swap3A_1012 = arith.constant 14 : index
    %swap3A_1013 = vector.load %arg11[%swap3A_1010, %swap3A_1011, %swap3A_1012] : memref<1x512x20xi32, #tpu.memory_space<vmem>>, vector<1x512x1xi32>
    %swap3A_1014 = vector.shape_cast %swap3A_1013 : vector<1x512x1xi32> to vector<512x1xi32>
    %swap3A_1015 = vector.shape_cast %broadcast_in_dim3A_1004 : vector<512x1xi32> to vector<1x512x1xi32>
    tpu.vector_store %arg11[%swap3A_1010, %swap3A_1011, %swap3A_1012], %swap3A_1015 {strides = array<i32>} : memref<1x512x20xi32, #tpu.memory_space<vmem>>, vector<1x512x1xi32>,
    %reduce_min3A_1016 = arith.constant dense<0x7F800000> : vector<512xf32>
    %reduce_min3A_1017 = vector.multi_reduction <minimumf>, %select_n3A_1009, %reduce_min3A_1016 [1] : vector<512x512xf32> to vector<512xf32>
    %broadcast_in_dim3A_1018 = vector.shape_cast %reduce_min3A_1017 : vector<512xf32> to vector<512x1xf32>
    %eq3A_1019 = vector.broadcast %broadcast_in_dim3A_1018 : vector<512x1xf32> to vector<512x512xf32>
    %eq3A_1020 = arith.cmpf oeq, %select_n3A_1009, %eq3A_1019 : vector<512x512xf32>
    %jit3A_1021 = arith.constant 512 : i32
    %broadcast_in_dim3A_1022 = vector.broadcast %jit3A_1021 : i32 to vector<512x512xi32>
    %select_n3A_1023 = arith.select %eq3A_1020, %iota3A, %broadcast_in_dim3A_1022 : vector<512x512xi1>, vector<512x512xi32>
    %reduce_min3A_1024 = arith.constant dense<2147483647> : vector<512xi32>
    %reduce_min3A_1025 = vector.multi_reduction <minsi>, %select_n3A_1023, %reduce_min3A_1024 [1] : vector<512x512xi32> to vector<512xi32>
    %broadcast_in_dim3A_1026 = vector.shape_cast %reduce_min3A_1025 : vector<512xi32> to vector<512x1xi32>
    %eq3A_1027 = vector.broadcast %broadcast_in_dim3A_1026 : vector<512x1xi32> to vector<512x512xi32>
    %eq3A_1028 = arith.cmpi eq, %iota3A, %eq3A_1027 : vector<512x512xi32>
    %jit3A_1029 = arith.constant 0x7F800000 : f32
    %broadcast_in_dim3A_1030 = vector.broadcast %jit3A_1029 : f32 to vector<512x512xf32>
    %select_n3A_1031 = arith.select %eq3A_1028, %broadcast_in_dim3A_1030, %select_n3A_1009 : vector<512x512xi1>, vector<512x512xf32>
    %swap3A_1032 = arith.constant 0 : index
    %swap3A_1033 = arith.constant 0 : index
    %swap3A_1034 = arith.constant 15 : index
    %swap3A_1035 = vector.load %arg11[%swap3A_1032, %swap3A_1033, %swap3A_1034] : memref<1x512x20xi32, #tpu.memory_space<vmem>>, vector<1x512x1xi32>
    %swap3A_1036 = vector.shape_cast %swap3A_1035 : vector<1x512x1xi32> to vector<512x1xi32>
    %swap3A_1037 = vector.shape_cast %broadcast_in_dim3A_1026 : vector<512x1xi32> to vector<1x512x1xi32>
    tpu.vector_store %arg11[%swap3A_1032, %swap3A_1033, %swap3A_1034], %swap3A_1037 {strides = array<i32>} : memref<1x512x20xi32, #tpu.memory_space<vmem>>, vector<1x512x1xi32>,
    %reduce_min3A_1038 = arith.constant dense<0x7F800000> : vector<512xf32>
    %reduce_min3A_1039 = vector.multi_reduction <minimumf>, %select_n3A_1031, %reduce_min3A_1038 [1] : vector<512x512xf32> to vector<512xf32>
    %broadcast_in_dim3A_1040 = vector.shape_cast %reduce_min3A_1039 : vector<512xf32> to vector<512x1xf32>
    %eq3A_1041 = vector.broadcast %broadcast_in_dim3A_1040 : vector<512x1xf32> to vector<512x512xf32>
    %eq3A_1042 = arith.cmpf oeq, %select_n3A_1031, %eq3A_1041 : vector<512x512xf32>
    %jit3A_1043 = arith.constant 512 : i32
    %broadcast_in_dim3A_1044 = vector.broadcast %jit3A_1043 : i32 to vector<512x512xi32>
    %select_n3A_1045 = arith.select %eq3A_1042, %iota3A, %broadcast_in_dim3A_1044 : vector<512x512xi1>, vector<512x512xi32>
    %reduce_min3A_1046 = arith.constant dense<2147483647> : vector<512xi32>
    %reduce_min3A_1047 = vector.multi_reduction <minsi>, %select_n3A_1045, %reduce_min3A_1046 [1] : vector<512x512xi32> to vector<512xi32>
    %broadcast_in_dim3A_1048 = vector.shape_cast %reduce_min3A_1047 : vector<512xi32> to vector<512x1xi32>
    %eq3A_1049 = vector.broadcast %broadcast_in_dim3A_1048 : vector<512x1xi32> to vector<512x512xi32>
    %eq3A_1050 = arith.cmpi eq, %iota3A, %eq3A_1049 : vector<512x512xi32>
    %jit3A_1051 = arith.constant 0x7F800000 : f32
    %broadcast_in_dim3A_1052 = vector.broadcast %jit3A_1051 : f32 to vector<512x512xf32>
    %select_n3A_1053 = arith.select %eq3A_1050, %broadcast_in_dim3A_1052, %select_n3A_1031 : vector<512x512xi1>, vector<512x512xf32>
    %swap3A_1054 = arith.constant 0 : index
    %swap3A_1055 = arith.constant 0 : index
    %swap3A_1056 = arith.constant 16 : index
    %swap3A_1057 = vector.load %arg11[%swap3A_1054, %swap3A_1055, %swap3A_1056] : memref<1x512x20xi32, #tpu.memory_space<vmem>>, vector<1x512x1xi32>
    %swap3A_1058 = vector.shape_cast %swap3A_1057 : vector<1x512x1xi32> to vector<512x1xi32>
    %swap3A_1059 = vector.shape_cast %broadcast_in_dim3A_1048 : vector<512x1xi32> to vector<1x512x1xi32>
    tpu.vector_store %arg11[%swap3A_1054, %swap3A_1055, %swap3A_1056], %swap3A_1059 {strides = array<i32>} : memref<1x512x20xi32, #tpu.memory_space<vmem>>, vector<1x512x1xi32>,
    %reduce_min3A_1060 = arith.constant dense<0x7F800000> : vector<512xf32>
    %reduce_min3A_1061 = vector.multi_reduction <minimumf>, %select_n3A_1053, %reduce_min3A_1060 [1] : vector<512x512xf32> to vector<512xf32>
    %broadcast_in_dim3A_1062 = vector.shape_cast %reduce_min3A_1061 : vector<512xf32> to vector<512x1xf32>
    %eq3A_1063 = vector.broadcast %broadcast_in_dim3A_1062 : vector<512x1xf32> to vector<512x512xf32>
    %eq3A_1064 = arith.cmpf oeq, %select_n3A_1053, %eq3A_1063 : vector<512x512xf32>
    %jit3A_1065 = arith.constant 512 : i32
    %broadcast_in_dim3A_1066 = vector.broadcast %jit3A_1065 : i32 to vector<512x512xi32>
    %select_n3A_1067 = arith.select %eq3A_1064, %iota3A, %broadcast_in_dim3A_1066 : vector<512x512xi1>, vector<512x512xi32>
    %reduce_min3A_1068 = arith.constant dense<2147483647> : vector<512xi32>
    %reduce_min3A_1069 = vector.multi_reduction <minsi>, %select_n3A_1067, %reduce_min3A_1068 [1] : vector<512x512xi32> to vector<512xi32>
    %broadcast_in_dim3A_1070 = vector.shape_cast %reduce_min3A_1069 : vector<512xi32> to vector<512x1xi32>
    %eq3A_1071 = vector.broadcast %broadcast_in_dim3A_1070 : vector<512x1xi32> to vector<512x512xi32>
    %eq3A_1072 = arith.cmpi eq, %iota3A, %eq3A_1071 : vector<512x512xi32>
    %jit3A_1073 = arith.constant 0x7F800000 : f32
    %broadcast_in_dim3A_1074 = vector.broadcast %jit3A_1073 : f32 to vector<512x512xf32>
    %select_n3A_1075 = arith.select %eq3A_1072, %broadcast_in_dim3A_1074, %select_n3A_1053 : vector<512x512xi1>, vector<512x512xf32>
    %swap3A_1076 = arith.constant 0 : index
    %swap3A_1077 = arith.constant 0 : index
    %swap3A_1078 = arith.constant 17 : index
    %swap3A_1079 = vector.load %arg11[%swap3A_1076, %swap3A_1077, %swap3A_1078] : memref<1x512x20xi32, #tpu.memory_space<vmem>>, vector<1x512x1xi32>
    %swap3A_1080 = vector.shape_cast %swap3A_1079 : vector<1x512x1xi32> to vector<512x1xi32>
    %swap3A_1081 = vector.shape_cast %broadcast_in_dim3A_1070 : vector<512x1xi32> to vector<1x512x1xi32>
    tpu.vector_store %arg11[%swap3A_1076, %swap3A_1077, %swap3A_1078], %swap3A_1081 {strides = array<i32>} : memref<1x512x20xi32, #tpu.memory_space<vmem>>, vector<1x512x1xi32>,
    %reduce_min3A_1082 = arith.constant dense<0x7F800000> : vector<512xf32>
    %reduce_min3A_1083 = vector.multi_reduction <minimumf>, %select_n3A_1075, %reduce_min3A_1082 [1] : vector<512x512xf32> to vector<512xf32>
    %broadcast_in_dim3A_1084 = vector.shape_cast %reduce_min3A_1083 : vector<512xf32> to vector<512x1xf32>
    %eq3A_1085 = vector.broadcast %broadcast_in_dim3A_1084 : vector<512x1xf32> to vector<512x512xf32>
    %eq3A_1086 = arith.cmpf oeq, %select_n3A_1075, %eq3A_1085 : vector<512x512xf32>
    %jit3A_1087 = arith.constant 512 : i32
    %broadcast_in_dim3A_1088 = vector.broadcast %jit3A_1087 : i32 to vector<512x512xi32>
    %select_n3A_1089 = arith.select %eq3A_1086, %iota3A, %broadcast_in_dim3A_1088 : vector<512x512xi1>, vector<512x512xi32>
    %reduce_min3A_1090 = arith.constant dense<2147483647> : vector<512xi32>
    %reduce_min3A_1091 = vector.multi_reduction <minsi>, %select_n3A_1089, %reduce_min3A_1090 [1] : vector<512x512xi32> to vector<512xi32>
    %broadcast_in_dim3A_1092 = vector.shape_cast %reduce_min3A_1091 : vector<512xi32> to vector<512x1xi32>
    %eq3A_1093 = vector.broadcast %broadcast_in_dim3A_1092 : vector<512x1xi32> to vector<512x512xi32>
    %eq3A_1094 = arith.cmpi eq, %iota3A, %eq3A_1093 : vector<512x512xi32>
    %jit3A_1095 = arith.constant 0x7F800000 : f32
    %broadcast_in_dim3A_1096 = vector.broadcast %jit3A_1095 : f32 to vector<512x512xf32>
    %select_n3A_1097 = arith.select %eq3A_1094, %broadcast_in_dim3A_1096, %select_n3A_1075 : vector<512x512xi1>, vector<512x512xf32>
    %swap3A_1098 = arith.constant 0 : index
    %swap3A_1099 = arith.constant 0 : index
    %swap3A_1100 = arith.constant 18 : index
    %swap3A_1101 = vector.load %arg11[%swap3A_1098, %swap3A_1099, %swap3A_1100] : memref<1x512x20xi32, #tpu.memory_space<vmem>>, vector<1x512x1xi32>
    %swap3A_1102 = vector.shape_cast %swap3A_1101 : vector<1x512x1xi32> to vector<512x1xi32>
    %swap3A_1103 = vector.shape_cast %broadcast_in_dim3A_1092 : vector<512x1xi32> to vector<1x512x1xi32>
    tpu.vector_store %arg11[%swap3A_1098, %swap3A_1099, %swap3A_1100], %swap3A_1103 {strides = array<i32>} : memref<1x512x20xi32, #tpu.memory_space<vmem>>, vector<1x512x1xi32>,
    %reduce_min3A_1104 = arith.constant dense<0x7F800000> : vector<512xf32>
    %reduce_min3A_1105 = vector.multi_reduction <minimumf>, %select_n3A_1097, %reduce_min3A_1104 [1] : vector<512x512xf32> to vector<512xf32>
    %broadcast_in_dim3A_1106 = vector.shape_cast %reduce_min3A_1105 : vector<512xf32> to vector<512x1xf32>
    %eq3A_1107 = vector.broadcast %broadcast_in_dim3A_1106 : vector<512x1xf32> to vector<512x512xf32>
    %eq3A_1108 = arith.cmpf oeq, %select_n3A_1097, %eq3A_1107 : vector<512x512xf32>
    %jit3A_1109 = arith.constant 512 : i32
    %broadcast_in_dim3A_1110 = vector.broadcast %jit3A_1109 : i32 to vector<512x512xi32>
    %select_n3A_1111 = arith.select %eq3A_1108, %iota3A, %broadcast_in_dim3A_1110 : vector<512x512xi1>, vector<512x512xi32>
    %reduce_min3A_1112 = arith.constant dense<2147483647> : vector<512xi32>
    %reduce_min3A_1113 = vector.multi_reduction <minsi>, %select_n3A_1111, %reduce_min3A_1112 [1] : vector<512x512xi32> to vector<512xi32>
    %broadcast_in_dim3A_1114 = vector.shape_cast %reduce_min3A_1113 : vector<512xi32> to vector<512x1xi32>
    %swap3A_1115 = arith.constant 0 : index
    %swap3A_1116 = arith.constant 0 : index
    %swap3A_1117 = arith.constant 19 : index
    %swap3A_1118 = vector.load %arg11[%swap3A_1115, %swap3A_1116, %swap3A_1117] : memref<1x512x20xi32, #tpu.memory_space<vmem>>, vector<1x512x1xi32>
    %swap3A_1119 = vector.shape_cast %swap3A_1118 : vector<1x512x1xi32> to vector<512x1xi32>
    %swap3A_1120 = vector.shape_cast %broadcast_in_dim3A_1114 : vector<512x1xi32> to vector<1x512x1xi32>
    tpu.vector_store %arg11[%swap3A_1115, %swap3A_1116, %swap3A_1117], %swap3A_1120 {strides = array<i32>} : memref<1x512x20xi32, #tpu.memory_space<vmem>>, vector<1x512x1xi32>,
    %get3A_1121 = arith.constant 0 : index
    %get3A_1122 = arith.constant 0 : index
    %get3A_1123 = vector.load %arg7[%get3A_1121, %get3A_1122] : memref<128x128xf32, #tpu.memory_space<vmem>>, vector<64x128xf32>
    %get3A_1124 = arith.constant 64 : index
    %get3A_1125 = arith.constant 0 : index
    %get3A_1126 = vector.load %arg7[%get3A_1124, %get3A_1125] : memref<128x128xf32, #tpu.memory_space<vmem>>, vector<64x128xf32>
    %sub3A_1127 = arith.subf %get3A_1123, %get3A_1126 : vector<64x128xf32>
    %dot_general3A_1128 = arith.constant dense<0.000000e+00> : vector<512x128xf32>
    %dot_general3A_1129 = tpu.matmul %add3A_672, %sub3A_1127, %dot_general3A_1128 {dimension_numbers = #tpu.dot_dimension_numbers<[1], [0], [0], [1], [0, 0, 1, 1], [], []>, transpose_lhs_hint = false} : vector<512x64xf32>, vector<64x128xf32>, vector<512x128xf32> -> vector<512x128xf32>
    %get3A_1130 = arith.constant 0 : index
    %get3A_1131 = arith.constant 0 : index
    %get3A_1132 = vector.load %arg8[%get3A_1130, %get3A_1131] : memref<1x128xf32, #tpu.memory_space<vmem>>, vector<1x128xf32>
    %get3A_1133 = vector.shape_cast %get3A_1132 : vector<1x128xf32> to vector<128xf32>
    %broadcast_in_dim3A_1134 = vector.shape_cast %get3A_1133 : vector<128xf32> to vector<1x128xf32>
    %add3A_1135 = vector.broadcast %broadcast_in_dim3A_1134 : vector<1x128xf32> to vector<512x128xf32>
    %add3A_1136 = arith.addf %dot_general3A_1129, %add3A_1135 : vector<512x128xf32>
    %dot_general3A_1137 = arith.constant dense<0.000000e+00> : vector<512x128xf32>
    %dot_general3A_1138 = tpu.matmul %add3A_672, %get3A_1126, %dot_general3A_1137 {dimension_numbers = #tpu.dot_dimension_numbers<[1], [0], [0], [1], [0, 0, 1, 1], [], []>, transpose_lhs_hint = false} : vector<512x64xf32>, vector<64x128xf32>, vector<512x128xf32> -> vector<512x128xf32>
    %swap3A_1139 = arith.constant 0 : index
    %swap3A_1140 = arith.constant 0 : index
    %swap3A_1141 = arith.constant 0 : index
    %swap3A_1142 = vector.load %arg12[%swap3A_1139, %swap3A_1140, %swap3A_1141] : memref<1x512x128xf32, #tpu.memory_space<vmem>>, vector<1x512x128xf32>
    %swap3A_1143 = vector.shape_cast %swap3A_1142 : vector<1x512x128xf32> to vector<512x128xf32>
    %swap3A_1144 = vector.shape_cast %dot_general3A_1138 : vector<512x128xf32> to vector<1x512x128xf32>
    tpu.vector_store %arg12[%swap3A_1139, %swap3A_1140, %swap3A_1141], %swap3A_1144 {strides = array<i32>} : memref<1x512x128xf32, #tpu.memory_space<vmem>>, vector<1x512x128xf32>,
    %get3A_1145 = arith.constant 0 : index
    %get3A_1146 = arith.constant 0 : index
    %get3A_1147 = vector.load %arg9[%get3A_1145, %get3A_1146] : memref<192x128xf32, #tpu.memory_space<vmem>>, vector<64x128xf32>
    %dot_general3A_1148 = arith.constant dense<0.000000e+00> : vector<512x128xf32>
    %dot_general3A_1149 = tpu.matmul %add3A_672, %get3A_1147, %dot_general3A_1148 {dimension_numbers = #tpu.dot_dimension_numbers<[1], [0], [0], [1], [0, 0, 1, 1], [], []>, transpose_lhs_hint = false} : vector<512x64xf32>, vector<64x128xf32>, vector<512x128xf32> -> vector<512x128xf32>
    %get3A_1150 = arith.constant 64 : index
    %get3A_1151 = arith.constant 0 : index
    %get3A_1152 = vector.load %arg9[%get3A_1150, %get3A_1151] : memref<192x128xf32, #tpu.memory_space<vmem>>, vector<128x128xf32>
    %dot_general3A_1153 = arith.constant dense<0.000000e+00> : vector<512x128xf32>
    %dot_general3A_1154 = tpu.matmul %add3A_1136, %get3A_1152, %dot_general3A_1153 {dimension_numbers = #tpu.dot_dimension_numbers<[1], [0], [0], [1], [0, 0, 1, 1], [], []>, transpose_lhs_hint = false} : vector<512x128xf32>, vector<128x128xf32>, vector<512x128xf32> -> vector<512x128xf32>
    %add3A_1155 = arith.addf %dot_general3A_1149, %dot_general3A_1154 : vector<512x128xf32>
    %get3A_1156 = arith.constant 0 : index
    %get3A_1157 = arith.constant 0 : index
    %get3A_1158 = vector.load %arg10[%get3A_1156, %get3A_1157] : memref<1x128xf32, #tpu.memory_space<vmem>>, vector<1x128xf32>
    %get3A_1159 = vector.shape_cast %get3A_1158 : vector<1x128xf32> to vector<128xf32>
    %broadcast_in_dim3A_1160 = vector.shape_cast %get3A_1159 : vector<128xf32> to vector<1x128xf32>
    %add3A_1161 = vector.broadcast %broadcast_in_dim3A_1160 : vector<1x128xf32> to vector<512x128xf32>
    %add3A_1162 = arith.addf %add3A_1155, %add3A_1161 : vector<512x128xf32>
    %swap3A_1163 = arith.constant 0 : index
    %swap3A_1164 = arith.constant 0 : index
    %swap3A_1165 = arith.constant 0 : index
    %swap3A_1166 = vector.load %arg13[%swap3A_1163, %swap3A_1164, %swap3A_1165] : memref<1x512x128xf32, #tpu.memory_space<vmem>>, vector<1x512x128xf32>
    %swap3A_1167 = vector.shape_cast %swap3A_1166 : vector<1x512x128xf32> to vector<512x128xf32>
    %swap3A_1168 = vector.shape_cast %add3A_1162 : vector<512x128xf32> to vector<1x512x128xf32>
    tpu.vector_store %arg13[%swap3A_1163, %swap3A_1164, %swap3A_1165], %swap3A_1168 {strides = array<i32>} : memref<1x512x128xf32, #tpu.memory_space<vmem>>, vector<1x512x128xf32>,
    return
  }
  func.func @transform_0(%arg0: i32) -> (i32, i32) {
    %c0_i32 = arith.constant 0 : i32
    %c0_i32_0 = arith.constant 0 : i32
    %c0_i32_1 = arith.constant 0 : i32
    return %c0_i32, %c0_i32_0 : i32, i32
  }
  func.func @transform_1(%arg0: i32) -> (i32, i32, i32) {
    %c0_i32 = arith.constant 0 : i32
    %c0_i32_0 = arith.constant 0 : i32
    %c0_i32_1 = arith.constant 0 : i32
    return %arg0, %c0_i32, %c0_i32_0 : i32, i32, i32
  }
  func.func @transform_2(%arg0: i32) -> (i32, i32) {
    %c0_i32 = arith.constant 0 : i32
    %c0_i32_0 = arith.constant 0 : i32
    %c0_i32_1 = arith.constant 0 : i32
    return %c0_i32, %c0_i32_0 : i32, i32
  }
  func.func @transform_3(%arg0: i32) -> (i32, i32) {
    %c0_i32 = arith.constant 0 : i32
    %c0_i32_0 = arith.constant 0 : i32
    %c0_i32_1 = arith.constant 0 : i32
    return %c0_i32, %c0_i32_0 : i32, i32
  }
  func.func @transform_4(%arg0: i32) -> (i32, i32) {
    %c0_i32 = arith.constant 0 : i32
    %c0_i32_0 = arith.constant 0 : i32
    %c0_i32_1 = arith.constant 0 : i32
    return %c0_i32, %c0_i32_0 : i32, i32
  }
  func.func @transform_5(%arg0: i32) -> (i32, i32) {
    %c0_i32 = arith.constant 0 : i32
    %c0_i32_0 = arith.constant 0 : i32
    %c0_i32_1 = arith.constant 0 : i32
    return %c0_i32, %c0_i32_0 : i32, i32
  }
  func.func @transform_6(%arg0: i32) -> (i32, i32) {
    %c0_i32 = arith.constant 0 : i32
    %c0_i32_0 = arith.constant 0 : i32
    %c0_i32_1 = arith.constant 0 : i32
    return %c0_i32, %c0_i32_0 : i32, i32
  }
  func.func @transform_7(%arg0: i32) -> (i32, i32) {
    %c0_i32 = arith.constant 0 : i32
    %c0_i32_0 = arith.constant 0 : i32
    %c0_i32_1 = arith.constant 0 : i32
    return %c0_i32, %c0_i32_0 : i32, i32
  }
  func.func @transform_8(%arg0: i32) -> (i32, i32) {
    %c0_i32 = arith.constant 0 : i32
    %c0_i32_0 = arith.constant 0 : i32
    %c0_i32_1 = arith.constant 0 : i32
    return %c0_i32, %c0_i32_0 : i32, i32
  }
  func.func @transform_9(%arg0: i32) -> (i32, i32) {
    %c0_i32 = arith.constant 0 : i32
    %c0_i32_0 = arith.constant 0 : i32
    %c0_i32_1 = arith.constant 0 : i32
    return %c0_i32, %c0_i32_0 : i32, i32
  }
  func.func @transform_10(%arg0: i32) -> (i32, i32, i32) {
    %c0_i32 = arith.constant 0 : i32
    %c0_i32_0 = arith.constant 0 : i32
    %c0_i32_1 = arith.constant 0 : i32
    return %arg0, %c0_i32, %c0_i32_0 : i32, i32, i32
  }
  func.func @transform_11(%arg0: i32) -> (i32, i32, i32) {
    %c0_i32 = arith.constant 0 : i32
    %c0_i32_0 = arith.constant 0 : i32
    %c0_i32_1 = arith.constant 0 : i32
    return %arg0, %c0_i32, %c0_i32_0 : i32, i32, i32
  }
  func.func @transform_12(%arg0: i32) -> (i32, i32, i32) {
    %c0_i32 = arith.constant 0 : i32
    %c0_i32_0 = arith.constant 0 : i32
    %c0_i32_1 = arith.constant 0 : i32
    return %arg0, %c0_i32, %c0_i32_0 : i32, i32, i32
  }
}

module attributes {stable_mosaic.version = 14 : i64} {
  func.func @_tc_tail_kernel(%arg0: i32, %arg1: memref<1x512x128xf32, #tpu.memory_space<vmem>>, %arg2: memref<1x128x512xf32, #tpu.memory_space<vmem>>, %arg3: memref<192x128xf32, #tpu.memory_space<vmem>>, %arg4: memref<1x1x128xf32, #tpu.memory_space<vmem>>) attributes {dimension_semantics = [#tpu.dimension_semantics<parallel>], iteration_bounds = array<i64: 32>, scalar_prefetch = 0 : i64, scratch_operands = 0 : i64, tpu.core_type = #tpu.core_type<tc>, window_params = [{transform_indices = @transform_0, window_bounds = array<i64: 1, 512, 128>}, {transform_indices = @transform_1, window_bounds = array<i64: 1, 128, 512>}, {pipeline_mode = #tpu.pipeline_mode<synchronous>, transform_indices = @transform_2, window_bounds = array<i64: 192, 128>}, {transform_indices = @transform_3, window_bounds = array<i64: 1, 1, 128>}]} {
    %get3A = arith.constant 0 : index
    %get3A_0 = arith.constant 0 : index
    %get3A_1 = arith.constant 0 : index
    %get3A_2 = vector.load %arg2[%get3A, %get3A_0, %get3A_1] : memref<1x128x512xf32, #tpu.memory_space<vmem>>, vector<1x128x512xf32>
    %get3A_3 = vector.shape_cast %get3A_2 : vector<1x128x512xf32> to vector<128x512xf32>
    %get3A_4 = arith.constant 64 : index
    %get3A_5 = arith.constant 0 : index
    %get3A_6 = vector.load %arg3[%get3A_4, %get3A_5] : memref<192x128xf32, #tpu.memory_space<vmem>>, vector<128x128xf32>
    %dot_general3A = arith.constant dense<0.000000e+00> : vector<512x128xf32>
    %dot_general3A_7 = tpu.matmul %get3A_3, %get3A_6, %dot_general3A {dimension_numbers = #tpu.dot_dimension_numbers<[0], [0], [1], [1], [0, 1, 1, 1], [], []>, transpose_lhs_hint = false} : vector<128x512xf32>, vector<128x128xf32>, vector<512x128xf32> -> vector<512x128xf32>
    %get3A_8 = arith.constant 0 : index
    %get3A_9 = arith.constant 0 : index
    %get3A_10 = arith.constant 0 : index
    %get3A_11 = vector.load %arg1[%get3A_8, %get3A_9, %get3A_10] : memref<1x512x128xf32, #tpu.memory_space<vmem>>, vector<1x512x128xf32>
    %get3A_12 = vector.shape_cast %get3A_11 : vector<1x512x128xf32> to vector<512x128xf32>
    %add3A = arith.addf %get3A_12, %dot_general3A_7 : vector<512x128xf32>
    %reduce_max3A = arith.constant dense<0xFF800000> : vector<128xf32>
    %reduce_max3A_13 = vector.multi_reduction <maximumf>, %add3A, %reduce_max3A [0] : vector<512x128xf32> to vector<128xf32>
    %broadcast_in_dim3A = vector.shape_cast %reduce_max3A_13 : vector<128xf32> to vector<1x128xf32>
    %swap3A = arith.constant 0 : index
    %swap3A_14 = arith.constant 0 : index
    %swap3A_15 = arith.constant 0 : index
    %swap3A_16 = vector.load %arg4[%swap3A, %swap3A_14, %swap3A_15] : memref<1x1x128xf32, #tpu.memory_space<vmem>>, vector<1x1x128xf32>
    %swap3A_17 = vector.shape_cast %swap3A_16 : vector<1x1x128xf32> to vector<1x128xf32>
    %swap3A_18 = vector.shape_cast %broadcast_in_dim3A : vector<1x128xf32> to vector<1x1x128xf32>
    tpu.vector_store %arg4[%swap3A, %swap3A_14, %swap3A_15], %swap3A_18 {strides = array<i32>} : memref<1x1x128xf32, #tpu.memory_space<vmem>>, vector<1x1x128xf32>,
    return
  }
  func.func @transform_0(%arg0: i32) -> (i32, i32, i32) {
    %c0_i32 = arith.constant 0 : i32
    %c0_i32_0 = arith.constant 0 : i32
    %c0_i32_1 = arith.constant 0 : i32
    return %arg0, %c0_i32, %c0_i32_0 : i32, i32, i32
  }
  func.func @transform_1(%arg0: i32) -> (i32, i32, i32) {
    %c0_i32 = arith.constant 0 : i32
    %c0_i32_0 = arith.constant 0 : i32
    %c0_i32_1 = arith.constant 0 : i32
    return %arg0, %c0_i32, %c0_i32_0 : i32, i32, i32
  }
  func.func @transform_2(%arg0: i32) -> (i32, i32) {
    %c0_i32 = arith.constant 0 : i32
    %c0_i32_0 = arith.constant 0 : i32
    %c0_i32_1 = arith.constant 0 : i32
    return %c0_i32, %c0_i32_0 : i32, i32
  }
  func.func @transform_3(%arg0: i32) -> (i32, i32, i32) {
    %c0_i32 = arith.constant 0 : i32
    %c0_i32_0 = arith.constant 0 : i32
    %c0_i32_1 = arith.constant 0 : i32
    return %arg0, %c0_i32, %c0_i32_0 : i32, i32, i32
  }
}

</mosaic_0001>

<sc_bundles>
// kernel: kernel.5.cloned.1.call-start
scs
__scs_entry_jumppad:
0x0: {  	(pc) =	sbr.rel $0x88, $3  }
0x1: {  	(tag) =	ssettag $0x0;
	lr =	simm.s32 $0x1  }
0x2: {  	[smem:$0x3F97] =	sst lr;
	_ =	strace $0xD0000000  }
0x3: {  	_ = 	snop  }
0x4: {  	_ = 	snop  }
0x5: {  	_ = 	snop  }
0x6: {  	_ = 	snop  }
0x7: {  	_ = 	snop  }
__scs_overlays_trampoline_lowered:
0x8: {  	[smem:$0x3FA6] =	sst s0  }
0x9: {  	[smem:$0x3FA7] =	sst s1  }
0xa: {  	[smem:$0x3FA8] =	sst s2  }
0xb: {  	[smem:$0x3FA9] =	sst s3  }
0xc: {  	[smem:$0x3FAA] =	sst s4  }
0xd: {  	[smem:$0x3FAB] =	sst s5  }
0xe: {  	[smem:$0x3FAC] =	sst s6  }
0xf: {  	[smem:$0x3FAD] =	sst s7  }
0x10: {  	[smem:$0x3FAE] =	sst s8  }
0x11: {  	[smem:$0x3FAF] =	sst s9;
	s0 =	simm.s32 @!p0 $0x0  }
0x12: {  	s1 =	sld [smem:$0x3F95];
	s0 =	simm.s32 @p0 $0x1  }
0x13: {  	[smem:$0x3FB0] =	sst s0;
	s0 =	simm.s32 @!p1 $0x0  }
0x14: {  	s2 =	sld [smem:$0x3F94];
	s0 =	simm.s32 @p1 $0x1  }
0x15: {  	[smem:$0x3FB1] =	sst s0;
	s0 =	simm.s32 @!p2 $0x0  }
0x16: {  	s3 =	sld [smem:$0x3FDB];
	s0 =	simm.s32 @p2 $0x1  }
0x17: {  	s4 =	simm.s32 $0x1BF5;
	[smem:$0x3FB3] =	sst s0  }
0x18: {  	s0 =	sld [smem:$0x3F96];
	_ =	swait.ge [sflag:s4], $0x0  }
0x19: {  	s7 =	sld [smem:$0x3F97]  }
0x1a: {  	s8 =	sadd.s32 $0xFFFFE003, lr  }
0x1b: {  	s9 =	sadd.s32 $0xFFFFFEF7, lr;
	s5 =	simm.s32 $0xFFFFFFFF;
	p2 =	slt.u32 s8, $0xFFFFF086  }
0x1c: {  	p1 =	slt.u32 s9, $0xF7A;
	s5 =	simm.s32 @!p2 $0x0  }
0x1d: {  	s5 =	simm.s32 @p1 $0x1;
	p0 =	seq.s32 s7, s2  }
0x1e: {  	s7 =	smul.u32 @!p0 $0xF7A, s2;
	p2 =	seq.s32 @!p0 s5, $0x0  }
0x1f: {  	s9 =	smul.u32 $0xF7A, s1;
	s8 =	simm.s32 @!p0 $0x1BF5;
	p2 =	por !p2, p0  }
0x20: {  	[sflag:s8] =	ssyncset.s32 @!p0 $0xFFFFF086;
	s6 =	sadd.s32 @!p0 s3, s7;
	s7 =	simm.s32 @!p0 $0x108  }
0x21: {  	s3 =	sadd.s32 s3, s9;
	s6 =	sadd.s32 @!p0 $0x88, s6;
	s7 =	simm.s32 @p2 $0x1082  }
0x22: {  	[simem:s7], [sflag:s8] =	dma.local @!p0 [hbm:s6], $0xF7A  }
0x23: {  	s9 =	sor.u32 $0xD0000000, s2;
	s6 =	simm.s32 $0x108;
	_ =	swait.ge @!p0 [sflag:s8], $0x0  }
0x24: {  	s3 =	sadd.s32 $0x88, s3;
	s6 =	simm.s32 @!p1 $0x1082;
	[sflag:s4] =	ssyncset.s32 $0xFFFFF086  }
0x25: {  	[simem:s6], [sflag:s4] =	dma.local [hbm:s3], $0xF7A  }
0x26: {  	[smem:$0x3F97] =	sst s1;
	(tag) =	ssettag s2;
	_ =	strace s9  }
0x27: {  	s1 =	sld [smem:$0x3FA7]  }
0x28: {  	s2 =	sld [smem:$0x3FA8]  }
0x29: {  	s4 =	sld [smem:$0x3FAA]  }
0x2a: {  	p0 =	seq.s32 s5, $0x0;
	s5 =	sld [smem:$0x3FAB]  }
0x2b: {  	s6 =	sld [smem:$0x3FAC]  }
0x2c: {  	s7 =	sld [smem:$0x3FAD]  }
0x2d: {  	s3 =	simm.s32 $0x108;
	s8 =	sld [smem:$0x3FAE]  }
0x2e: {  	s3 =	simm.s32 @!p0 $0x1082;
	s9 =	sld [smem:$0x3FAF]  }
0x2f: {  	lr =	sadd.s32 s0, s3;
	s0 =	sld [smem:$0x3FA6]  }
0x30: {  	s3 =	sld [smem:$0x3FA9]  }
0x31: {  	[smem:$0x3FB2] =	sst s10  }
0x32: {  	s10 =	sld [smem:$0x3FB0];
	_ =	sdelay $0x3  }
0x33: {  	p0 =	seq.s32 s10, $0x1;
	s10 =	sld [smem:$0x3FB2];
	_ =	sdelay $0x3  }
0x34: {  	[smem:$0x3FB2] =	sst s10  }
0x35: {  	s10 =	sld [smem:$0x3FB1];
	_ =	sdelay $0x3  }
0x36: {  	p1 =	seq.s32 s10, $0x1;
	s10 =	sld [smem:$0x3FB2];
	_ =	sdelay $0x3  }
0x37: {  	[smem:$0x3FB2] =	sst s10  }
0x38: {  	s10 =	sld [smem:$0x3FB3]  }
0x39: {  	_ = 	snop;
	(pc) =	sbr.ind lr, $3  }
0x3a: {  	_ = 	snop  }
0x3b: {  	_ = 	snop  }
0x3c: {  	p2 =	seq.s32 s10, $0x1;
	s10 =	sld [smem:$0x3FB2]  }
0x3d: {  	_ =	shalt  }
0x3e: {  	_ =	shalt  }
0x3f: {  	_ =	shalt  }
0x40: {  	_ =	shalt  }
0x41: {  	_ =	shalt  }
0x42: {  	_ =	shalt  }
0x43: {  	_ =	shalt  }
0x44: {  	_ =	shalt  }
0x45: {  	_ =	shalt  }
0x46: {  	_ =	shalt  }
0x47: {  	_ =	shalt  }
0x48: {  	_ =	shalt  }
0x49: {  	_ =	shalt  }
0x4a: {  	_ =	shalt  }
0x4b: {  	_ =	shalt  }
0x4c: {  	_ =	shalt  }
0x4d: {  	_ =	shalt  }
0x4e: {  	_ =	shalt  }
0x4f: {  	_ =	shalt  }
0x50: {  	_ =	shalt  }
0x51: {  	_ =	shalt  }
0x52: {  	_ =	shalt  }
0x53: {  	_ =	shalt  }
0x54: {  	_ =	shalt  }
0x55: {  	_ =	shalt  }
0x56: {  	_ =	shalt  }
0x57: {  	_ =	shalt  }
0x58: {  	_ =	shalt  }
0x59: {  	_ =	shalt  }
0x5a: {  	_ =	shalt  }
0x5b: {  	_ =	shalt  }
0x5c: {  	_ =	shalt  }
0x5d: {  	_ =	shalt  }
0x5e: {  	_ =	shalt  }
0x5f: {  	_ =	shalt  }
0x60: {  	_ =	shalt  }
0x61: {  	_ =	shalt  }
0x62: {  	_ =	shalt  }
0x63: {  	_ =	shalt  }
0x64: {  	_ =	shalt  }
0x65: {  	_ =	shalt  }
0x66: {  	_ =	shalt  }
0x67: {  	_ =	shalt  }
0x68: {  	_ =	shalt  }
0x69: {  	_ =	shalt  }
0x6a: {  	_ =	shalt  }
0x6b: {  	_ =	shalt  }
0x6c: {  	_ =	shalt  }
0x6d: {  	_ =	shalt  }
0x6e: {  	_ =	shalt  }
0x6f: {  	_ =	shalt  }
0x70: {  	_ =	shalt  }
0x71: {  	_ =	shalt  }
0x72: {  	_ =	shalt  }
0x73: {  	_ =	shalt  }
0x74: {  	_ =	shalt  }
0x75: {  	_ =	shalt  }
0x76: {  	_ =	shalt  }
0x77: {  	_ =	shalt  }
0x78: {  	_ =	shalt  }
0x79: {  	_ =	shalt  }
0x7a: {  	_ =	shalt  }
0x7b: {  	_ =	shalt  }
0x7c: {  	_ =	shalt  }
0x7d: {  	_ =	shalt  }
0x7e: {  	_ =	shalt  }
0x7f: {  	_ =	shalt  }
0x80: {  	_ =	shalt  }
0x81: {  	_ =	shalt  }
0x82: {  	_ =	shalt  }
0x83: {  	_ =	shalt  }
0x84: {  	_ =	shalt  }
0x85: {  	_ =	shalt  }
0x86: {  	_ =	shalt  }
0x87: {  	_ =	shalt  }
.Lfunc_end0:
.L_simem_size_0:
called_computation_lowered:
.L_overlay_start_0:
0x88: {  	s2 =	sld [smem:$0x3FD9]  }
0x89: {  	s3 =	sld [smem:$0x3FFE];
	_ =	sdelay $0x1  }
0x8a: {  	s1 =	srdreg.scid  }
0x8b: {  	s0 =	sand.u32 $0x1, s1  }
0x8c: {  	s16 =	sshll.u32 s0, $0xA;
	s2 =	sadd.s32 s3, s2  }
0x8d: {  	s2 =	sadd.s32 s2, s16  }
0x8e: {  	[smem:$0x3FBE] =	sst s2  }
0x8f: {  	_ = 	snop  }
0x90: {  	(tm) =	ssettm $0x1  }
0x91: {  	s17 =	sld [smem:$0x3FFB];
	_ =	sdelay $0x3  }
0x92: {  	_ =	strace s17  }
0x93: {  	s2 =	sld [smem:$0x3FFC];
	_ =	sdelay $0x3  }
0x94: {  	_ =	strace s2  }
0x95: {  	s2 =	sld [smem:$0x3FFD];
	_ =	sdelay $0x3  }
0x96: {  	_ =	strace s2  }
0x97: {  	_ =	strace $0x8FFFFFFF  }
0x98: {  	s18 =	sld [smem:$0x3FDB];
	_ =	sdelay $0x1  }
0x99: {  	s19 =	simm.s32 $_scs_section_size  }
0x9a: {  	s4 =	simm.s32 $_size__tile_overlayer_lowered;
	s5 =	simm.s32 $_tile_overlayer_lowered  }
0x9b: {  	s22 =	simm.s32 $0x1BFF;
	s21 =	sshll.u32 s5, $0x1;
	s2 =	sadd.s32 s19, s18  }
0x9c: {  	s6 =	simm.s32 $0x0;
	s20 =	sshll.u32 s4, $0x1;
	s4 =	sadd.s32 s21, s2  }
0x9d: {  	[timem:s6], [sflag:s22] =	dma.local [hbm:s4], s20  }
0x9e: {  	_ =	swait.ge [sflag:s22], s20  }
0x9f: {  	s3 =	ssub.s32 $0x0, s20;
	[sflag:s22] =	ssyncset.done $0x0  }
0xa0: {  	[sflag:s22] =	ssyncadd.s32 s3;
	_ =	sdelay $0x1  }
0xa1: {  	s23 =	simm.s32 $0x1B8B  }
0xa2: {  	_ =	swait.ge [sflag:s23], $0x1  }
0xa3: {  	[sflag:s23] =	ssyncset.done $0x0  }
0xa4: {  	s25 =	simm.s32 $0x1B8E;
	s24 =	sld [smem:$0x3FFE];
	[sflag:s23] =	ssyncadd.s32 $0xFFFFFFFF  }
0xa5: {  	s26 =	simm.s32 $execute0_lowered;
	[smem:$0x3FD2] =	sst s25  }
0xa6: {  	s4 =	sshll.u32 s26, $0x1;
	_ =	strace $0x80000046;
	[dreg:$0x1] =	wrdreg $0xFFFFFFFF  }
0xa7: {  	s28 =	simm.s32 $_size_execute0_lowered;
	s2 =	sadd.s32 s2, s4;
	[dreg:$0x0] =	wrdreg $0x0  }
0xa8: {  	s4 =	sshll.u32 s28, $0x1;
	[dreg:$0x2] =	wrdreg s2  }
0xa9: {  	[dreg:$0x3] =	wrdreg s4  }
0xaa: {  	[dreg:$0x4] =	wrdreg $0xC0  }
0xab: {  	_ =	task [dreg:s6], $0x5FFFF  }
0xac: {  	[dreg:$0x1] =	wrdreg $0xFFFFFFFF  }
0xad: {  	[dreg:$0x0] =	wrdreg $0x60  }
0xae: {  	[dreg:$0x2] =	wrdreg s24  }
0xaf: {  	[dreg:$0x3] =	wrdreg $0x9  }
0xb0: {  	_ =	task.clear_ibuf [dreg:s6], $0x4FFFF;
	_ =	strace $0x90000046  }
0xb1: {  	s29 =	simm.s32 $0x9;
	_ =	strace $0x80000048  }
0xb2: {  	_ =	swait.ge [sflag:s29], $0x1  }
0xb3: {  	[sflag:s29] =	ssyncadd.s32 $0xFFFFFFFF  }
0xb4: {  	_ =	strace $0x90000048  }
0xb5: {  	_ =	sfence  }
0xb6: {  	s30 =	sld [smem:$0x0];
	_ =	sdelay $0x2  }
0xb7: {  	s31 =	sshll.u32 s1, $0xD;
	s1 =	sshrl.u32 s1, $0x2  }
0xb8: {  	s3 =	sand.u32 $0x4000, s31;
	s1 =	sadd.s32 s1, s30  }
0xb9: {  	s0 =	sor.u32 s3, s0;
	s1 =	sshll.u32 s1, $0x11  }
0xba: {  	s0 =	sor.u32 s1, s0  }
0xbb: {  	s0 =	sadd.s32 $0x8F2B, s0  }
0xbc: {  	[sflag:s0] =	ssyncadd.remote.s32 $0x1  }
0xbd: {  	_ =	sfence.sel $0xFFFF  }
0xbe: {  	[dreg:$0x0] =	wrdreg $0xFFFFFFFF;
	(pc) =	sbr.abs _section_cstart, $3  }
0xbf: {  	[dreg:$0x1] =	wrdreg $0xFFFFFFFF  }
0xc0: {  	_ =	task.clear_ibuf [dreg:s6], $0x2FFFF;
	_ =	strace $0x9FFFFFFF  }
0xc1: {  	(tm) =	ssettm $0x7FFFFFFF  }
tec
execute0_lowered:
.L_overlay_start_1:
0x0: {  	(tag) =	ssettag $0x1  }
0x1: {  	v0 =	vlaneseq.u32  }
0x2: {  	s3 =	rddreg [dreg:$0x0];
	s2 =	simm.s32 $0x0;
	v0 =	vmul.u32 $0x14, v0  }
0x3: {  	[smem:$0x7FF] =	sst s2  }
0x4: {  	s0 =	rddreg [dreg:$0x1];
	_ =	strace $0x80000047;
	v1 =	vor.u32 $0x1, v0;
	[tilespmem:$0x1FFE0] =	vst v0  }
0x5: {  	v47 =	vor.u32 $0x2, v0;
	[tilespmem:$0x1FEC0] =	vst v1  }
0x6: {  	v48 =	vor.u32 $0x3, v0;
	[tilespmem:$0x1FED0] =	vst v47  }
0x7: {  	v49 =	vadd.s32 $0x4, v0;
	[tilespmem:$0x1FEE0] =	vst v48  }
0x8: {  	v50 =	vadd.s32 $0x5, v0;
	[tilespmem:$0x1FEF0] =	vst v49  }
0x9: {  	v51 =	vadd.s32 $0x6, v0;
	[tilespmem:$0x1FF00] =	vst v50  }
0xa: {  	v52 =	vadd.s32 $0x7, v0;
	[tilespmem:$0x1FF10] =	vst v51  }
0xb: {  	v53 =	vadd.s32 $0x8, v0;
	[tilespmem:$0x1FF20] =	vst v52  }
0xc: {  	v54 =	vadd.s32 $0x9, v0;
	[tilespmem:$0x1FF30] =	vst v53  }
0xd: {  	v55 =	vadd.s32 $0xA, v0;
	[tilespmem:$0x1FF40] =	vst v54  }
0xe: {  	s4 =	srdreg.scid;
	s1 =	stileid.u32;
	s9 =	simm.s32 $0x3;
	v56 =	vadd.s32 $0xB, v0;
	[tilespmem:$0x1FF50] =	vst v55  }
0xf: {  	s10 =	simm.s32 $0x10000;
	s11 =	simm.s32 $0x1;
	s12 =	simm.s32 $0x2;
	v57 =	vadd.s32 $0xC, v0;
	[tilespmem:$0x1FF60] =	vst v56  }
0x10: {  	s4 =	sand.u32 $0x1, s4;
	s5 =	sshrl.u32 s1, $0x2;
	s6 =	sshll.u32 s1, $0x8;
	v58 =	vadd.s32 $0xD, v0;
	[tilespmem:$0x1FF70] =	vst v57  }
0x11: {  	s7 =	sshll.u32 s4, $0x7;
	s6 =	sand.u32 $0x300, s6;
	s8 =	smul.u32 $0x14000, s5;
	v59 =	vadd.s32 $0xE, v0;
	[tilespmem:$0x1FF80] =	vst v58  }
0x12: {  	s5 =	sshll.u32 s5, $0x13;
	s4 =	ssub.s32 $0x2, s4;
	s6 =	sor.u32 s7, s6;
	v60 =	vadd.s32 $0xF, v0;
	[tilespmem:$0x1FF90] =	vst v59  }
0x13: {  	s13 =	simm.s32 $0x0;
	s30 =	sshrl.u32 s4, $0x1;
	v61 =	vadd.s32 $0x10, v0;
	s5 =	sor.u32 s5, s6;
	[tilespmem:$0x1FFA0] =	vst v60  }
0x14: {  	v62 =	vadd.s32 $0x11, v0;
	s7 =	sor.u32 s8, s6;
	s31 =	ssub.s32 s4, s30;
	[tilespmem:$0x1FFB0] =	vst v61;
	s5 =	sshrl.u32 s5, $0x3  }
0x15: {  	v63 =	vadd.s32 $0x12, v0;
	s8 =	simm.s32 $0x400;
	[tilespmem:$0x1FFC0] =	vst v62;
	s29 =	sshrl.u32 s7, $0x3;
	s5 =	sadd.s32 s5, s3  }
0x16: {  	v0 =	vadd.s32 $0x13, v0;
	[tilespmem:$0x1FFD0] =	vst v63;
	s7 =	simm.s32 $0x80;
	s6 =	sadd.s32 s29, s3;
	s3 =	sadd.s32 $0x1E00, s5  }
0x17: {  	[tilespmem:$0x1FFF0] =	vst v0;
	s4 =	sadd.s32 $0x81E00, s6;
	s5 =	sadd.s32 $0x8BE00, s5;
	s6 =	smax.u32 s31, $0x1  }
.LBB2_1:
0x18: {  	[tilespmem:s2], [sflag:$0x3] =	stream.strided.gather [hbm4b:s3+s7], $0x10000, s8, s7, $0x38;
	[tilespmem:$0x13800] =	vst v63  }
0x19: {  	_ =	swait.ge [sflag:s9], $0x10000  }
0x1a: {  	[sflag:s9] =	ssyncset.done $0x0  }
0x1b: {  	[sflag:s9] =	ssyncadd.s32 $0xFFFF0000  }
0x1c: {  	[tilespmem:s10], [sflag:$0x3] =	stream.strided.gather [hbm4b:s4+s7], $0x2800, s8, s7, $0x38;
	[tilespmem:$0x13800] =	vst v63  }
0x1d: {  	_ =	swait.ge [sflag:s9], $0x2800  }
0x1e: {  	[sflag:s9] =	ssyncset.done $0x0  }
0x1f: {  	s14 =	simm.s32 $0x0;
	[sflag:s9] =	ssyncadd.s32 $0xFFFFD800  }
.LBB2_2:
0x20: {  	v1 =	vld [tilespmem:$0x1FFE0]  }
0x21: {  	v2 =	vld [tilespmem:$0x1FEC0]  }
0x22: {  	v3 =	vld [tilespmem:$0x1FED0]  }
0x23: {  	v4 =	vld [tilespmem:$0x1FEE0]  }
0x24: {  	v5 =	vld [tilespmem:$0x1FEF0]  }
0x25: {  	v6 =	vld [tilespmem:$0x1FF00]  }
0x26: {  	v7 =	vld [tilespmem:$0x1FF10]  }
0x27: {  	v8 =	vld [tilespmem:$0x1FF20]  }
0x28: {  	v9 =	vld [tilespmem:$0x1FF30]  }
0x29: {  	s15 =	sshll.u32 s14, $0x4;
	v10 =	vld [tilespmem:$0x1FF40]  }
0x2a: {  	v11 =	vld [tilespmem:$0x1FF50];
	v0 =	vmov s15  }
0x2b: {  	v12 =	vld [tilespmem:$0x1FF60];
	v0 =	vmul.u32 $0x14, v0  }
0x2c: {  	v13 =	vld [tilespmem:$0x1FFB0]  }
0x2d: {  	v14 =	vld [tilespmem:$0x1FFC0];
	v0 =	vbroadcast v0, $0x0  }
0x2e: {  	v15 =	vld [tilespmem:$0x1FFD0]  }
0x2f: {  	v16 =	vld [tilespmem:$0x1FFF0];
	v1 =	vadd.s32 v1, v0  }
0x30: {  	v17 =	vld [tilespmem:$0x1FF70];
	v2 =	vadd.s32 v2, v0  }
0x31: {  	v18 =	vld [tilespmem:$0x1FF80];
	v3 =	vadd.s32 v3, v0  }
0x32: {  	v19 =	vld [tilespmem:$0x1FF90];
	v4 =	vadd.s32 v4, v0  }
0x33: {  	v20 =	vld [tilespmem:$0x1FFA0];
	v5 =	vadd.s32 v5, v0  }
0x34: {  	v6 =	vadd.s32 v6, v0;
	v1 =	vld.idx.msk [tilespmem:v1+s10+$0x0], $0xffff  }
0x35: {  	v7 =	vadd.s32 v7, v0;
	v2 =	vld.idx.msk [tilespmem:v2+s10+$0x0], $0xffff  }
0x36: {  	v8 =	vadd.s32 v8, v0;
	v3 =	vld.idx.msk [tilespmem:v3+s10+$0x0], $0xffff  }
0x37: {  	v9 =	vadd.s32 v9, v0;
	v4 =	vld.idx.msk [tilespmem:v4+s10+$0x0], $0xffff  }
0x38: {  	v10 =	vadd.s32 v10, v0;
	v5 =	vld.idx.msk [tilespmem:v5+s10+$0x0], $0xffff  }
0x39: {  	v11 =	vadd.s32 v11, v0;
	v6 =	vld.idx.msk [tilespmem:v6+s10+$0x0], $0xffff  }
0x3a: {  	v14 =	vadd.s32 v14, v0;
	v7 =	vld.idx.msk [tilespmem:v7+s10+$0x0], $0xffff  }
0x3b: {  	v15 =	vadd.s32 v15, v0;
	v8 =	vld.idx.msk [tilespmem:v8+s10+$0x0], $0xffff  }
0x3c: {  	v16 =	vadd.s32 v16, v0;
	v9 =	vld.idx.msk [tilespmem:v9+s10+$0x0], $0xffff  }
0x3d: {  	v13 =	vadd.s32 v13, v0;
	v10 =	vld.idx.msk [tilespmem:v10+s10+$0x0], $0xffff  }
0x3e: {  	v12 =	vadd.s32 v12, v0;
	v11 =	vld.idx.msk [tilespmem:v11+s10+$0x0], $0xffff  }
0x3f: {  	v17 =	vadd.s32 v17, v0;
	v14 =	vld.idx.msk [tilespmem:v14+s10+$0x0], $0xffff  }
0x40: {  	v18 =	vadd.s32 v18, v0;
	v15 =	vld.idx.msk [tilespmem:v15+s10+$0x0], $0xffff  }
0x41: {  	v19 =	vadd.s32 v19, v0;
	v0 =	vadd.s32 v20, v0;
	v16 =	vld.idx.msk [tilespmem:v16+s10+$0x0], $0xffff  }
0x42: {  	v13 =	vld.idx.msk [tilespmem:v13+s10+$0x0], $0xffff  }
0x43: {  	v12 =	vld.idx.msk [tilespmem:v12+s10+$0x0], $0xffff  }
0x44: {  	s16 =	simm.s32 $0x0;
	v17 =	vld.idx.msk [tilespmem:v17+s10+$0x0], $0xffff;
	v41 =	vshll.u32 v14, $0x7  }
0x45: {  	p0 =	slt.u32 s14, $0x2;
	s15 =	sand.u32 $0x1, s14;
	v18 =	vld.idx.msk [tilespmem:v18+s10+$0x0], $0xffff;
	v21 =	vshll.u32 v15, $0x7;
	v15 =	vor.u32 s16, v41  }
0x46: {  	s17 =	sadd.s32 @!p0 $0x1, s15;
	v0 =	vld.idx.msk [tilespmem:v0+s10+$0x0], $0xffff;
	v20 =	vshll.u32 v16, $0x7;
	v16 =	vor.u32 s16, v21  }
0x47: {  	v40 =	vshll.u32 v13, $0x7;
	v13 =	vld.idx.msk [tilespmem:v19+s10+$0x0], $0xffff;
	_ =	swait.ge @!p0 [sflag:s17], $0x800  }
0x48: {  	[sflag:s17] =	ssyncset.done @!p0 $0x0  }
0x49: {  	[sflag:s17] =	ssyncadd.s32 @!p0 $0xFFFFF800  }
0x4a: {  	v55 =	vld.idx.msk [tilespmem:v15+s2+$0x0], $0xffff  }
0x4b: {  	v14 =	vor.u32 s16, v40;
	v15 =	vld.idx.msk [tilespmem:v16+s2+$0x0], $0xffff  }
0x4c: {  	v46 =	vshll.u32 v1, $0x7;
	v1 =	vor.u32 s16, v20;
	_ =	sdelay $0x3  }
0x4d: {  	v14 =	vld.idx.msk [tilespmem:v14+s2+$0x0], $0xffff;
	[tilespmem:$0x1F7D0] =	vst v15  }
0x4e: {  	v42 =	vshll.u32 v2, $0x7;
	v1 =	vld.idx.msk [tilespmem:v1+s2+$0x0], $0xffff  }
0x4f: {  	v45 =	vshll.u32 v3, $0x7;
	v3 =	vor.u32 s16, v42  }
0x50: {  	v44 =	vshll.u32 v4, $0x7;
	v4 =	vor.u32 s16, v45;
	_ =	sdelay $0x2  }
0x51: {  	[tilespmem:$0x1F7E0] =	vst v1  }
0x52: {  	v33 =	vshll.u32 v8, $0x7;
	v8 =	vld.idx.msk [tilespmem:v3+s2+$0x0], $0xffff  }
0x53: {  	v2 =	vor.u32 s16, v46;
	v3 =	vld.idx.msk [tilespmem:v4+s2+$0x0], $0xffff  }
0x54: {  	v43 =	vshll.u32 v5, $0x7;
	v5 =	vor.u32 s16, v44;
	_ =	sdelay $0x3  }
0x55: {  	v29 =	vshll.u32 v7, $0x7;
	v7 =	vld.idx.msk [tilespmem:v2+s2+$0x0], $0xffff;
	[tilespmem:$0x1F7F0] =	vst v3  }
0x56: {  	v4 =	vld.idx.msk [tilespmem:v5+s2+$0x0], $0xffff  }
0x57: {  	v28 =	vshll.u32 v6, $0x7;
	v6 =	vor.u32 s16, v43;
	_ =	sdelay $0x3  }
0x58: {  	[tilespmem:$0x1F800] =	vst v4  }
0x59: {  	v5 =	vld.idx.msk [tilespmem:v6+s2+$0x0], $0xffff  }
0x5a: {  	v1 =	vor.u32 s16, v28;
	_ =	sdelay $0x3  }
0x5b: {  	[tilespmem:$0x1F810] =	vst v5  }
0x5c: {  	v1 =	vld.idx.msk [tilespmem:v1+s2+$0x0], $0xffff  }
0x5d: {  	v2 =	vor.u32 s16, v29;
	_ =	sdelay $0x3  }
0x5e: {  	[tilespmem:$0x1F820] =	vst v1  }
0x5f: {  	v2 =	vld.idx.msk [tilespmem:v2+s2+$0x0], $0xffff  }
0x60: {  	v3 =	vor.u32 s16, v33;
	_ =	sdelay $0x3  }
0x61: {  	[tilespmem:$0x1F830] =	vst v2  }
0x62: {  	v47 =	vshll.u32 v9, $0x7;
	v3 =	vld.idx.msk [tilespmem:v3+s2+$0x0], $0xffff  }
0x63: {  	v4 =	vor.u32 s16, v47;
	_ =	sdelay $0x3  }
0x64: {  	[tilespmem:$0x1F840] =	vst v3  }
0x65: {  	v48 =	vshll.u32 v10, $0x7;
	v4 =	vld.idx.msk [tilespmem:v4+s2+$0x0], $0xffff  }
0x66: {  	v5 =	vor.u32 s16, v48;
	_ =	sdelay $0x3  }
0x67: {  	[tilespmem:$0x1F850] =	vst v4  }
0x68: {  	v53 =	vshll.u32 v11, $0x7;
	v52 =	vshll.u32 v17, $0x7;
	v17 =	vshll.u32 v0, $0x7;
	v0 =	vld.idx.msk [tilespmem:v5+s2+$0x0], $0xffff  }
0x69: {  	v1 =	vor.u32 s16, v53;
	_ =	sdelay $0x3  }
0x6a: {  	[tilespmem:$0x1F860] =	vst v0  }
0x6b: {  	v1 =	vld.idx.msk [tilespmem:v1+s2+$0x0], $0xffff  }
0x6c: {  	v3 =	vor.u32 s16, v52;
	_ =	sdelay $0x3  }
0x6d: {  	v51 =	vshll.u32 v12, $0x7;
	[tilespmem:$0x1F870] =	vst v1  }
0x6e: {  	v50 =	vshll.u32 v18, $0x7;
	v2 =	vor.u32 s16, v51;
	v3 =	vld.idx.msk [tilespmem:v3+s2+$0x0], $0xffff  }
0x6f: {  	v4 =	vor.u32 s16, v50;
	_ =	sdelay $0x3  }
0x70: {  	v12 =	vld.idx.msk [tilespmem:v2+s2+$0x0], $0xffff;
	[tilespmem:$0x1F890] =	vst v3  }
0x71: {  	v49 =	vshll.u32 v13, $0x7;
	v4 =	vld.idx.msk [tilespmem:v4+s2+$0x0], $0xffff  }
0x72: {  	v0 =	vor.u32 s16, v49;
	_ =	sdelay $0x3  }
0x73: {  	[tilespmem:$0x1F8A0] =	vst v4  }
0x74: {  	s18 =	simm.s32 $0x1;
	v0 =	vld.idx.msk [tilespmem:v0+s2+$0x0], $0xffff  }
0x75: {  	v2 =	vor.u32 s18, v40;
	_ =	sdelay $0x3  }
0x76: {  	[tilespmem:$0x1F8B0] =	vst v0  }
0x77: {  	v1 =	vor.u32 s16, v17;
	v2 =	vld.idx.msk [tilespmem:v2+s2+$0x0], $0xffff  }
0x78: {  	v3 =	vor.u32 s18, v41;
	_ =	sdelay $0x3  }
0x79: {  	v10 =	vld.idx.msk [tilespmem:v1+s2+$0x0], $0xffff;
	[tilespmem:$0x1F8D0] =	vst v2  }
0x7a: {  	v3 =	vld.idx.msk [tilespmem:v3+s2+$0x0], $0xffff  }
0x7b: {  	v4 =	vor.u32 s18, v21;
	_ =	sdelay $0x3  }
0x7c: {  	[tilespmem:$0x1F8E0] =	vst v3  }
0x7d: {  	s19 =	simm.s32 $0x2;
	v4 =	vld.idx.msk [tilespmem:v4+s2+$0x0], $0xffff  }
0x7e: {  	v1 =	vor.u32 s19, v40;
	_ =	sdelay $0x3  }
0x7f: {  	[tilespmem:$0x1F8F0] =	vst v4  }
0x80: {  	v0 =	vor.u32 s18, v20;
	v1 =	vld.idx.msk [tilespmem:v1+s2+$0x0], $0xffff  }
0x81: {  	v4 =	vor.u32 s19, v20  }
0x82: {  	v5 =	vor.u32 s18, v46;
	_ =	sdelay $0x2  }
0x83: {  	v11 =	vld.idx.msk [tilespmem:v0+s2+$0x0], $0xffff;
	[tilespmem:$0x1F910] =	vst v1  }
0x84: {  	v2 =	vor.u32 s19, v41;
	v22 =	vld.idx.msk [tilespmem:v4+s2+$0x0], $0xffff  }
0x85: {  	v3 =	vor.u32 s19, v21;
	v4 =	vld.idx.msk [tilespmem:v5+s2+$0x0], $0xffff  }
0x86: {  	v0 =	vor.u32 s18, v42;
	_ =	sdelay $0x2  }
0x87: {  	v13 =	vld.idx.msk [tilespmem:v2+s2+$0x0], $0xffff  }
0x88: {  	v9 =	vld.idx.msk [tilespmem:v3+s2+$0x0], $0xffff;
	[tilespmem:$0x1F950] =	vst v4  }
0x89: {  	v0 =	vld.idx.msk [tilespmem:v0+s2+$0x0], $0xffff  }
0x8a: {  	v1 =	vor.u32 s18, v45;
	_ =	sdelay $0x3  }
0x8b: {  	[tilespmem:$0x1F960] =	vst v0  }
0x8c: {  	v1 =	vld.idx.msk [tilespmem:v1+s2+$0x0], $0xffff  }
0x8d: {  	v2 =	vor.u32 s18, v44;
	_ =	sdelay $0x3  }
0x8e: {  	[tilespmem:$0x1F970] =	vst v1  }
0x8f: {  	v2 =	vld.idx.msk [tilespmem:v2+s2+$0x0], $0xffff  }
0x90: {  	v3 =	vor.u32 s18, v43;
	_ =	sdelay $0x3  }
0x91: {  	[tilespmem:$0x1F980] =	vst v2  }
0x92: {  	v3 =	vld.idx.msk [tilespmem:v3+s2+$0x0], $0xffff  }
0x93: {  	v4 =	vor.u32 s18, v28;
	_ =	sdelay $0x3  }
0x94: {  	[tilespmem:$0x1F9A0] =	vst v3  }
0x95: {  	v4 =	vld.idx.msk [tilespmem:v4+s2+$0x0], $0xffff  }
0x96: {  	v0 =	vor.u32 s18, v29;
	_ =	sdelay $0x3  }
0x97: {  	[tilespmem:$0x1F9B0] =	vst v4  }
0x98: {  	v0 =	vld.idx.msk [tilespmem:v0+s2+$0x0], $0xffff  }
0x99: {  	v1 =	vor.u32 s18, v33;
	_ =	sdelay $0x3  }
0x9a: {  	[tilespmem:$0x1F9C0] =	vst v0  }
0x9b: {  	v1 =	vld.idx.msk [tilespmem:v1+s2+$0x0], $0xffff  }
0x9c: {  	v2 =	vor.u32 s18, v47;
	_ =	sdelay $0x3  }
0x9d: {  	[tilespmem:$0x1F9D0] =	vst v1  }
0x9e: {  	v2 =	vld.idx.msk [tilespmem:v2+s2+$0x0], $0xffff  }
0x9f: {  	v3 =	vor.u32 s18, v48;
	_ =	sdelay $0x3  }
0xa0: {  	[tilespmem:$0x1F9F0] =	vst v2  }
0xa1: {  	v3 =	vld.idx.msk [tilespmem:v3+s2+$0x0], $0xffff  }
0xa2: {  	v4 =	vor.u32 s18, v53;
	_ =	sdelay $0x3  }
0xa3: {  	[tilespmem:$0x1FA00] =	vst v3  }
0xa4: {  	v4 =	vld.idx.msk [tilespmem:v4+s2+$0x0], $0xffff  }
0xa5: {  	v0 =	vor.u32 s18, v51;
	_ =	sdelay $0x3  }
0xa6: {  	[tilespmem:$0x1FA10] =	vst v4  }
0xa7: {  	v0 =	vld.idx.msk [tilespmem:v0+s2+$0x0], $0xffff  }
0xa8: {  	v1 =	vor.u32 s18, v52;
	_ =	sdelay $0x3  }
0xa9: {  	[tilespmem:$0x1FA20] =	vst v0  }
0xaa: {  	v1 =	vld.idx.msk [tilespmem:v1+s2+$0x0], $0xffff  }
0xab: {  	v2 =	vor.u32 s18, v50;
	_ =	sdelay $0x3  }
0xac: {  	[tilespmem:$0x1FA40] =	vst v1  }
0xad: {  	v2 =	vld.idx.msk [tilespmem:v2+s2+$0x0], $0xffff  }
0xae: {  	v3 =	vor.u32 s18, v49;
	_ =	sdelay $0x3  }
0xaf: {  	[tilespmem:$0x1FA50] =	vst v2  }
0xb0: {  	v3 =	vld.idx.msk [tilespmem:v3+s2+$0x0], $0xffff  }
0xb1: {  	v0 =	vor.u32 s19, v46;
	_ =	sdelay $0x3  }
0xb2: {  	[tilespmem:$0x1FA60] =	vst v3  }
0xb3: {  	v4 =	vor.u32 s18, v17;
	v0 =	vld.idx.msk [tilespmem:v0+s2+$0x0], $0xffff  }
0xb4: {  	v1 =	vor.u32 s19, v42;
	_ =	sdelay $0x3  }
0xb5: {  	v16 =	vld.idx.msk [tilespmem:v4+s2+$0x0], $0xffff;
	[tilespmem:$0x1FA80] =	vst v0  }
0xb6: {  	v1 =	vld.idx.msk [tilespmem:v1+s2+$0x0], $0xffff  }
0xb7: {  	v2 =	vor.u32 s19, v45;
	_ =	sdelay $0x3  }
0xb8: {  	[tilespmem:$0x1FA90] =	vst v1  }
0xb9: {  	v2 =	vld.idx.msk [tilespmem:v2+s2+$0x0], $0xffff  }
0xba: {  	v4 =	vor.u32 s19, v43;
	_ =	sdelay $0x3  }
0xbb: {  	[tilespmem:$0x1FAA0] =	vst v2  }
0xbc: {  	v3 =	vor.u32 s19, v44;
	v4 =	vld.idx.msk [tilespmem:v4+s2+$0x0], $0xffff  }
0xbd: {  	v0 =	vor.u32 s19, v28;
	_ =	sdelay $0x3  }
0xbe: {  	v15 =	vld.idx.msk [tilespmem:v3+s2+$0x0], $0xffff;
	[tilespmem:$0x1FAC0] =	vst v4  }
0xbf: {  	v0 =	vld.idx.msk [tilespmem:v0+s2+$0x0], $0xffff  }
0xc0: {  	v1 =	vor.u32 s19, v29;
	_ =	sdelay $0x3  }
0xc1: {  	[tilespmem:$0x1FAD0] =	vst v0  }
0xc2: {  	v1 =	vld.idx.msk [tilespmem:v1+s2+$0x0], $0xffff  }
0xc3: {  	v3 =	vor.u32 s19, v47;
	_ =	sdelay $0x3  }
0xc4: {  	[tilespmem:$0x1FAE0] =	vst v1  }
0xc5: {  	v2 =	vor.u32 s19, v33;
	v3 =	vld.idx.msk [tilespmem:v3+s2+$0x0], $0xffff  }
0xc6: {  	v4 =	vor.u32 s19, v48;
	_ =	sdelay $0x3  }
0xc7: {  	v19 =	vld.idx.msk [tilespmem:v2+s2+$0x0], $0xffff;
	[tilespmem:$0x1FB00] =	vst v3  }
0xc8: {  	v4 =	vld.idx.msk [tilespmem:v4+s2+$0x0], $0xffff  }
0xc9: {  	v1 =	vor.u32 s19, v51;
	_ =	sdelay $0x3  }
0xca: {  	s20 =	simm.s32 $0x3;
	v0 =	vor.u32 s19, v53;
	[tilespmem:$0x1FB10] =	vst v4  }
0xcb: {  	v57 =	vld.idx.msk [tilespmem:v1+s2+$0x0], $0xffff;
	v1 =	vor.u32 s20, v40;
	_ =	sdelay $0x1  }
0xcc: {  	v2 =	vor.u32 s19, v52  }
0xcd: {  	v3 =	vor.u32 s19, v50  }
0xce: {  	v4 =	vor.u32 s19, v49;
	v18 =	vld.idx.msk [tilespmem:v0+s2+$0x0], $0xffff  }
0xcf: {  	v0 =	vor.u32 s19, v17;
	v1 =	vld.idx.msk [tilespmem:v1+s2+$0x0], $0xffff  }
0xd0: {  	v6 =	vor.u32 s20, v41  }
0xd1: {  	v54 =	vld.idx.msk [tilespmem:v2+s2+$0x0], $0xffff  }
0xd2: {  	v27 =	vld.idx.msk [tilespmem:v3+s2+$0x0], $0xffff  }
0xd3: {  	v59 =	vld.idx.msk [tilespmem:v4+s2+$0x0], $0xffff  }
0xd4: {  	v58 =	vld.idx.msk [tilespmem:v0+s2+$0x0], $0xffff;
	[tilespmem:$0x1FB50] =	vst v1  }
0xd5: {  	v2 =	vld.idx.msk [tilespmem:v6+s2+$0x0], $0xffff  }
0xd6: {  	v3 =	vor.u32 s20, v46;
	_ =	sdelay $0x3  }
0xd7: {  	[tilespmem:$0x1FB60] =	vst v2  }
0xd8: {  	v2 =	vld.idx.msk [tilespmem:v3+s2+$0x0], $0xffff  }
0xd9: {  	v4 =	vor.u32 s20, v42;
	_ =	sdelay $0x3  }
0xda: {  	[tilespmem:$0x1FB70] =	vst v2  }
0xdb: {  	v2 =	vld.idx.msk [tilespmem:v4+s2+$0x0], $0xffff  }
0xdc: {  	v0 =	vor.u32 s20, v45;
	_ =	sdelay $0x3  }
0xdd: {  	[tilespmem:$0x1FB80] =	vst v2  }
0xde: {  	v0 =	vld.idx.msk [tilespmem:v0+s2+$0x0], $0xffff  }
0xdf: {  	v6 =	vor.u32 s20, v43;
	_ =	sdelay $0x3  }
0xe0: {  	[tilespmem:$0x1FB90] =	vst v0  }
0xe1: {  	v1 =	vor.u32 s20, v44;
	v2 =	vld.idx.msk [tilespmem:v6+s2+$0x0], $0xffff  }
0xe2: {  	v3 =	vor.u32 s20, v28;
	_ =	sdelay $0x3  }
0xe3: {  	v60 =	vld.idx.msk [tilespmem:v1+s2+$0x0], $0xffff;
	[tilespmem:$0x1FBA0] =	vst v2  }
0xe4: {  	v2 =	vld.idx.msk [tilespmem:v3+s2+$0x0], $0xffff  }
0xe5: {  	v0 =	vor.u32 s20, v33;
	_ =	sdelay $0x1  }
0xe6: {  	v4 =	vor.u32 s20, v29  }
0xe7: {  	v6 =	vor.u32 s20, v48  }
0xe8: {  	v3 =	vor.u32 s20, v53;
	[tilespmem:$0x1FBB0] =	vst v2  }
0xe9: {  	v61 =	vld.idx.msk [tilespmem:v0+s2+$0x0], $0xffff;
	v0 =	vor.u32 s20, v52  }
0xea: {  	v34 =	vor.u32 s20, v21  }
0xeb: {  	v1 =	vor.u32 s20, v47;
	v63 =	vld.idx.msk [tilespmem:v4+s2+$0x0], $0xffff  }
0xec: {  	v31 =	vor.u32 s20, v51;
	v26 =	vld.idx.msk [tilespmem:v6+s2+$0x0], $0xffff  }
0xed: {  	v32 =	vor.u32 s20, v50;
	v30 =	vld.idx.msk [tilespmem:v3+s2+$0x0], $0xffff  }
0xee: {  	v6 =	vor.u32 s20, v49;
	v24 =	vld.idx.msk [tilespmem:v0+s2+$0x0], $0xffff  }
0xef: {  	v3 =	vor.u32 s20, v17;
	v0 =	vld.idx.msk [tilespmem:v34+s2+$0x0], $0xffff  }
0xf0: {  	v35 =	vor.u32 s20, v20;
	v62 =	vld.idx.msk [tilespmem:v1+s2+$0x0], $0xffff  }
0xf1: {  	v31 =	vld.idx.msk [tilespmem:v31+s2+$0x0], $0xffff  }
0xf2: {  	v32 =	vld.idx.msk [tilespmem:v32+s2+$0x0], $0xffff  }
0xf3: {  	v25 =	vld.idx.msk [tilespmem:v6+s2+$0x0], $0xffff  }
0xf4: {  	v23 =	vld.idx.msk [tilespmem:v3+s2+$0x0], $0xffff;
	[tilespmem:$0x1FBC0] =	vst v0  }
0xf5: {  	s21 =	simm.s32 $0x4;
	v0 =	vld.idx.msk [tilespmem:v35+s2+$0x0], $0xffff  }
0xf6: {  	v36 =	vor.u32 s21, v40;
	_ =	sdelay $0x3  }
0xf7: {  	[tilespmem:$0x1FBD0] =	vst v0  }
0xf8: {  	v0 =	vld.idx.msk [tilespmem:v36+s2+$0x0], $0xffff  }
0xf9: {  	v37 =	vor.u32 s21, v41;
	_ =	sdelay $0x3  }
0xfa: {  	[tilespmem:$0x1FC70] =	vst v0  }
0xfb: {  	v0 =	vld.idx.msk [tilespmem:v37+s2+$0x0], $0xffff  }
0xfc: {  	v38 =	vor.u32 s21, v21;
	_ =	sdelay $0x3  }
0xfd: {  	[tilespmem:$0x1FC80] =	vst v0  }
0xfe: {  	v0 =	vld.idx.msk [tilespmem:v38+s2+$0x0], $0xffff  }
0xff: {  	v34 =	vor.u32 s21, v20;
	_ =	sdelay $0x3  }
0x100: {  	[tilespmem:$0x1FC90] =	vst v0  }
0x101: {  	v0 =	vld.idx.msk [tilespmem:v34+s2+$0x0], $0xffff  }
0x102: {  	v56 =	vor.u32 s21, v46;
	_ =	sdelay $0x3  }
0x103: {  	[tilespmem:$0x1FCA0] =	vst v0  }
0x104: {  	v0 =	vld.idx.msk [tilespmem:v56+s2+$0x0], $0xffff  }
0x105: {  	v36 =	vor.u32 s21, v42;
	_ =	sdelay $0x3  }
0x106: {  	[tilespmem:$0x1FCC0] =	vst v0  }
0x107: {  	v0 =	vld.idx.msk [tilespmem:v36+s2+$0x0], $0xffff  }
0x108: {  	v37 =	vor.u32 s21, v45;
	_ =	sdelay $0x3  }
0x109: {  	[tilespmem:$0x1FCD0] =	vst v0  }
0x10a: {  	v0 =	vld.idx.msk [tilespmem:v37+s2+$0x0], $0xffff  }
0x10b: {  	v38 =	vor.u32 s21, v44;
	_ =	sdelay $0x3  }
0x10c: {  	[tilespmem:$0x1FCE0] =	vst v0  }
0x10d: {  	v0 =	vld.idx.msk [tilespmem:v38+s2+$0x0], $0xffff  }
0x10e: {  	v34 =	vor.u32 s21, v43;
	_ =	sdelay $0x3  }
0x10f: {  	[tilespmem:$0x1FCF0] =	vst v0  }
0x110: {  	v0 =	vld.idx.msk [tilespmem:v34+s2+$0x0], $0xffff  }
0x111: {  	v56 =	vor.u32 s21, v28;
	_ =	sdelay $0x3  }
0x112: {  	[tilespmem:$0x1FD10] =	vst v0  }
0x113: {  	v0 =	vld.idx.msk [tilespmem:v56+s2+$0x0], $0xffff  }
0x114: {  	v36 =	vor.u32 s21, v29;
	_ =	sdelay $0x3  }
0x115: {  	[tilespmem:$0x1FD20] =	vst v0  }
0x116: {  	v0 =	vld.idx.msk [tilespmem:v36+s2+$0x0], $0xffff  }
0x117: {  	v37 =	vor.u32 s21, v33;
	_ =	sdelay $0x3  }
0x118: {  	[tilespmem:$0x1FD30] =	vst v0  }
0x119: {  	v0 =	vld.idx.msk [tilespmem:v37+s2+$0x0], $0xffff  }
0x11a: {  	v38 =	vor.u32 s21, v47;
	_ =	sdelay $0x3  }
0x11b: {  	[tilespmem:$0x1FD40] =	vst v0  }
0x11c: {  	v0 =	vld.idx.msk [tilespmem:v38+s2+$0x0], $0xffff  }
0x11d: {  	v34 =	vor.u32 s21, v48;
	_ =	sdelay $0x3  }
0x11e: {  	[tilespmem:$0x1FD60] =	vst v0  }
0x11f: {  	v0 =	vld.idx.msk [tilespmem:v34+s2+$0x0], $0xffff  }
0x120: {  	v56 =	vor.u32 s21, v53;
	_ =	sdelay $0x3  }
0x121: {  	[tilespmem:$0x1FD70] =	vst v0  }
0x122: {  	v0 =	vld.idx.msk [tilespmem:v56+s2+$0x0], $0xffff  }
0x123: {  	v36 =	vor.u32 s21, v51;
	_ =	sdelay $0x3  }
0x124: {  	[tilespmem:$0x1FD80] =	vst v0  }
0x125: {  	v0 =	vld.idx.msk [tilespmem:v36+s2+$0x0], $0xffff  }
0x126: {  	v37 =	vor.u32 s21, v52;
	_ =	sdelay $0x3  }
0x127: {  	[tilespmem:$0x1FD90] =	vst v0  }
0x128: {  	v0 =	vld.idx.msk [tilespmem:v37+s2+$0x0], $0xffff  }
0x129: {  	v38 =	vor.u32 s21, v50;
	_ =	sdelay $0x3  }
0x12a: {  	[tilespmem:$0x1FDB0] =	vst v0  }
0x12b: {  	v0 =	vld.idx.msk [tilespmem:v38+s2+$0x0], $0xffff  }
0x12c: {  	v34 =	vor.u32 s21, v49;
	_ =	sdelay $0x3  }
0x12d: {  	[tilespmem:$0x1FDC0] =	vst v0  }
0x12e: {  	v0 =	vld.idx.msk [tilespmem:v34+s2+$0x0], $0xffff  }
0x12f: {  	v56 =	vor.u32 s21, v17;
	_ =	sdelay $0x3  }
0x130: {  	[tilespmem:$0x1FDD0] =	vst v0  }
0x131: {  	s22 =	simm.s32 $0x5;
	v0 =	vld.idx.msk [tilespmem:v56+s2+$0x0], $0xffff  }
0x132: {  	v36 =	vor.u32 s22, v40;
	_ =	sdelay $0x3  }
0x133: {  	[tilespmem:$0x1FDE0] =	vst v0  }
0x134: {  	v0 =	vld.idx.msk [tilespmem:v36+s2+$0x0], $0xffff  }
0x135: {  	v37 =	vor.u32 s22, v41;
	_ =	sdelay $0x3  }
0x136: {  	[tilespmem:$0x1FDF0] =	vst v0  }
0x137: {  	v0 =	vld.idx.msk [tilespmem:v37+s2+$0x0], $0xffff  }
0x138: {  	v38 =	vor.u32 s22, v21;
	_ =	sdelay $0x2  }
0x139: {  	[tilespmem:$0x1F7B0] =	vst v21  }
0x13a: {  	[tilespmem:$0x1FE00] =	vst v0  }
0x13b: {  	v0 =	vld.idx.msk [tilespmem:v38+s2+$0x0], $0xffff  }
0x13c: {  	v34 =	vor.u32 s22, v20;
	_ =	sdelay $0x2  }
0x13d: {  	[tilespmem:$0x1F7C0] =	vst v20  }
0x13e: {  	[tilespmem:$0x1FE10] =	vst v0  }
0x13f: {  	s23 =	simm.s32 $0x6;
	v0 =	vld.idx.msk [tilespmem:v34+s2+$0x0], $0xffff  }
0x140: {  	v56 =	vor.u32 s23, v40;
	_ =	sdelay $0x3  }
0x141: {  	[tilespmem:$0x1FE20] =	vst v0  }
0x142: {  	v0 =	vld.idx.msk [tilespmem:v56+s2+$0x0], $0xffff;
	_ =	sdelay $0x3  }
0x143: {  	v1 =	vld [tilespmem:$0x1F7E0]  }
0x144: {  	v36 =	vor.u32 s23, v41;
	[tilespmem:$0x1FE30] =	vst v0;
	v0 =	vld [tilespmem:$0x1F7D0];
	_ =	sdelay $0x4  }
0x145: {  	v56 =	vmax.f32 v14, v55;
	v55 =	vmax.f32 v0, v1;
	v0 =	vld.idx.msk [tilespmem:v36+s2+$0x0], $0xffff;
	_ =	sdelay $0x3  }
0x146: {  	v1 =	vld [tilespmem:$0x1F800]  }
0x147: {  	v37 =	vor.u32 s23, v21;
	[tilespmem:$0x1FE40] =	vst v0;
	v0 =	vld [tilespmem:$0x1F7F0];
	_ =	sdelay $0x4  }
0x148: {  	v8 =	vmax.f32 v7, v8;
	v7 =	vmax.f32 v0, v1;
	v0 =	vld.idx.msk [tilespmem:v37+s2+$0x0], $0xffff;
	_ =	sdelay $0x3  }
0x149: {  	v1 =	vld [tilespmem:$0x1F820]  }
0x14a: {  	[tilespmem:$0x1FE50] =	vst v0;
	v0 =	vld [tilespmem:$0x1F810];
	_ =	sdelay $0x4  }
0x14b: {  	v6 =	vmax.f32 v0, v1;
	v0 =	vld [tilespmem:$0x1F830]  }
0x14c: {  	v38 =	vor.u32 s23, v20;
	v1 =	vld [tilespmem:$0x1F840];
	_ =	sdelay $0x4  }
0x14d: {  	v5 =	vmax.f32 v0, v1;
	v0 =	vld.idx.msk [tilespmem:v38+s2+$0x0], $0xffff;
	_ =	sdelay $0x3  }
0x14e: {  	v1 =	vld [tilespmem:$0x1F860]  }
0x14f: {  	[tilespmem:$0x1FE60] =	vst v0;
	v0 =	vld [tilespmem:$0x1F850];
	_ =	sdelay $0x4  }
0x150: {  	v39 =	vor.u32 s22, v46;
	v4 =	vmax.f32 v0, v1;
	v0 =	vld [tilespmem:$0x1F870];
	_ =	sdelay $0x4  }
0x151: {  	v3 =	vmax.f32 v0, v12;
	v0 =	vld.idx.msk [tilespmem:v39+s2+$0x0], $0xffff;
	_ =	sdelay $0x3  }
0x152: {  	v1 =	vld [tilespmem:$0x1F8A0]  }
0x153: {  	[tilespmem:$0x1F880] =	vst v0;
	v0 =	vld [tilespmem:$0x1F890];
	_ =	sdelay $0x4  }
0x154: {  	v1 =	vmax.f32 v0, v1;
	v0 =	vld [tilespmem:$0x1F8B0];
	_ =	sdelay $0x3  }
0x155: {  	v2 =	vor.u32 s22, v42;
	v12 =	vld [tilespmem:$0x1F8E0]  }
0x156: {  	v0 =	vmax.f32 v0, v10;
	v10 =	vld [tilespmem:$0x1F8D0];
	_ =	sdelay $0x3  }
0x157: {  	v2 =	vld.idx.msk [tilespmem:v2+s2+$0x0], $0xffff  }
0x158: {  	v36 =	vor.u32 s22, v45;
	v14 =	vmax.f32 v10, v12;
	v10 =	vld [tilespmem:$0x1F8F0];
	_ =	sdelay $0x3  }
0x159: {  	[tilespmem:$0x1F8C0] =	vst v2  }
0x15a: {  	v12 =	vmax.f32 v10, v11;
	v10 =	vld.idx.msk [tilespmem:v36+s2+$0x0], $0xffff;
	_ =	sdelay $0x4  }
0x15b: {  	v34 =	vor.u32 s22, v44;
	[tilespmem:$0x1F900] =	vst v10;
	v10 =	vld [tilespmem:$0x1F910];
	_ =	sdelay $0x4  }
0x15c: {  	v13 =	vmax.f32 v10, v13;
	v10 =	vmax.f32 v9, v22;
	v9 =	vld.idx.msk [tilespmem:v34+s2+$0x0], $0xffff  }
0x15d: {  	v35 =	vor.u32 s22, v43;
	_ =	sdelay $0x3  }
0x15e: {  	[tilespmem:$0x1F920] =	vst v9  }
0x15f: {  	v9 =	vmax.f32 v6, v5;
	v5 =	vld.idx.msk [tilespmem:v35+s2+$0x0], $0xffff  }
0x160: {  	v39 =	vor.u32 s22, v28;
	_ =	sdelay $0x3  }
0x161: {  	[tilespmem:$0x1F930] =	vst v5  }
0x162: {  	v22 =	vmax.f32 v1, v0;
	v0 =	vld.idx.msk [tilespmem:v39+s2+$0x0], $0xffff;
	_ =	sdelay $0x3  }
0x163: {  	v35 =	vmax.f32 v4, v3;
	v3 =	vld [tilespmem:$0x1F960]  }
0x164: {  	[tilespmem:$0x1F940] =	vst v0;
	v0 =	vld [tilespmem:$0x1F950];
	_ =	sdelay $0x4  }
0x165: {  	v11 =	vmax.f32 v8, v7;
	v8 =	vmax.f32 v0, v3;
	v0 =	vld [tilespmem:$0x1F970]  }
0x166: {  	v2 =	vor.u32 s22, v29;
	v3 =	vld [tilespmem:$0x1F980];
	_ =	sdelay $0x4  }
0x167: {  	v7 =	vmax.f32 v0, v3;
	v0 =	vld.idx.msk [tilespmem:v2+s2+$0x0], $0xffff;
	_ =	sdelay $0x3  }
0x168: {  	v3 =	vld [tilespmem:$0x1F9B0]  }
0x169: {  	[tilespmem:$0x1F990] =	vst v0;
	v0 =	vld [tilespmem:$0x1F9A0];
	_ =	sdelay $0x4  }
0x16a: {  	v38 =	vmax.f32 v0, v3;
	v0 =	vld [tilespmem:$0x1F9C0]  }
0x16b: {  	v36 =	vor.u32 s22, v33;
	v3 =	vld [tilespmem:$0x1F9D0];
	_ =	sdelay $0x4  }
0x16c: {  	v39 =	vmax.f32 v0, v3;
	v0 =	vld.idx.msk [tilespmem:v36+s2+$0x0], $0xffff;
	_ =	sdelay $0x3  }
0x16d: {  	v3 =	vld [tilespmem:$0x1FA00]  }
0x16e: {  	[tilespmem:$0x1F9E0] =	vst v0;
	v0 =	vld [tilespmem:$0x1F9F0];
	_ =	sdelay $0x4  }
0x16f: {  	v5 =	vmax.f32 v0, v3;
	v0 =	vld [tilespmem:$0x1FA10]  }
0x170: {  	v37 =	vor.u32 s22, v47;
	v3 =	vld [tilespmem:$0x1FA20];
	_ =	sdelay $0x4  }
0x171: {  	v4 =	vmax.f32 v0, v3;
	v0 =	vld.idx.msk [tilespmem:v37+s2+$0x0], $0xffff;
	_ =	sdelay $0x3  }
0x172: {  	v3 =	vld [tilespmem:$0x1FA50]  }
0x173: {  	[tilespmem:$0x1FA30] =	vst v0;
	v0 =	vld [tilespmem:$0x1FA40];
	_ =	sdelay $0x4  }
0x174: {  	v3 =	vmax.f32 v0, v3;
	v0 =	vld [tilespmem:$0x1FA60];
	_ =	sdelay $0x2  }
0x175: {  	v6 =	vor.u32 s22, v48  }
0x176: {  	v20 =	vld [tilespmem:$0x1FA90]  }
0x177: {  	v0 =	vmax.f32 v0, v16;
	v16 =	vld [tilespmem:$0x1FA80];
	_ =	sdelay $0x2  }
0x178: {  	v6 =	vld.idx.msk [tilespmem:v6+s2+$0x0], $0xffff  }
0x179: {  	v1 =	vor.u32 s22, v53  }
0x17a: {  	v16 =	vmax.f32 v16, v20;
	v20 =	vld [tilespmem:$0x1FAA0];
	_ =	sdelay $0x2  }
0x17b: {  	v21 =	vld [tilespmem:$0x1FAD0];
	[tilespmem:$0x1FA70] =	vst v6  }
0x17c: {  	v1 =	vld.idx.msk [tilespmem:v1+s2+$0x0], $0xffff  }
0x17d: {  	v15 =	vmax.f32 v20, v15;
	v20 =	vld [tilespmem:$0x1FAC0]  }
0x17e: {  	v2 =	vor.u32 s22, v51;
	_ =	sdelay $0x3  }
0x17f: {  	[tilespmem:$0x1FAB0] =	vst v1;
	v21 =	vmax.f32 v20, v21;
	v20 =	vld [tilespmem:$0x1FAE0]  }
0x180: {  	v2 =	vld.idx.msk [tilespmem:v2+s2+$0x0], $0xffff  }
0x181: {  	v36 =	vor.u32 s22, v52;
	_ =	sdelay $0x1  }
0x182: {  	v34 =	vld [tilespmem:$0x1FB10]  }
0x183: {  	v19 =	vmax.f32 v20, v19;
	v20 =	vld [tilespmem:$0x1FB00]  }
0x184: {  	[tilespmem:$0x1FAF0] =	vst v2  }
0x185: {  	v36 =	vld.idx.msk [tilespmem:v36+s2+$0x0], $0xffff  }
0x186: {  	v37 =	vor.u32 s22, v50;
	_ =	sdelay $0x1  }
0x187: {  	v0 =	vmax.f32 v3, v0;
	v3 =	vld [tilespmem:$0x1FB50];
	v20 =	vmax.f32 v20, v34  }
0x188: {  	v34 =	vmax.f32 v13, v10;
	v13 =	vmax.f32 v11, v9;
	v9 =	vmax.f32 v5, v4;
	v4 =	vld [tilespmem:$0x1FB60]  }
0x189: {  	[tilespmem:$0x1FB20] =	vst v36  }
0x18a: {  	v12 =	vmax.f32 v14, v12;
	v14 =	vld.idx.msk [tilespmem:v37+s2+$0x0], $0xffff  }
0x18b: {  	v1 =	vor.u32 s22, v17  }
0x18c: {  	v10 =	vld [tilespmem:$0x1FB80]  }
0x18d: {  	v5 =	vmax.f32 v3, v4;
	v4 =	vld [tilespmem:$0x1FB70];
	_ =	sdelay $0x1  }
0x18e: {  	[tilespmem:$0x1FB30] =	vst v14  }
0x18f: {  	v6 =	vor.u32 s22, v49;
	v1 =	vld.idx.msk [tilespmem:v1+s2+$0x0], $0xffff;
	_ =	sdelay $0x1  }
0x190: {  	v14 =	vor.u32 s23, v45;
	v4 =	vmax.f32 v4, v10;
	v10 =	vld [tilespmem:$0x1FB90];
	_ =	sdelay $0x1  }
0x191: {  	v18 =	vmax.f32 v18, v57;
	v54 =	vmax.f32 v54, v27;
	v27 =	vld [tilespmem:$0x1FBB0];
	v2 =	vor.u32 s23, v46  }
0x192: {  	v24 =	vmax.f32 v24, v32;
	v23 =	vmax.f32 v25, v23;
	v57 =	vld.idx.msk [tilespmem:v6+s2+$0x0], $0xffff;
	[tilespmem:$0x1FB40] =	vst v1;
	v1 =	vor.u32 s23, v43  }
0x193: {  	v23 =	vmax.f32 v24, v23;
	v24 =	vld [tilespmem:$0x1FBD0];
	v3 =	vor.u32 s23, v29  }
0x194: {  	v10 =	vmax.f32 v10, v60;
	v60 =	vld.idx.msk [tilespmem:v14+s2+$0x0], $0xffff  }
0x195: {  	v6 =	vor.u32 s23, v44;
	v14 =	vld [tilespmem:$0x1FBA0]  }
0x196: {  	v36 =	vor.u32 s23, v42;
	v37 =	vmax.f32 v59, v58;
	v58 =	vld.idx.msk [tilespmem:v2+s2+$0x0], $0xffff  }
0x197: {  	v26 =	vmax.f32 v62, v26;
	v30 =	vmax.f32 v30, v31;
	v2 =	vor.u32 s23, v28;
	v62 =	vld.idx.msk [tilespmem:v1+s2+$0x0], $0xffff  }
0x198: {  	v31 =	vor.u32 s23, v48;
	v26 =	vmax.f32 v26, v30;
	v11 =	vor.u32 s23, v33;
	v1 =	vld.idx.msk [tilespmem:v3+s2+$0x0], $0xffff  }
0x199: {  	v7 =	vmax.f32 v8, v7;
	v8 =	vmax.f32 v38, v39;
	v39 =	vor.u32 s23, v53;
	v3 =	vld [tilespmem:$0x1FBC0]  }
0x19a: {  	v14 =	vmax.f32 v14, v27;
	v27 =	vmax.f32 v63, v61;
	v61 =	vld.idx.msk [tilespmem:v6+s2+$0x0], $0xffff;
	v6 =	vor.u32 s23, v47  }
0x19b: {  	v8 =	vmax.f32 v7, v8;
	v15 =	vmax.f32 v16, v15;
	v0 =	vmax.f32 v9, v0;
	v59 =	vld.idx.msk [tilespmem:v36+s2+$0x0], $0xffff  }
0x19c: {  	v19 =	vmax.f32 v21, v19;
	v9 =	vmax.f32 v54, v37;
	v0 =	vmax.f32 v8, v0;
	v63 =	vld.idx.msk [tilespmem:v2+s2+$0x0], $0xffff  }
0x19d: {  	v8 =	vmax.f32 v15, v19;
	v4 =	vmax.f32 v4, v10;
	v2 =	vld.idx.msk [tilespmem:v11+s2+$0x0], $0xffff;
	v10 =	vmax.f32 v14, v27  }
0x19e: {  	v15 =	vmax.f32 v35, v22;
	v0 =	vmax.f32 v0, v12;
	v10 =	vmax.f32 v4, v10;
	v4 =	vld.idx.msk [tilespmem:v31+s2+$0x0], $0xffff  }
0x19f: {  	v12 =	vmax.f32 v56, v55;
	v24 =	vmax.f32 v3, v24;
	v3 =	vld.idx.msk [tilespmem:v6+s2+$0x0], $0xffff;
	v6 =	vmax.f32 v26, v23  }
0x1a0: {  	v23 =	vmax.f32 v5, v24;
	v5 =	vld.idx.msk [tilespmem:v39+s2+$0x0], $0xffff;
	[tilespmem:$0x1FBE0] =	vst v17;
	v24 =	vor.u32 s23, v17;
	v17 =	vmax.f32 v20, v18  }
0x1a1: {  	v14 =	vor.u32 s23, v51;
	v9 =	vmax.f32 v17, v9;
	v17 =	vmax.f32 v13, v15;
	v13 =	vld [tilespmem:$0x1FC80]  }
0x1a2: {  	v27 =	vmax.f32 v17, v12;
	v12 =	vld [tilespmem:$0x1FC70];
	_ =	sdelay $0x1  }
0x1a3: {  	v11 =	vor.u32 s23, v52  }
0x1a4: {  	v25 =	vor.u32 s23, v50  }
0x1a5: {  	v16 =	vor.u32 s23, v49;
	v10 =	vmax.f32 v10, v6;
	v6 =	vld.idx.msk [tilespmem:v14+s2+$0x0], $0xffff  }
0x1a6: {  	v54 =	vmax.f32 v12, v13;
	v12 =	vld [tilespmem:$0x1FC90]  }
0x1a7: {  	[tilespmem:$0x1FBF0] =	vst v40;
	v13 =	vld [tilespmem:$0x1FCA0]  }
0x1a8: {  	s19 =	simm.s32 $0x7;
	v7 =	vld.idx.msk [tilespmem:v11+s2+$0x0], $0xffff;
	[tilespmem:$0x1FC00] =	vst v41  }
0x1a9: {  	v14 =	vor.u32 s19, v40;
	v20 =	vmax.f32 v10, v23;
	v10 =	vld.idx.msk [tilespmem:v25+s2+$0x0], $0xffff;
	[tilespmem:$0x1FC10] =	vst v46  }
0x1aa: {  	v23 =	vor.u32 s19, v41;
	v11 =	vld.idx.msk [tilespmem:v16+s2+$0x0], $0xffff;
	[tilespmem:$0x1FC20] =	vst v42  }
0x1ab: {  	v25 =	vor.u32 s19, v46;
	v18 =	vld.idx.msk [tilespmem:v24+s2+$0x0], $0xffff  }
0x1ac: {  	v16 =	vor.u32 s19, v42;
	v56 =	vmax.f32 v12, v13;
	v12 =	vld [tilespmem:$0x1FCC0]  }
0x1ad: {  	[tilespmem:$0x1FC30] =	vst v45;
	v13 =	vld [tilespmem:$0x1FCD0]  }
0x1ae: {  	v8 =	vmax.f32 v8, v9;
	v9 =	vld.idx.msk [tilespmem:v14+s2+$0x0], $0xffff;
	[tilespmem:$0x1FC40] =	vst v44  }
0x1af: {  	v15 =	vld.idx.msk [tilespmem:v23+s2+$0x0], $0xffff;
	[tilespmem:$0x1FC50] =	vst v43  }
0x1b0: {  	v19 =	vld.idx.msk [tilespmem:v25+s2+$0x0], $0xffff;
	[tilespmem:$0x1FC60] =	vst v28  }
0x1b1: {  	v17 =	vld.idx.msk [tilespmem:v16+s2+$0x0], $0xffff  }
0x1b2: {  	v24 =	vor.u32 s19, v28;
	v28 =	vor.u32 s19, v29;
	[tilespmem:$0x1FCB0] =	vst v29;
	v29 =	vmax.f32 v12, v13;
	v12 =	vld [tilespmem:$0x1FCE0]  }
0x1b3: {  	v21 =	vor.u32 s19, v45;
	v13 =	vld [tilespmem:$0x1FCF0];
	_ =	sdelay $0x1  }
0x1b4: {  	s24 =	sshll.u32 s15, $0xB;
	s17 =	simm.s32 $0x30  }
0x1b5: {  	s16 =	sadd.s32 $0x12800, s24;
	s20 =	sand.u32 $0x780, s17  }
0x1b6: {  	s20 =	sadd.s32 s20, s16;
	s21 =	sand.u32 $0x70, s17  }
0x1b7: {  	s20 =	sadd.s32 s21, s20;
	v30 =	vmax.f32 v12, v13;
	v12 =	vld.idx.msk [tilespmem:v21+s2+$0x0], $0xffff;
	[tilespmem:$0x1FD00] =	vst v33  }
0x1b8: {  	[tilespmem:s20+$0x0] =	vst v20  }
0x1b9: {  	v13 =	vld [tilespmem:$0x1FD10]  }
0x1ba: {  	v16 =	vld [tilespmem:$0x1FD20];
	_ =	sdelay $0x4  }
0x1bb: {  	v31 =	vmax.f32 v13, v16;
	v13 =	vld [tilespmem:$0x1FD30]  }
0x1bc: {  	v14 =	vor.u32 s19, v44;
	v16 =	vld [tilespmem:$0x1FD40];
	_ =	sdelay $0x1  }
0x1bd: {  	s18 =	simm.s32 $0x10  }
0x1be: {  	s22 =	sand.u32 $0x780, s18  }
0x1bf: {  	s18 =	sand.u32 $0x50, s18;
	s25 =	sadd.s32 s22, s16  }
0x1c0: {  	s18 =	sadd.s32 s18, s25;
	v45 =	vmax.f32 v13, v16;
	v13 =	vld.idx.msk [tilespmem:v14+s2+$0x0], $0xffff;
	[tilespmem:$0x1FD50] =	vst v47  }
0x1c1: {  	[tilespmem:s18+$0x0] =	vst v0  }
0x1c2: {  	v0 =	vld [tilespmem:$0x1FD60]  }
0x1c3: {  	v14 =	vld [tilespmem:$0x1FD70];
	_ =	sdelay $0x3  }
0x1c4: {  	v16 =	vld [tilespmem:$0x1FD90]  }
0x1c5: {  	v0 =	vmax.f32 v0, v14;
	v14 =	vld [tilespmem:$0x1FD80];
	_ =	sdelay $0x3  }
0x1c6: {  	v22 =	vor.u32 s19, v43;
	v20 =	vld [tilespmem:$0x1FDC0]  }
0x1c7: {  	v46 =	vor.u32 s19, v47;
	v47 =	vmax.f32 v14, v16;
	v16 =	vld [tilespmem:$0x1FDB0];
	_ =	sdelay $0x3  }
0x1c8: {  	v14 =	vld.idx.msk [tilespmem:v22+s2+$0x0], $0xffff  }
0x1c9: {  	v22 =	vmax.f32 v16, v20;
	v16 =	vld [tilespmem:$0x1FDD0]  }
0x1ca: {  	v20 =	vld [tilespmem:$0x1FDE0];
	_ =	sdelay $0x4  }
0x1cb: {  	v55 =	vmax.f32 v16, v20;
	v16 =	vld [tilespmem:$0x1FDF0]  }
0x1cc: {  	v20 =	vld [tilespmem:$0x1FE00];
	_ =	sdelay $0x3  }
0x1cd: {  	[tilespmem:$0x1FDA0] =	vst v48  }
0x1ce: {  	v23 =	vmax.f32 v16, v20;
	v16 =	vld.idx.msk [tilespmem:v24+s2+$0x0], $0xffff  }
0x1cf: {  	v20 =	vld [tilespmem:$0x1FE10]  }
0x1d0: {  	v24 =	vld [tilespmem:$0x1FE20];
	_ =	sdelay $0x3  }
0x1d1: {  	v25 =	vld [tilespmem:$0x1FE40]  }
0x1d2: {  	v24 =	vmax.f32 v20, v24;
	v20 =	vld [tilespmem:$0x1FE30];
	_ =	sdelay $0x2  }
0x1d3: {  	v21 =	vor.u32 s19, v33  }
0x1d4: {  	v26 =	vld [tilespmem:$0x1FE60]  }
0x1d5: {  	s26 =	simm.s32 $0x20;
	v25 =	vmax.f32 v20, v25;
	v20 =	vld [tilespmem:$0x1FE50]  }
0x1d6: {  	s29 =	sand.u32 $0x780, s26  }
0x1d7: {  	s21 =	sadd.s32 s29, s16;
	s18 =	sand.u32 $0x60, s26  }
0x1d8: {  	s28 =	simm.s32 $0x0;
	v8 =	vmax.f32 v8, v34;
	s18 =	sadd.s32 s18, s21;
	v48 =	vor.u32 s19, v48;
	v21 =	vld.idx.msk [tilespmem:v21+s2+$0x0], $0xffff  }
0x1d9: {  	s30 =	sand.u32 $0x780, s28;
	[tilespmem:s18+$0x0] =	vst v8;
	v8 =	vmax.f32 v22, v55;
	v22 =	vld.idx.msk [tilespmem:v46+s2+$0x0], $0xffff  }
0x1da: {  	s22 =	sadd.s32 s30, s16;
	s20 =	sand.u32 $0x40, s28;
	v26 =	vmax.f32 v20, v26;
	v20 =	vld.idx.msk [tilespmem:v28+s2+$0x0], $0xffff;
	[tilespmem:$0x1FE70] =	vst v53  }
0x1db: {  	s31 =	sadd.s32 s20, s22;
	[tilespmem:$0x1FE80] =	vst v51  }
0x1dc: {  	[tilespmem:s31+$0x0] =	vst v27  }
0x1dd: {  	v32 =	vor.u32 s19, v51;
	v34 =	vor.u32 s19, v53;
	v27 =	vld.idx.msk [tilespmem:v48+s2+$0x0], $0xffff;
	[tilespmem:$0x1FE90] =	vst v52  }
0x1de: {  	v33 =	vor.u32 s19, v52;
	v0 =	vmax.f32 v0, v47;
	v28 =	vmax.f32 v29, v30;
	[tilespmem:$0x1FEA0] =	vst v50  }
0x1df: {  	s18 =	simm.s32 $0x8;
	v29 =	vmax.f32 v31, v45;
	v31 =	vor.u32 s19, v50;
	v30 =	vor.u32 s19, v49;
	[tilespmem:$0x1FEB0] =	vst v49  }
.LBB2_3:
0x1e0: {  	v35 =	vld [tilespmem:$0x1F880]  }
0x1e1: {  	v36 =	vld [tilespmem:$0x1F8C0]  }
0x1e2: {  	v50 =	vld [tilespmem:$0x1F900]  }
0x1e3: {  	v37 =	vld [tilespmem:$0x1F920]  }
0x1e4: {  	v34 =	vld.idx.msk [tilespmem:v34+s2+$0x0], $0xffff  }
0x1e5: {  	v55 =	vld [tilespmem:$0x1FBE0]  }
0x1e6: {  	v38 =	vld [tilespmem:$0x1F930]  }
0x1e7: {  	v39 =	vld [tilespmem:$0x1F940]  }
0x1e8: {  	v51 =	vld [tilespmem:$0x1F990]  }
0x1e9: {  	v40 =	vld [tilespmem:$0x1F9E0]  }
0x1ea: {  	v32 =	vld.idx.msk [tilespmem:v32+s2+$0x0], $0xffff  }
0x1eb: {  	v41 =	vld [tilespmem:$0x1FA30]  }
0x1ec: {  	v42 =	vld [tilespmem:$0x1FA70]  }
0x1ed: {  	v52 =	vld [tilespmem:$0x1FAB0]  }
0x1ee: {  	v43 =	vld [tilespmem:$0x1FAF0]  }
0x1ef: {  	v33 =	vld.idx.msk [tilespmem:v33+s2+$0x0], $0xffff  }
0x1f0: {  	v49 =	vld [tilespmem:$0x1F7C0];
	v46 =	vmax.f32 v58, v59;
	v47 =	vmax.f32 v60, v61  }
0x1f1: {  	v44 =	vld [tilespmem:$0x1FB20];
	v1 =	vmax.f32 v1, v2;
	v3 =	vmax.f32 v3, v4;
	v12 =	vmax.f32 v12, v13  }
0x1f2: {  	v0 =	vmax.f32 v0, v8;
	v35 =	vmax.f32 v35, v36;
	v36 =	vmax.f32 v50, v37;
	v50 =	vld [tilespmem:$0x1F7B0]  }
0x1f3: {  	v45 =	vld [tilespmem:$0x1FB30];
	v4 =	vmax.f32 v5, v6;
	v5 =	vmax.f32 v7, v10;
	v37 =	vor.u32 s19, v55  }
0x1f4: {  	v48 =	vld [tilespmem:$0x1FB40];
	v7 =	vmax.f32 v23, v24;
	v10 =	vmax.f32 v11, v18;
	v11 =	vmax.f32 v25, v26  }
0x1f5: {  	v31 =	vld.idx.msk [tilespmem:v31+s2+$0x0], $0xffff;
	v23 =	vmax.f32 v28, v29;
	v9 =	vmax.f32 v9, v15;
	v15 =	vmax.f32 v19, v17  }
0x1f6: {  	v13 =	vmax.f32 v14, v16;
	v14 =	vmax.f32 v20, v21;
	v53 =	vor.u32 s19, v49  }
0x1f7: {  	v2 =	vld.idx.msk [tilespmem:v30+s2+$0x0], $0xffff;
	v38 =	vmax.f32 v38, v39;
	v39 =	vmax.f32 v51, v40;
	v40 =	vor.u32 s19, v50  }
0x1f8: {  	v16 =	vmax.f32 v22, v27;
	v41 =	vmax.f32 v41, v42;
	v42 =	vmax.f32 v52, v43;
	v6 =	vld.idx.msk [tilespmem:v37+s2+$0x0], $0xffff  }
0x1f9: {  	v8 =	vld [tilespmem:$0x1FDA0];
	v44 =	vmax.f32 v44, v45;
	v45 =	vmax.f32 v57, v48;
	v48 =	vmax.f32 v62, v63  }
0x1fa: {  	v17 =	vmax.f32 v34, v32;
	v19 =	vmax.f32 v33, v31;
	v3 =	vmax.f32 v3, v4;
	v43 =	vld [tilespmem:$0x1FC30]  }
0x1fb: {  	v5 =	vmax.f32 v5, v10;
	v0 =	vmax.f32 v23, v0;
	v24 =	vmax.f32 v35, v36;
	v26 =	vld.idx.msk [tilespmem:v53+s2+$0x0], $0xffff  }
0x1fc: {  	v25 =	vmax.f32 v38, v39;
	v28 =	vmax.f32 v41, v42;
	v29 =	vmax.f32 v44, v45;
	v18 =	vld.idx.msk [tilespmem:v40+s2+$0x0], $0xffff  }
0x1fd: {  	s17 =	sadd.s32 $0x40, s17;
	v2 =	vmax.f32 v2, v6;
	v6 =	vmax.f32 v15, v12;
	v12 =	vmax.f32 v13, v14;
	v40 =	vld [tilespmem:$0x1FC00]  }
0x1fe: {  	s22 =	sadd.s32 $0xFFFFFFF0, s17;
	v51 =	vld [tilespmem:$0x1FE70];
	v1 =	vmax.f32 v48, v1;
	v6 =	vmax.f32 v6, v12;
	v12 =	vmax.f32 v46, v47  }
0x1ff: {  	s29 =	sadd.s32 $0xFFFFFFD0, s17;
	s26 =	sand.u32 $0x780, s22;
	v52 =	vld [tilespmem:$0x1FE80];
	v3 =	vmax.f32 v3, v5;
	v4 =	vmax.f32 v24, v25;
	v1 =	vmax.f32 v12, v1  }
0x200: {  	s21 =	sand.u32 $0x780, s17;
	s22 =	sand.u32 $0x60, s22;
	s28 =	sadd.s32 s26, s16;
	v57 =	vld [tilespmem:$0x1FEB0];
	v13 =	vmax.f32 v16, v17;
	v2 =	vmax.f32 v19, v2;
	v1 =	vmax.f32 v1, v3  }
0x201: {  	s24 =	sand.u32 $0x780, s29;
	s19 =	sand.u32 $0x40, s29;
	s29 =	sadd.s32 s22, s28;
	v19 =	vld [tilespmem:$0x1FBF0];
	v2 =	vmax.f32 v13, v2;
	v1 =	vmax.f32 v1, v11;
	v14 =	vmax.f32 v18, v26  }
0x202: {  	s20 =	sadd.s32 $0xFFFFFFE0, s17;
	s23 =	sand.u32 $0x70, s17;
	s21 =	sadd.s32 s21, s16;
	v41 =	vld [tilespmem:$0x1FC10];
	v2 =	vmax.f32 v6, v2;
	[tilespmem:s29+$0x0] =	vst v1;
	v1 =	vor.u32 s18, v40;
	v9 =	vmax.f32 v9, v14  }
0x203: {  	s25 =	sand.u32 $0x780, s20;
	s21 =	sadd.s32 s23, s21;
	s30 =	sadd.s32 s24, s16;
	v44 =	vld [tilespmem:$0x1FC40];
	v6 =	vmax.f32 v28, v29;
	v3 =	vmax.f32 v54, v56;
	v2 =	vmax.f32 v2, v9  }
0x204: {  	s20 =	sand.u32 $0x50, s20;
	s31 =	sadd.s32 s25, s16;
	v45 =	vld [tilespmem:$0x1FC50];
	s19 =	sadd.s32 s19, s30;
	v0 =	vmax.f32 v0, v3;
	[tilespmem:s21+$0x0] =	vst v2;
	v2 =	vmax.f32 v4, v6  }
0x205: {  	s20 =	sadd.s32 s20, s31;
	v48 =	vld [tilespmem:$0x1FD00];
	[tilespmem:s19+$0x0] =	vst v0;
	v2 =	vmax.f32 v2, v7  }
0x206: {  	v36 =	vld [tilespmem:$0x1FD50];
	[tilespmem:s20+$0x0] =	vst v2;
	v2 =	vor.u32 s18, v19  }
0x207: {  	v3 =	vor.u32 s18, v49;
	v1 =	vld.idx.msk [tilespmem:v1+s2+$0x0], $0xffff  }
0x208: {  	v53 =	vld [tilespmem:$0x1FEA0];
	v0 =	vor.u32 s18, v50  }
0x209: {  	v46 =	vld [tilespmem:$0x1FC60];
	v4 =	vor.u32 s18, v41  }
0x20a: {  	v47 =	vld [tilespmem:$0x1FCB0]  }
0x20b: {  	v56 =	vld.idx.msk [tilespmem:v2+s2+$0x0], $0xffff;
	v2 =	vor.u32 s18, v43  }
0x20c: {  	v14 =	vld.idx.msk [tilespmem:v3+s2+$0x0], $0xffff;
	[tilespmem:$0x1F790] =	vst v1;
	v1 =	vor.u32 s18, v44  }
0x20d: {  	v17 =	vld.idx.msk [tilespmem:v0+s2+$0x0], $0xffff;
	v0 =	vor.u32 s18, v45  }
0x20e: {  	v3 =	vld.idx.msk [tilespmem:v4+s2+$0x0], $0xffff  }
0x20f: {  	v54 =	vld [tilespmem:$0x1FE90];
	v4 =	vor.u32 s18, v47  }
0x210: {  	v12 =	vld.idx.msk [tilespmem:v2+s2+$0x0], $0xffff;
	v2 =	vor.u32 s18, v48  }
0x211: {  	v22 =	vld.idx.msk [tilespmem:v1+s2+$0x0], $0xffff;
	v1 =	vor.u32 s18, v36  }
0x212: {  	v13 =	vld.idx.msk [tilespmem:v0+s2+$0x0], $0xffff;
	v0 =	vor.u32 s18, v8  }
0x213: {  	v42 =	vld [tilespmem:$0x1FC20];
	[tilespmem:$0x1F7A0] =	vst v3;
	v3 =	vor.u32 s18, v46  }
0x214: {  	v24 =	vld.idx.msk [tilespmem:v4+s2+$0x0], $0xffff;
	v4 =	vor.u32 s18, v52  }
0x215: {  	v26 =	vld.idx.msk [tilespmem:v2+s2+$0x0], $0xffff;
	v2 =	vor.u32 s18, v54  }
0x216: {  	v25 =	vld.idx.msk [tilespmem:v1+s2+$0x0], $0xffff;
	v1 =	vor.u32 s18, v53  }
0x217: {  	v27 =	vld.idx.msk [tilespmem:v0+s2+$0x0], $0xffff;
	v0 =	vor.u32 s18, v57  }
0x218: {  	s30 =	sadd.s32 $0x1, s18;
	v23 =	vld.idx.msk [tilespmem:v3+s2+$0x0], $0xffff;
	v3 =	vor.u32 s18, v51  }
0x219: {  	v30 =	vld.idx.msk [tilespmem:v4+s2+$0x0], $0xffff;
	v4 =	vor.u32 s30, v19  }
0x21a: {  	v29 =	vld.idx.msk [tilespmem:v2+s2+$0x0], $0xffff;
	v2 =	vor.u32 s30, v40  }
0x21b: {  	v31 =	vld.idx.msk [tilespmem:v1+s2+$0x0], $0xffff;
	v1 =	vor.u32 s30, v50  }
0x21c: {  	v5 =	vor.u32 s18, v42;
	v32 =	vld.idx.msk [tilespmem:v0+s2+$0x0], $0xffff  }
0x21d: {  	v28 =	vld.idx.msk [tilespmem:v3+s2+$0x0], $0xffff;
	v3 =	vor.u32 s18, v55  }
0x21e: {  	s31 =	sadd.s32 $0x2, s18;
	v0 =	vor.u32 s30, v49;
	v33 =	vld.idx.msk [tilespmem:v4+s2+$0x0], $0xffff  }
0x21f: {  	v4 =	vor.u32 s31, v40;
	v20 =	vld.idx.msk [tilespmem:v2+s2+$0x0], $0xffff  }
0x220: {  	v2 =	vor.u32 s31, v50;
	v50 =	vld.idx.msk [tilespmem:v1+s2+$0x0], $0xffff;
	v1 =	vor.u32 s31, v49  }
0x221: {  	v16 =	vld.idx.msk [tilespmem:v5+s2+$0x0], $0xffff;
	v5 =	vor.u32 s30, v41  }
0x222: {  	v34 =	vld.idx.msk [tilespmem:v3+s2+$0x0], $0xffff;
	v3 =	vor.u32 s31, v19  }
0x223: {  	v38 =	vld.idx.msk [tilespmem:v0+s2+$0x0], $0xffff  }
0x224: {  	v39 =	vld.idx.msk [tilespmem:v4+s2+$0x0], $0xffff;
	v4 =	vor.u32 s30, v44  }
0x225: {  	v0 =	vld.idx.msk [tilespmem:v1+s2+$0x0], $0xffff  }
0x226: {  	v6 =	vor.u32 s30, v42;
	v1 =	vld.idx.msk [tilespmem:v5+s2+$0x0], $0xffff  }
0x227: {  	v37 =	vld.idx.msk [tilespmem:v3+s2+$0x0], $0xffff;
	v3 =	vor.u32 s30, v43;
	_ =	sdelay $0x1  }
0x228: {  	v4 =	vld.idx.msk [tilespmem:v4+s2+$0x0], $0xffff;
	_ =	sdelay $0x1  }
0x229: {  	v5 =	vld.idx.msk [tilespmem:v6+s2+$0x0], $0xffff;
	[tilespmem:$0x1F880] =	vst v1;
	v1 =	vor.u32 s30, v46  }
0x22a: {  	v3 =	vld.idx.msk [tilespmem:v3+s2+$0x0], $0xffff  }
0x22b: {  	v21 =	vld.idx.msk [tilespmem:v2+s2+$0x0], $0xffff;
	v2 =	vor.u32 s30, v45  }
0x22c: {  	[tilespmem:$0x1F920] =	vst v4;
	v4 =	vor.u32 s30, v36;
	_ =	sdelay $0x1  }
0x22d: {  	[tilespmem:$0x1F8C0] =	vst v5;
	v5 =	vor.u32 s30, v47;
	v1 =	vld.idx.msk [tilespmem:v1+s2+$0x0], $0xffff  }
0x22e: {  	[tilespmem:$0x1F900] =	vst v3;
	v3 =	vor.u32 s30, v48  }
0x22f: {  	v2 =	vld.idx.msk [tilespmem:v2+s2+$0x0], $0xffff  }
0x230: {  	v4 =	vld.idx.msk [tilespmem:v4+s2+$0x0], $0xffff;
	_ =	sdelay $0x1  }
0x231: {  	v5 =	vld.idx.msk [tilespmem:v5+s2+$0x0], $0xffff;
	[tilespmem:$0x1F940] =	vst v1;
	v1 =	vor.u32 s30, v51  }
0x232: {  	v3 =	vld.idx.msk [tilespmem:v3+s2+$0x0], $0xffff  }
0x233: {  	[tilespmem:$0x1F930] =	vst v2;
	v2 =	vor.u32 s30, v8  }
0x234: {  	[tilespmem:$0x1FA30] =	vst v4;
	v4 =	vor.u32 s30, v53;
	_ =	sdelay $0x1  }
0x235: {  	[tilespmem:$0x1F990] =	vst v5;
	v5 =	vor.u32 s30, v52;
	v1 =	vld.idx.msk [tilespmem:v1+s2+$0x0], $0xffff  }
0x236: {  	[tilespmem:$0x1F9E0] =	vst v3;
	v3 =	vor.u32 s30, v54  }
0x237: {  	v2 =	vld.idx.msk [tilespmem:v2+s2+$0x0], $0xffff  }
0x238: {  	v4 =	vld.idx.msk [tilespmem:v4+s2+$0x0], $0xffff;
	_ =	sdelay $0x1  }
0x239: {  	v5 =	vld.idx.msk [tilespmem:v5+s2+$0x0], $0xffff;
	[tilespmem:$0x1FAB0] =	vst v1;
	v1 =	vor.u32 s30, v55  }
0x23a: {  	v3 =	vld.idx.msk [tilespmem:v3+s2+$0x0], $0xffff  }
0x23b: {  	[tilespmem:$0x1FA70] =	vst v2;
	v2 =	vor.u32 s30, v57  }
0x23c: {  	[tilespmem:$0x1FB30] =	vst v4;
	v4 =	vor.u32 s31, v43;
	_ =	sdelay $0x1  }
0x23d: {  	[tilespmem:$0x1FAF0] =	vst v5;
	v5 =	vor.u32 s31, v41;
	v1 =	vld.idx.msk [tilespmem:v1+s2+$0x0], $0xffff  }
0x23e: {  	[tilespmem:$0x1FB20] =	vst v3;
	v3 =	vor.u32 s31, v42  }
0x23f: {  	v35 =	vld.idx.msk [tilespmem:v2+s2+$0x0], $0xffff;
	v2 =	vor.u32 s31, v44  }
0x240: {  	v60 =	vld.idx.msk [tilespmem:v4+s2+$0x0], $0xffff;
	v4 =	vor.u32 s31, v48  }
0x241: {  	v7 =	vor.u32 s31, v8  }
0x242: {  	v58 =	vld.idx.msk [tilespmem:v5+s2+$0x0], $0xffff;
	[tilespmem:$0x1FB40] =	vst v1;
	v1 =	vor.u32 s31, v45  }
0x243: {  	v59 =	vld.idx.msk [tilespmem:v3+s2+$0x0], $0xffff;
	v3 =	vor.u32 s31, v47  }
0x244: {  	v6 =	vor.u32 s31, v36;
	v61 =	vld.idx.msk [tilespmem:v2+s2+$0x0], $0xffff  }
0x245: {  	v9 =	vor.u32 s31, v52;
	v2 =	vld.idx.msk [tilespmem:v4+s2+$0x0], $0xffff  }
0x246: {  	v10 =	vor.u32 s31, v54;
	v4 =	vld.idx.msk [tilespmem:v7+s2+$0x0], $0xffff  }
0x247: {  	v11 =	vor.u32 s31, v53;
	v62 =	vld.idx.msk [tilespmem:v1+s2+$0x0], $0xffff  }
0x248: {  	v15 =	vor.u32 s31, v57;
	v1 =	vld.idx.msk [tilespmem:v3+s2+$0x0], $0xffff  }
0x249: {  	s19 =	sadd.s32 $0x3, s18;
	v5 =	vor.u32 s31, v46;
	v3 =	vld.idx.msk [tilespmem:v6+s2+$0x0], $0xffff  }
0x24a: {  	v6 =	vld.idx.msk [tilespmem:v9+s2+$0x0], $0xffff;
	v9 =	vor.u32 s19, v19;
	v19 =	vor.u32 s19, v40  }
0x24b: {  	v18 =	vor.u32 s31, v55;
	v55 =	vor.u32 s19, v41;
	v7 =	vld.idx.msk [tilespmem:v10+s2+$0x0], $0xffff  }
0x24c: {  	v10 =	vld.idx.msk [tilespmem:v11+s2+$0x0], $0xffff  }
0x24d: {  	v11 =	vld.idx.msk [tilespmem:v15+s2+$0x0], $0xffff  }
0x24e: {  	v41 =	vor.u32 s19, v43;
	v63 =	vld.idx.msk [tilespmem:v5+s2+$0x0], $0xffff  }
0x24f: {  	v5 =	vor.u32 s31, v51;
	v15 =	vld.idx.msk [tilespmem:v19+s2+$0x0], $0xffff  }
0x250: {  	v19 =	vld.idx.msk [tilespmem:v55+s2+$0x0], $0xffff  }
0x251: {  	v55 =	vld [tilespmem:$0x1F790]  }
0x252: {  	v18 =	vld.idx.msk [tilespmem:v18+s2+$0x0], $0xffff;
	v40 =	vor.u32 s19, v42;
	v42 =	vor.u32 s19, v44  }
0x253: {  	v22 =	vmax.f32 v12, v22;
	v12 =	vld.idx.msk [tilespmem:v41+s2+$0x0], $0xffff  }
0x254: {  	v41 =	vor.u32 s19, v48;
	v5 =	vld.idx.msk [tilespmem:v5+s2+$0x0], $0xffff  }
0x255: {  	v43 =	vor.u32 s19, v8;
	v9 =	vld.idx.msk [tilespmem:v9+s2+$0x0], $0xffff  }
0x256: {  	v49 =	vor.u32 s19, v45;
	v55 =	vmax.f32 v56, v55;
	v56 =	vmax.f32 v17, v14;
	v14 =	vld [tilespmem:$0x1F7A0]  }
0x257: {  	v27 =	vmax.f32 v25, v27;
	v44 =	vor.u32 s19, v46;
	v46 =	vmax.f32 v13, v23;
	v13 =	vld.idx.msk [tilespmem:v42+s2+$0x0], $0xffff  }
0x258: {  	v30 =	vmax.f32 v28, v30;
	v25 =	vmax.f32 v37, v39;
	v17 =	vld.idx.msk [tilespmem:v40+s2+$0x0], $0xffff;
	v40 =	vor.u32 s19, v47  }
0x259: {  	p0 =	slt.u32 s18, $0x7C;
	v42 =	vor.u32 s19, v36;
	v47 =	vmax.f32 v24, v26;
	v26 =	vmax.f32 v21, v0;
	v21 =	vld.idx.msk [tilespmem:v41+s2+$0x0], $0xffff  }
.Ltmp0:
0x25a: {  	v48 =	vmax.f32 v29, v31;
	v31 =	vor.u32 s19, v53;
	v0 =	vmax.f32 v27, v30;
	v27 =	vld.idx.msk [tilespmem:v43+s2+$0x0], $0xffff;
	(pc) =	sbr.rel @p0 .LBB2_3-.Ltmp0, $4  }
0x25b: {  	v23 =	vmax.f32 v33, v20;
	v33 =	vor.u32 s19, v54;
	v45 =	vmax.f32 v14, v16;
	v14 =	vld.idx.msk [tilespmem:v49+s2+$0x0], $0xffff  }
0x25c: {  	v36 =	vmax.f32 v32, v34;
	v34 =	vor.u32 s19, v51;
	v32 =	vor.u32 s19, v52;
	v16 =	vld.idx.msk [tilespmem:v44+s2+$0x0], $0xffff  }
0x25d: {  	v8 =	vmax.f32 v48, v36;
	v24 =	vmax.f32 v50, v38;
	v30 =	vor.u32 s19, v57;
	v20 =	vld.idx.msk [tilespmem:v40+s2+$0x0], $0xffff  }
0x25e: {  	s18 =	sadd.s32 $0x4, s18;
	v57 =	vmovc v35;
	v54 =	vmov v55;
	v29 =	vmax.f32 v46, v47;
	v28 =	vmax.f32 v45, v22;
	v22 =	vld.idx.msk [tilespmem:v42+s2+$0x0], $0xffff  }
0x25f: {  	v35 =	vld [tilespmem:$0x1F880]  }
0x260: {  	v36 =	vld [tilespmem:$0x1F8C0]  }
0x261: {  	v48 =	vld [tilespmem:$0x1F900]  }
0x262: {  	v37 =	vld [tilespmem:$0x1F920]  }
0x263: {  	v49 =	vld [tilespmem:$0x1FBE0]  }
0x264: {  	v34 =	vld.idx.msk [tilespmem:v34+s2+$0x0], $0xffff  }
0x265: {  	v38 =	vld [tilespmem:$0x1F930]  }
0x266: {  	v39 =	vld [tilespmem:$0x1F940]  }
0x267: {  	v50 =	vld [tilespmem:$0x1F990]  }
0x268: {  	v40 =	vld [tilespmem:$0x1F9E0]  }
0x269: {  	v51 =	vld [tilespmem:$0x1F7B0]  }
0x26a: {  	v32 =	vld.idx.msk [tilespmem:v32+s2+$0x0], $0xffff  }
0x26b: {  	v41 =	vld [tilespmem:$0x1FA30]  }
0x26c: {  	v42 =	vld [tilespmem:$0x1FA70]  }
0x26d: {  	v52 =	vld [tilespmem:$0x1FAB0]  }
0x26e: {  	v43 =	vld [tilespmem:$0x1FAF0]  }
0x26f: {  	v53 =	vld [tilespmem:$0x1F7C0]  }
0x270: {  	v44 =	vld [tilespmem:$0x1FB20];
	v46 =	vmax.f32 v58, v59;
	v47 =	vmax.f32 v60, v61;
	v1 =	vmax.f32 v1, v2  }
0x271: {  	v45 =	vld [tilespmem:$0x1FB30];
	v3 =	vmax.f32 v3, v4;
	v60 =	vmax.f32 v5, v6;
	v5 =	vmax.f32 v7, v10  }
0x272: {  	v55 =	vld [tilespmem:$0x1FB40];
	v7 =	vmax.f32 v23, v24;
	v23 =	vmax.f32 v28, v29;
	v9 =	vmax.f32 v9, v15  }
0x273: {  	v33 =	vld.idx.msk [tilespmem:v33+s2+$0x0], $0xffff;
	v35 =	vmax.f32 v35, v36;
	v36 =	vmax.f32 v48, v37;
	v37 =	vor.u32 s19, v49  }
0x274: {  	v31 =	vld.idx.msk [tilespmem:v31+s2+$0x0], $0xffff;
	v38 =	vmax.f32 v38, v39;
	v39 =	vmax.f32 v50, v40;
	v40 =	vor.u32 s19, v51  }
0x275: {  	v41 =	vmax.f32 v41, v42;
	v42 =	vmax.f32 v52, v43;
	v43 =	vor.u32 s19, v53  }
0x276: {  	v12 =	vmax.f32 v12, v13;
	v0 =	vmax.f32 v0, v8;
	v3 =	vmax.f32 v3, v60  }
0x277: {  	v59 =	vld.idx.msk [tilespmem:v30+s2+$0x0], $0xffff;
	v0 =	vmax.f32 v23, v0;
	v44 =	vmax.f32 v44, v45;
	v45 =	vmax.f32 v57, v55  }
0x278: {  	v48 =	vmax.f32 v62, v63;
	v62 =	vmax.f32 v11, v18;
	v49 =	vmax.f32 v20, v21;
	v61 =	vld.idx.msk [tilespmem:v37+s2+$0x0], $0xffff  }
0x279: {  	v50 =	vmax.f32 v22, v27;
	v51 =	vmax.f32 v34, v32;
	v52 =	vmax.f32 v33, v31;
	v63 =	vld.idx.msk [tilespmem:v40+s2+$0x0], $0xffff  }
0x27a: {  	v39 =	vmax.f32 v38, v39;
	v42 =	vmax.f32 v41, v42;
	v5 =	vmax.f32 v5, v62;
	v40 =	vld.idx.msk [tilespmem:v43+s2+$0x0], $0xffff  }
0x27b: {  	v57 =	vmax.f32 v50, v51;
	v1 =	vmax.f32 v48, v1;
	v3 =	vmax.f32 v3, v5  }
0x27c: {  	s17 =	sadd.s32 $0x40, s17;
	s31 =	sshll.u32 s14, $0xB;
	v43 =	vmax.f32 v44, v45;
	v44 =	vmax.f32 v19, v17;
	v45 =	vmax.f32 v14, v16  }
0x27d: {  	s14 =	sadd.s32 $0x1, s14;
	s18 =	sadd.s32 $0xFFFFFFD0, s17;
	s24 =	sadd.s32 $0xFFFFFFE0, s17;
	v37 =	vmax.f32 v35, v36;
	v53 =	vmax.f32 v44, v12;
	v55 =	vmax.f32 v45, v49  }
0x27e: {  	s20 =	sand.u32 $0x780, s17;
	s21 =	sadd.s32 $0xFFFFFFF0, s17;
	s17 =	sand.u32 $0x70, s17;
	v60 =	vmax.f32 v37, v39;
	v6 =	vmax.f32 v53, v55;
	v2 =	vmax.f32 v59, v61  }
0x27f: {  	p0 =	sne.s32 s14, $0x20;
	s20 =	sadd.s32 s20, s16;
	s22 =	sand.u32 $0x780, s18;
	v58 =	vmax.f32 v63, v40;
	v59 =	vmax.f32 v46, v47;
	v61 =	vmax.f32 v42, v43  }
0x280: {  	s23 =	sand.u32 $0x780, s24;
	s18 =	sand.u32 $0x40, s18;
	s30 =	sadd.s32 s22, s16;
	v63 =	vmax.f32 v54, v56;
	v2 =	vmax.f32 v52, v2;
	v9 =	vmax.f32 v9, v58  }
0x281: {  	s25 =	sadd.s32 s23, s16;
	s18 =	sadd.s32 s18, s30;
	s19 =	sand.u32 $0x50, s24;
	v4 =	vmax.f32 v60, v61;
	v0 =	vmax.f32 v0, v63;
	v2 =	vmax.f32 v57, v2  }
.Ltmp1:
0x282: {  	s26 =	sand.u32 $0x780, s21;
	s19 =	sadd.s32 s19, s25;
	v1 =	vmax.f32 v59, v1;
	v62 =	vmax.f32 v4, v7;
	[tilespmem:s18+$0x0] =	vst v0;
	v2 =	vmax.f32 v6, v2;
	(pc) =	sbr.rel @p0 .LBB2_2-.Ltmp1, $4  }
0x283: {  	s29 =	sand.u32 $0x60, s21;
	s17 =	sadd.s32 s17, s20;
	s28 =	sadd.s32 s26, s16;
	v11 =	vmax.f32 v25, v26;
	v1 =	vmax.f32 v1, v3;
	[tilespmem:s19+$0x0] =	vst v62;
	v2 =	vmax.f32 v2, v9  }
0x284: {  	v1 =	vmax.f32 v1, v11;
	[tilespmem:s17+$0x0] =	vst v2;
	s17 =	sadd.s32 s29, s28  }
0x285: {  	s15 =	sadd.s32 $0x1, s15;
	[tilespmem:s17+$0x0] =	vst v1;
	s17 =	sadd.s32 s31, s5  }
0x286: {  	[hbm4b:s17+s7] =	stream.strided.scatter [tilespmem:s16], [sflag:s15], $0x800, s8, s7, $0x38;
	[tilespmem:$0x13800] =	vst v63  }
0x287: {  	s13 =	sadd.s32 $0x1, s13  }
0x288: {  	_ =	swait.ge [sflag:s11], $0x800;
	p0 =	sne.s32 s13, s6  }
.Ltmp2:
0x289: {  	[sflag:s11] =	ssyncset.done $0x0;
	(pc) =	sbr.rel @p0 .LBB2_1-.Ltmp2, $4  }
0x28a: {  	[sflag:s11] =	ssyncadd.s32 $0xFFFFF800  }
0x28b: {  	_ =	swait.ge [sflag:s12], $0x800  }
0x28c: {  	[sflag:s12] =	ssyncset.done $0x0  }
0x28d: {  	[sflag:s12] =	ssyncadd.s32 $0xFFFFF800  }
0x28e: {  	_ =	sfence.sel $0x180000  }
0x28f: {  	[bflag:$0x0] =	sbarrier.arrive $0xFFFF  }
0x290: {  	p0 =	sne.s32 s1, $0x0;
	_ =	strace $0x90000047  }
0x291: {  	s0 =	sadd.s32 @!p0 $0x100000, s0;
	[bflag:$0x2] =	sbarrier.arrive $0xFFFF  }
0x292: {  	[sflag:s0] =	ssyncadd.tile.s32 @!p0 $0x1;
	_ =	shalt  }
.Lfunc_end2:
_tile_overlayer_lowered:
.L_overlay_start_2:
0x293: {  	(tag) =	ssettag $0x2  }
0x294: {  	s0 =	rddreg [dreg:$0x0];
	s2 =	stileid.u32  }
0x295: {  	s1 =	rddreg [dreg:$0x1];
	p0 =	sne.s32 s2, $0x0  }
0x296: {  	s3 =	rddreg [dreg:$0x2];
	[bflag:$0x3] =	sbarrier.arrive $0xFFFF;
	s2 =	simm.s32 @!p0 $0x1C03  }
0x297: {  	[timem:s3], [sflag:s2] =	dma.local @!p0 [hbm:s0], s1  }
0x298: {  	s0 =	simm.s32 @!p0 $0x3  }
0x299: {  	_ =	swait.ge @!p0 [sflag:s0], s1  }
0x29a: {  	s1 =	ssub.s32 @!p0 $0x0, s1;
	[sflag:s0] =	ssyncset.done @!p0 $0x0  }
0x29b: {  	[sflag:s0] =	ssyncadd.s32 @!p0 s1  }
0x29c: {  	[bflag:$0x3] =	sbarrier.arrive $0xFFFF  }
0x29d: {  	_ =	shalt  }

</sc_bundles>
